<compile_context>
chip_gen: v7x
topology: tpu7x:2x2x1
jax: 0.10.2.dev20260603
libtpu: 0.0.44.dev20260713+nightly
codegen_flags: <defaults>
</compile_context>

<pallas_src>
import functools

import jax
import jax.numpy as jnp
from jax import lax
from jax.experimental import pallas as pl
from jax.experimental.pallas import tpu as pltpu
from jax.experimental.pallas import tpu_sc as plsc

N_NODES = 100000
D_MEM = 128
D_EDGE = 16
D_TIME = 16
B_EV = 16384

NC, NS = 2, 16
NW = NC * NS
BPW = B_EV // NW
CH = 128
NCH = BPW // CH

_MESH = plsc.VectorSubcoreMesh(core_axis_name="c", subcore_axis_name="s")


def _wid():
  return lax.axis_index("s") * NC + lax.axis_index("c")


@functools.partial(
    pl.kernel,
    mesh=_MESH,
    out_type=(
        jax.ShapeDtypeStruct((B_EV, D_MEM), jnp.float32),
        jax.ShapeDtypeStruct((B_EV, D_MEM), jnp.float32),
        jax.ShapeDtypeStruct((B_EV,), jnp.float32),
    ),
    scratch_types=[
        pltpu.VMEM((NCH, CH), jnp.int32),
        pltpu.VMEM((NCH, CH), jnp.int32),
        pltpu.VMEM((CH, D_MEM), jnp.float32),
        pltpu.VMEM((CH,), jnp.float32),
        pltpu.SemaphoreType.DMA,
    ],
)
def _sc_gather(mem_hbm, lut_hbm, srcr_hbm, dstr_hbm,
               srcm_out, dstm_out, lut_out,
               sidx, didx, rows, lutv, sem):
  wid = _wid()
  base = wid * BPW
  pltpu.sync_copy(srcr_hbm.at[wid], sidx)
  pltpu.sync_copy(dstr_hbm.at[wid], didx)
  for c in range(NCH):
    off = base + c * CH
    pltpu.async_copy(mem_hbm.at[sidx.at[c]], rows, sem).wait()
    pltpu.sync_copy(rows, srcm_out.at[pl.ds(off, CH)])
    pltpu.async_copy(mem_hbm.at[didx.at[c]], rows, sem).wait()
    pltpu.sync_copy(rows, dstm_out.at[pl.ds(off, CH)])
    pltpu.async_copy(lut_hbm.at[sidx.at[c]], lutv, sem).wait()
    pltpu.sync_copy(lutv, lut_out.at[pl.ds(off, CH)])


@functools.partial(
    pl.kernel,
    mesh=_MESH,
    out_type=(),
    scratch_types=[
        pltpu.VMEM((NCH, CH), jnp.int32),
        pltpu.VMEM((NCH, CH), jnp.int32),
        pltpu.VMEM((CH, D_MEM), jnp.float32),
        pltpu.VMEM((CH,), jnp.float32),
        pltpu.SemaphoreType.DMA,
    ],
)
def _sc_scatter(newm_hbm, ts_hbm, srcr_hbm, winr_hbm, mem_ref, lut_ref,
                sidx, widx, rows, tsv, sem):
  wid = _wid()
  pltpu.sync_copy(srcr_hbm.at[wid], sidx)
  pltpu.sync_copy(winr_hbm.at[wid], widx)
  for c in range(NCH):
    pltpu.async_copy(newm_hbm.at[widx.at[c]], rows, sem).wait()
    pltpu.async_copy(rows, mem_ref.at[sidx.at[c]], sem).wait()
    pltpu.async_copy(ts_hbm.at[widx.at[c]], tsv, sem).wait()
    pltpu.async_copy(tsv, lut_ref.at[sidx.at[c]], sem).wait()


TB = 2048


def _gru_body(dt_ref, s_ref, d_ref, ef_ref, tw_ref, tb_ref,
              wih_ref, whh_ref, bih_ref, bhh_ref, out_ref):
  s = s_ref[...]
  te = jnp.cos(dt_ref[...] * tw_ref[...] + tb_ref[...])
  wih = wih_ref[...]
  f32 = jnp.float32
  gi = (jnp.dot(s, wih[0:128], preferred_element_type=f32)
        + jnp.dot(d_ref[...], wih[128:256], preferred_element_type=f32)
        + jnp.dot(ef_ref[...], wih[256:272], preferred_element_type=f32)
        + jnp.dot(te, wih[272:288], preferred_element_type=f32)
        + bih_ref[...])
  gh = jnp.dot(s, whh_ref[...], preferred_element_type=f32) + bhh_ref[...]
  r = jax.nn.sigmoid(gi[:, 0:128] + gh[:, 0:128])
  z = jax.nn.sigmoid(gi[:, 128:256] + gh[:, 128:256])
  n = jnp.tanh(gi[:, 256:384] + r * gh[:, 256:384])
  out_ref[...] = (1.0 - z) * n + z * s


_gru_call = pl.pallas_call(
    _gru_body,
    grid=(B_EV // TB,),
    in_specs=[
        pl.BlockSpec((TB, 1), lambda i: (i, 0)),
        pl.BlockSpec((TB, D_MEM), lambda i: (i, 0)),
        pl.BlockSpec((TB, D_MEM), lambda i: (i, 0)),
        pl.BlockSpec((TB, D_EDGE), lambda i: (i, 0)),
        pl.BlockSpec((1, D_TIME), lambda i: (0, 0)),
        pl.BlockSpec((1, D_TIME), lambda i: (0, 0)),
        pl.BlockSpec((2 * D_MEM + D_EDGE + D_TIME, 3 * D_MEM), lambda i: (0, 0)),
        pl.BlockSpec((D_MEM, 3 * D_MEM), lambda i: (0, 0)),
        pl.BlockSpec((1, 3 * D_MEM), lambda i: (0, 0)),
        pl.BlockSpec((1, 3 * D_MEM), lambda i: (0, 0)),
    ],
    out_specs=pl.BlockSpec((TB, D_MEM), lambda i: (i, 0)),
    out_shape=jax.ShapeDtypeStruct((B_EV, D_MEM), jnp.float32),
)


def kernel(memory, last_update_t, src, dst, edge_feat, timestamps,
           time_w, time_b, w_ih, w_hh, b_ih, b_hh):
  src_r = src.astype(jnp.int32).reshape(NW, NCH, CH)
  dst_r = dst.astype(jnp.int32).reshape(NW, NCH, CH)

  src_mem, dst_mem, lut_src = _sc_gather(memory, last_update_t, src_r, dst_r)

  dt = (timestamps - lut_src).reshape(B_EV, 1)
  new_mem = _gru_call(dt, src_mem, dst_mem, edge_feat,
                      time_w.reshape(1, D_TIME), time_b.reshape(1, D_TIME),
                      w_ih.T, w_hh.T,
                      b_ih.reshape(1, 3 * D_MEM), b_hh.reshape(1, 3 * D_MEM))

  iota = jnp.arange(B_EV, dtype=jnp.int32)
  win = jnp.zeros((N_NODES,), jnp.int32).at[src].max(iota)[src]
  win_r = win.reshape(NW, NCH, CH)

  mem_ref = jax.new_ref(memory)
  lut_ref = jax.new_ref(last_update_t)
  _sc_scatter(new_mem, timestamps, src_r, win_r, mem_ref, lut_ref)
  return mem_ref[...], lut_ref[...]

# --- scband reference (transcript-rebuilt; emitter-appended) ---
"""Pipeline reference for scband-tgn-47227460387291 (READ-ONLY COPY).

The authoritative reference and input builder live on the scoring server;
editing this copy changes nothing except your own understanding.
"""

import jax, jax.numpy as jnp
import numpy as np

N = 100000        # num_nodes
D_MEM = 128       # memory_dim
D_EDGE = 16       # edge_feat_dim
D_TIME = 16       # temporal_dim
B = 16384         # batch of temporal interaction events
MSG_DIM = 2 * D_MEM + D_EDGE + D_TIME  # 288


def setup_inputs(seed: int = 0) -> dict:
    key = jax.random.key(seed)
    ks = jax.random.split(key, 12)
    memory = jax.random.normal(ks[0], (N, D_MEM), dtype=jnp.float32)
    last_update_t = jax.random.uniform(ks[1], (N,), dtype=jnp.float32) * 1000.0
    src = jax.random.randint(ks[2], (B,), 0, N)
    dst = jax.random.randint(ks[3], (B,), 0, N)
    edge_feat = jax.random.normal(ks[4], (B, D_EDGE), dtype=jnp.float32)
    timestamps = jax.random.uniform(ks[5], (B,), dtype=jnp.float32) * 1000.0 + 1000.0
    # TimeEncode parameters (learned Linear(1, temporal_dim) followed by cos)
    time_w = jax.random.normal(ks[6], (D_TIME,), dtype=jnp.float32)
    time_b = jax.random.normal(ks[7], (D_TIME,), dtype=jnp.float32)
    # GRUCell parameters (memory updater), PyTorch GRUCell layout: [3*hidden, in]
    w_ih = jax.random.normal(ks[8], (3 * D_MEM, MSG_DIM), dtype=jnp.float32) * 0.05
    w_hh = jax.random.normal(ks[9], (3 * D_MEM, D_MEM), dtype=jnp.float32) * 0.05
    b_ih = jax.random.normal(ks[10], (3 * D_MEM,), dtype=jnp.float32) * 0.05
    b_hh = jax.random.normal(ks[11], (3 * D_MEM,), dtype=jnp.float32) * 0.05
    return {
        'memory': memory,
        'last_update_t': last_update_t,
        'src': src,
        'dst': dst,
        'edge_feat': edge_feat,
        'timestamps': timestamps,
        'time_w': time_w,
        'time_b': time_b,
        'w_ih': w_ih,
        'w_hh': w_hh,
        'b_ih': b_ih,
        'b_hh': b_hh,
    }


def reference(memory, last_update_t, src, dst, edge_feat, timestamps,
              time_w, time_b, w_ih, w_hh, b_ih, b_hh):
    # --- TGN.update_memory path: MemoryOperation + MemoryModule.set_memory ---
    # 1) Gather current memory rows for the event endpoints (SparseCore gather)
    src_mem = jnp.take(memory, src, axis=0)          # [B, D_MEM]
    dst_mem = jnp.take(memory, dst, axis=0)          # [B, D_MEM]
    # 2) Temporal encoding of time since last update (TimeEncode: cos(Linear(dt)))
    delta_t = timestamps - jnp.take(last_update_t, src, axis=0)  # [B]
    time_enc = jnp.cos(delta_t[:, None] * time_w[None, :] + time_b[None, :])  # [B, D_TIME]
    # 3) Build the raw message: [src_mem | dst_mem | edge_feat | time_enc]
    msg = jnp.concatenate([src_mem, dst_mem, edge_feat, time_enc], axis=1)  # [B, MSG_DIM]
    # 4) GRU memory updater (PyTorch GRUCell semantics)
    gi = msg @ w_ih.T + b_ih                          # [B, 3*D_MEM]
    gh = src_mem @ w_hh.T + b_hh                      # [B, 3*D_MEM]
    i_r, i_z, i_n = jnp.split(gi, 3, axis=1)
    h_r, h_z, h_n = jnp.split(gh, 3, axis=1)
    r = jax.nn.sigmoid(i_r + h_r)
    z = jax.nn.sigmoid(i_z + h_z)
    n = jnp.tanh(i_n + r * h_n)
    new_src_mem = (1.0 - z) * n + z * src_mem         # [B, D_MEM]
    # 5) Scatter-overwrite updated memory back into the table (set_memory)
    updated_memory = memory.at[src].set(new_src_mem)  # [N, D_MEM]
    updated_last_t = last_update_t.at[src].set(timestamps)  # [N] (set_last_update_t)
    return updated_memory, updated_last_t

if __name__ == "__main__":
    import jax
    _d = setup_inputs()
    print(jax.jit(kernel)(*tuple(_d.values())))

</pallas_src>

<mosaic_0001>
#map = affine_map<(d0, d1) -> (0, 0)>
#map1 = affine_map<(d0, d1) -> (0)>
#map2 = affine_map<(d0, d1) -> (0, 0, 0)>
module attributes {stable_mosaic.version = 14 : i64} {
  func.func @_sc_gather(%arg0: i32, %arg1: i32, %arg2: memref<100000x128xf32, #tpu.memory_space<hbm>>, %arg3: memref<100000xf32, #tpu.memory_space<hbm>>, %arg4: memref<32x4x128xi32, #tpu.memory_space<hbm>>, %arg5: memref<32x4x128xi32, #tpu.memory_space<hbm>>, %arg6: memref<16384x128xf32, #tpu.memory_space<hbm>>, %arg7: memref<16384x128xf32, #tpu.memory_space<hbm>>, %arg8: memref<16384xf32, #tpu.memory_space<hbm>>, %arg9: memref<4x128xi32, #tpu.memory_space<vmem>>, %arg10: memref<4x128xi32, #tpu.memory_space<vmem>>, %arg11: memref<128x128xf32, #tpu.memory_space<vmem>>, %arg12: memref<128xf32, #tpu.memory_space<vmem>>, %arg13: memref<!tpu.dma_semaphore, #tpu.memory_space<semaphore_mem>>) attributes {dimension_semantics = [#tpu.dimension_semantics<core_parallel>, #tpu.dimension_semantics<subcore_parallel>], iteration_bounds = array<i64: 2, 16>, scalar_prefetch = 0 : i64, scratch_operands = 5 : i64, tpu.core_type = #tpu.core_type<sc_vector_subcore>, window_params = [{transform_indices = #map}, {transform_indices = #map1}, {transform_indices = #map2}, {transform_indices = #map2}, {transform_indices = #map}, {transform_indices = #map}, {transform_indices = #map1}]} {
    %mul3A = arith.constant 2 : i32
    %mul3A_0 = arith.muli %arg1, %mul3A : i32
    %add3A = arith.addi %mul3A_0, %arg0 : i32
    %mul3A_1 = arith.constant 512 : i32
    %mul3A_2 = arith.muli %add3A, %mul3A_1 : i32
    "tpu.region"() ({
      %run_scoped3A = tpu.sem_alloc : memref<!tpu.dma_semaphore, #tpu.memory_space<semaphore_mem>>
      %dma_start3A_169 = arith.constant 0 : i32
      %dma_start3A_170 = arith.constant 0 : i32
      %dma_start3A_171 = tpu.memref_slice %arg4[%add3A, %dma_start3A_169, %dma_start3A_170] : memref<32x4x128xi32, #tpu.memory_space<hbm>> -> memref<1x4x128xi32, #tpu.memory_space<hbm>>
      %dma_start3A_172 = tpu.memref_squeeze %dma_start3A_171 : memref<1x4x128xi32, #tpu.memory_space<hbm>> -> memref<4x128xi32, #tpu.memory_space<hbm>>
      %dma_start3A_173 = arith.constant 0 : i32
      %dma_start3A_174 = arith.constant 0 : i32
      %dma_start3A_175 = tpu.memref_slice %arg4[%add3A, %dma_start3A_173, %dma_start3A_174] : memref<32x4x128xi32, #tpu.memory_space<hbm>> -> memref<1x4x128xi32, #tpu.memory_space<hbm>>
      %dma_start3A_176 = tpu.memref_squeeze %dma_start3A_175 : memref<1x4x128xi32, #tpu.memory_space<hbm>> -> memref<4x128xi32, #tpu.memory_space<hbm>>
      tpu.enqueue_dma source(%dma_start3A_176 : memref<4x128xi32, #tpu.memory_space<hbm>>) target(%arg9 : memref<4x128xi32, #tpu.memory_space<vmem>>) target_semaphore(%run_scoped3A : memref<!tpu.dma_semaphore, #tpu.memory_space<semaphore_mem>>)
      %dma_wait3A_177 = arith.constant 0 : i32
      %dma_wait3A_178 = arith.constant 0 : i32
      %dma_wait3A_179 = tpu.memref_slice %arg4[%add3A, %dma_wait3A_177, %dma_wait3A_178] : memref<32x4x128xi32, #tpu.memory_space<hbm>> -> memref<1x4x128xi32, #tpu.memory_space<hbm>>
      %dma_wait3A_180 = tpu.memref_squeeze %dma_wait3A_179 : memref<1x4x128xi32, #tpu.memory_space<hbm>> -> memref<4x128xi32, #tpu.memory_space<hbm>>
      %dma_wait3A_181 = arith.constant 0 : i32
      %dma_wait3A_182 = arith.constant 0 : i32
      %dma_wait3A_183 = tpu.memref_slice %arg4[%add3A, %dma_wait3A_181, %dma_wait3A_182] : memref<32x4x128xi32, #tpu.memory_space<hbm>> -> memref<1x4x128xi32, #tpu.memory_space<hbm>>
      %dma_wait3A_184 = tpu.memref_squeeze %dma_wait3A_183 : memref<1x4x128xi32, #tpu.memory_space<hbm>> -> memref<4x128xi32, #tpu.memory_space<hbm>>
      tpu.wait_dma2 semaphore(%run_scoped3A : memref<!tpu.dma_semaphore, #tpu.memory_space<semaphore_mem>>) src(%dma_wait3A_184 : memref<4x128xi32, #tpu.memory_space<hbm>>) dst(%arg9 : memref<4x128xi32, #tpu.memory_space<vmem>>)
      tpu.yield
    }) : () -> ()
    "tpu.region"() ({
      %run_scoped3A = tpu.sem_alloc : memref<!tpu.dma_semaphore, #tpu.memory_space<semaphore_mem>>
      %dma_start3A_169 = arith.constant 0 : i32
      %dma_start3A_170 = arith.constant 0 : i32
      %dma_start3A_171 = tpu.memref_slice %arg5[%add3A, %dma_start3A_169, %dma_start3A_170] : memref<32x4x128xi32, #tpu.memory_space<hbm>> -> memref<1x4x128xi32, #tpu.memory_space<hbm>>
      %dma_start3A_172 = tpu.memref_squeeze %dma_start3A_171 : memref<1x4x128xi32, #tpu.memory_space<hbm>> -> memref<4x128xi32, #tpu.memory_space<hbm>>
      %dma_start3A_173 = arith.constant 0 : i32
      %dma_start3A_174 = arith.constant 0 : i32
      %dma_start3A_175 = tpu.memref_slice %arg5[%add3A, %dma_start3A_173, %dma_start3A_174] : memref<32x4x128xi32, #tpu.memory_space<hbm>> -> memref<1x4x128xi32, #tpu.memory_space<hbm>>
      %dma_start3A_176 = tpu.memref_squeeze %dma_start3A_175 : memref<1x4x128xi32, #tpu.memory_space<hbm>> -> memref<4x128xi32, #tpu.memory_space<hbm>>
      tpu.enqueue_dma source(%dma_start3A_176 : memref<4x128xi32, #tpu.memory_space<hbm>>) target(%arg10 : memref<4x128xi32, #tpu.memory_space<vmem>>) target_semaphore(%run_scoped3A : memref<!tpu.dma_semaphore, #tpu.memory_space<semaphore_mem>>)
      %dma_wait3A_177 = arith.constant 0 : i32
      %dma_wait3A_178 = arith.constant 0 : i32
      %dma_wait3A_179 = tpu.memref_slice %arg5[%add3A, %dma_wait3A_177, %dma_wait3A_178] : memref<32x4x128xi32, #tpu.memory_space<hbm>> -> memref<1x4x128xi32, #tpu.memory_space<hbm>>
      %dma_wait3A_180 = tpu.memref_squeeze %dma_wait3A_179 : memref<1x4x128xi32, #tpu.memory_space<hbm>> -> memref<4x128xi32, #tpu.memory_space<hbm>>
      %dma_wait3A_181 = arith.constant 0 : i32
      %dma_wait3A_182 = arith.constant 0 : i32
      %dma_wait3A_183 = tpu.memref_slice %arg5[%add3A, %dma_wait3A_181, %dma_wait3A_182] : memref<32x4x128xi32, #tpu.memory_space<hbm>> -> memref<1x4x128xi32, #tpu.memory_space<hbm>>
      %dma_wait3A_184 = tpu.memref_squeeze %dma_wait3A_183 : memref<1x4x128xi32, #tpu.memory_space<hbm>> -> memref<4x128xi32, #tpu.memory_space<hbm>>
      tpu.wait_dma2 semaphore(%run_scoped3A : memref<!tpu.dma_semaphore, #tpu.memory_space<semaphore_mem>>) src(%dma_wait3A_184 : memref<4x128xi32, #tpu.memory_space<hbm>>) dst(%arg10 : memref<4x128xi32, #tpu.memory_space<vmem>>)
      tpu.yield
    }) : () -> ()
    %add3A_3 = arith.constant 0 : i32
    %add3A_4 = arith.addi %mul3A_2, %add3A_3 : i32
    %dma_start3A = arith.constant 0 : i32
    %dma_start3A_5 = arith.constant 0 : i32
    %dma_start3A_6 = tpu.memref_slice %arg9[%dma_start3A, %dma_start3A_5] : memref<4x128xi32, #tpu.memory_space<vmem>> -> memref<1x128xi32, #tpu.memory_space<vmem>>
    %dma_start3A_7 = tpu.memref_squeeze %dma_start3A_6 : memref<1x128xi32, #tpu.memory_space<vmem>> -> memref<128xi32, #tpu.memory_space<vmem>>
    %dma_start3A_8 = arith.constant 0 : i32
    %dma_start3A_9 = arith.constant 0 : i32
    %dma_start3A_10 = tpu.memref_slice %arg2[%dma_start3A_8, %dma_start3A_9] : memref<100000x128xf32, #tpu.memory_space<hbm>> -> memref<100000x128xf32, #tpu.memory_space<hbm>>
    tpu.enqueue_indirect_dma source(%dma_start3A_10 : memref<100000x128xf32, #tpu.memory_space<hbm>>) target(%arg11 : memref<128x128xf32, #tpu.memory_space<vmem>>) offsets(%dma_start3A_7 : memref<128xi32, #tpu.memory_space<vmem>>) semaphore(%arg13 : memref<!tpu.dma_semaphore, #tpu.memory_space<semaphore_mem>>)
    %dma_wait3A = arith.constant 0 : i32
    %dma_wait3A_11 = arith.constant 0 : i32
    %dma_wait3A_12 = tpu.memref_slice %arg9[%dma_wait3A, %dma_wait3A_11] : memref<4x128xi32, #tpu.memory_space<vmem>> -> memref<1x128xi32, #tpu.memory_space<vmem>>
    %dma_wait3A_13 = tpu.memref_squeeze %dma_wait3A_12 : memref<1x128xi32, #tpu.memory_space<vmem>> -> memref<128xi32, #tpu.memory_space<vmem>>
    %dma_wait3A_14 = arith.constant 0 : i32
    %dma_wait3A_15 = arith.constant 0 : i32
    %dma_wait3A_16 = tpu.memref_slice %arg2[%dma_wait3A_14, %dma_wait3A_15] : memref<100000x128xf32, #tpu.memory_space<hbm>> -> memref<100000x128xf32, #tpu.memory_space<hbm>>
    tpu.wait_indirect_dma semaphore(%arg13 : memref<!tpu.dma_semaphore, #tpu.memory_space<semaphore_mem>>) src(%dma_wait3A_16 : memref<100000x128xf32, #tpu.memory_space<hbm>>) dst(%arg11 : memref<128x128xf32, #tpu.memory_space<vmem>>)
    "tpu.region"() ({
      %run_scoped3A = tpu.sem_alloc : memref<!tpu.dma_semaphore, #tpu.memory_space<semaphore_mem>>
      %dma_start3A_169 = arith.constant 0 : i32
      %dma_start3A_170 = tpu.memref_slice %arg6[%add3A_4, %dma_start3A_169] : memref<16384x128xf32, #tpu.memory_space<hbm>> -> memref<128x128xf32, #tpu.memory_space<hbm>>
      %dma_start3A_171 = arith.constant 0 : i32
      %dma_start3A_172 = tpu.memref_slice %arg6[%add3A_4, %dma_start3A_171] : memref<16384x128xf32, #tpu.memory_space<hbm>> -> memref<128x128xf32, #tpu.memory_space<hbm>>
      tpu.enqueue_dma source(%arg11 : memref<128x128xf32, #tpu.memory_space<vmem>>) target(%dma_start3A_172 : memref<128x128xf32, #tpu.memory_space<hbm>>) target_semaphore(%run_scoped3A : memref<!tpu.dma_semaphore, #tpu.memory_space<semaphore_mem>>)
      %dma_wait3A_173 = arith.constant 0 : i32
      %dma_wait3A_174 = tpu.memref_slice %arg6[%add3A_4, %dma_wait3A_173] : memref<16384x128xf32, #tpu.memory_space<hbm>> -> memref<128x128xf32, #tpu.memory_space<hbm>>
      %dma_wait3A_175 = arith.constant 0 : i32
      %dma_wait3A_176 = tpu.memref_slice %arg6[%add3A_4, %dma_wait3A_175] : memref<16384x128xf32, #tpu.memory_space<hbm>> -> memref<128x128xf32, #tpu.memory_space<hbm>>
      tpu.wait_dma2 semaphore(%run_scoped3A : memref<!tpu.dma_semaphore, #tpu.memory_space<semaphore_mem>>) src(%arg11 : memref<128x128xf32, #tpu.memory_space<vmem>>) dst(%dma_wait3A_176 : memref<128x128xf32, #tpu.memory_space<hbm>>)
      tpu.yield
    }) : () -> ()
    %dma_start3A_17 = arith.constant 0 : i32
    %dma_start3A_18 = arith.constant 0 : i32
    %dma_start3A_19 = tpu.memref_slice %arg10[%dma_start3A_17, %dma_start3A_18] : memref<4x128xi32, #tpu.memory_space<vmem>> -> memref<1x128xi32, #tpu.memory_space<vmem>>
    %dma_start3A_20 = tpu.memref_squeeze %dma_start3A_19 : memref<1x128xi32, #tpu.memory_space<vmem>> -> memref<128xi32, #tpu.memory_space<vmem>>
    %dma_start3A_21 = arith.constant 0 : i32
    %dma_start3A_22 = arith.constant 0 : i32
    %dma_start3A_23 = tpu.memref_slice %arg2[%dma_start3A_21, %dma_start3A_22] : memref<100000x128xf32, #tpu.memory_space<hbm>> -> memref<100000x128xf32, #tpu.memory_space<hbm>>
    tpu.enqueue_indirect_dma source(%dma_start3A_23 : memref<100000x128xf32, #tpu.memory_space<hbm>>) target(%arg11 : memref<128x128xf32, #tpu.memory_space<vmem>>) offsets(%dma_start3A_20 : memref<128xi32, #tpu.memory_space<vmem>>) semaphore(%arg13 : memref<!tpu.dma_semaphore, #tpu.memory_space<semaphore_mem>>)
    %dma_wait3A_24 = arith.constant 0 : i32
    %dma_wait3A_25 = arith.constant 0 : i32
    %dma_wait3A_26 = tpu.memref_slice %arg10[%dma_wait3A_24, %dma_wait3A_25] : memref<4x128xi32, #tpu.memory_space<vmem>> -> memref<1x128xi32, #tpu.memory_space<vmem>>
    %dma_wait3A_27 = tpu.memref_squeeze %dma_wait3A_26 : memref<1x128xi32, #tpu.memory_space<vmem>> -> memref<128xi32, #tpu.memory_space<vmem>>
    %dma_wait3A_28 = arith.constant 0 : i32
    %dma_wait3A_29 = arith.constant 0 : i32
    %dma_wait3A_30 = tpu.memref_slice %arg2[%dma_wait3A_28, %dma_wait3A_29] : memref<100000x128xf32, #tpu.memory_space<hbm>> -> memref<100000x128xf32, #tpu.memory_space<hbm>>
    tpu.wait_indirect_dma semaphore(%arg13 : memref<!tpu.dma_semaphore, #tpu.memory_space<semaphore_mem>>) src(%dma_wait3A_30 : memref<100000x128xf32, #tpu.memory_space<hbm>>) dst(%arg11 : memref<128x128xf32, #tpu.memory_space<vmem>>)
    "tpu.region"() ({
      %run_scoped3A = tpu.sem_alloc : memref<!tpu.dma_semaphore, #tpu.memory_space<semaphore_mem>>
      %dma_start3A_169 = arith.constant 0 : i32
      %dma_start3A_170 = tpu.memref_slice %arg7[%add3A_4, %dma_start3A_169] : memref<16384x128xf32, #tpu.memory_space<hbm>> -> memref<128x128xf32, #tpu.memory_space<hbm>>
      %dma_start3A_171 = arith.constant 0 : i32
      %dma_start3A_172 = tpu.memref_slice %arg7[%add3A_4, %dma_start3A_171] : memref<16384x128xf32, #tpu.memory_space<hbm>> -> memref<128x128xf32, #tpu.memory_space<hbm>>
      tpu.enqueue_dma source(%arg11 : memref<128x128xf32, #tpu.memory_space<vmem>>) target(%dma_start3A_172 : memref<128x128xf32, #tpu.memory_space<hbm>>) target_semaphore(%run_scoped3A : memref<!tpu.dma_semaphore, #tpu.memory_space<semaphore_mem>>)
      %dma_wait3A_173 = arith.constant 0 : i32
      %dma_wait3A_174 = tpu.memref_slice %arg7[%add3A_4, %dma_wait3A_173] : memref<16384x128xf32, #tpu.memory_space<hbm>> -> memref<128x128xf32, #tpu.memory_space<hbm>>
      %dma_wait3A_175 = arith.constant 0 : i32
      %dma_wait3A_176 = tpu.memref_slice %arg7[%add3A_4, %dma_wait3A_175] : memref<16384x128xf32, #tpu.memory_space<hbm>> -> memref<128x128xf32, #tpu.memory_space<hbm>>
      tpu.wait_dma2 semaphore(%run_scoped3A : memref<!tpu.dma_semaphore, #tpu.memory_space<semaphore_mem>>) src(%arg11 : memref<128x128xf32, #tpu.memory_space<vmem>>) dst(%dma_wait3A_176 : memref<128x128xf32, #tpu.memory_space<hbm>>)
      tpu.yield
    }) : () -> ()
    %dma_start3A_31 = arith.constant 0 : i32
    %dma_start3A_32 = arith.constant 0 : i32
    %dma_start3A_33 = tpu.memref_slice %arg9[%dma_start3A_31, %dma_start3A_32] : memref<4x128xi32, #tpu.memory_space<vmem>> -> memref<1x128xi32, #tpu.memory_space<vmem>>
    %dma_start3A_34 = tpu.memref_squeeze %dma_start3A_33 : memref<1x128xi32, #tpu.memory_space<vmem>> -> memref<128xi32, #tpu.memory_space<vmem>>
    %dma_start3A_35 = arith.constant 0 : i32
    %dma_start3A_36 = tpu.memref_slice %arg3[%dma_start3A_35] : memref<100000xf32, #tpu.memory_space<hbm>> -> memref<100000xf32, #tpu.memory_space<hbm>>
    tpu.enqueue_indirect_dma source(%dma_start3A_36 : memref<100000xf32, #tpu.memory_space<hbm>>) target(%arg12 : memref<128xf32, #tpu.memory_space<vmem>>) offsets(%dma_start3A_34 : memref<128xi32, #tpu.memory_space<vmem>>) semaphore(%arg13 : memref<!tpu.dma_semaphore, #tpu.memory_space<semaphore_mem>>)
    %dma_wait3A_37 = arith.constant 0 : i32
    %dma_wait3A_38 = arith.constant 0 : i32
    %dma_wait3A_39 = tpu.memref_slice %arg9[%dma_wait3A_37, %dma_wait3A_38] : memref<4x128xi32, #tpu.memory_space<vmem>> -> memref<1x128xi32, #tpu.memory_space<vmem>>
    %dma_wait3A_40 = tpu.memref_squeeze %dma_wait3A_39 : memref<1x128xi32, #tpu.memory_space<vmem>> -> memref<128xi32, #tpu.memory_space<vmem>>
    %dma_wait3A_41 = arith.constant 0 : i32
    %dma_wait3A_42 = tpu.memref_slice %arg3[%dma_wait3A_41] : memref<100000xf32, #tpu.memory_space<hbm>> -> memref<100000xf32, #tpu.memory_space<hbm>>
    tpu.wait_indirect_dma semaphore(%arg13 : memref<!tpu.dma_semaphore, #tpu.memory_space<semaphore_mem>>) src(%dma_wait3A_42 : memref<100000xf32, #tpu.memory_space<hbm>>) dst(%arg12 : memref<128xf32, #tpu.memory_space<vmem>>)
    "tpu.region"() ({
      %run_scoped3A = tpu.sem_alloc : memref<!tpu.dma_semaphore, #tpu.memory_space<semaphore_mem>>
      %dma_start3A_169 = tpu.memref_slice %arg8[%add3A_4] : memref<16384xf32, #tpu.memory_space<hbm>> -> memref<128xf32, #tpu.memory_space<hbm>>
      %dma_start3A_170 = tpu.memref_slice %arg8[%add3A_4] : memref<16384xf32, #tpu.memory_space<hbm>> -> memref<128xf32, #tpu.memory_space<hbm>>
      tpu.enqueue_dma source(%arg12 : memref<128xf32, #tpu.memory_space<vmem>>) target(%dma_start3A_170 : memref<128xf32, #tpu.memory_space<hbm>>) target_semaphore(%run_scoped3A : memref<!tpu.dma_semaphore, #tpu.memory_space<semaphore_mem>>)
      %dma_wait3A_171 = tpu.memref_slice %arg8[%add3A_4] : memref<16384xf32, #tpu.memory_space<hbm>> -> memref<128xf32, #tpu.memory_space<hbm>>
      %dma_wait3A_172 = tpu.memref_slice %arg8[%add3A_4] : memref<16384xf32, #tpu.memory_space<hbm>> -> memref<128xf32, #tpu.memory_space<hbm>>
      tpu.wait_dma2 semaphore(%run_scoped3A : memref<!tpu.dma_semaphore, #tpu.memory_space<semaphore_mem>>) src(%arg12 : memref<128xf32, #tpu.memory_space<vmem>>) dst(%dma_wait3A_172 : memref<128xf32, #tpu.memory_space<hbm>>)
      tpu.yield
    }) : () -> ()
    %add3A_43 = arith.constant 128 : i32
    %add3A_44 = arith.addi %mul3A_2, %add3A_43 : i32
    %dma_start3A_45 = arith.constant 1 : i32
    %dma_start3A_46 = arith.constant 0 : i32
    %dma_start3A_47 = tpu.memref_slice %arg9[%dma_start3A_45, %dma_start3A_46] : memref<4x128xi32, #tpu.memory_space<vmem>> -> memref<1x128xi32, #tpu.memory_space<vmem>>
    %dma_start3A_48 = tpu.memref_squeeze %dma_start3A_47 : memref<1x128xi32, #tpu.memory_space<vmem>> -> memref<128xi32, #tpu.memory_space<vmem>>
    %dma_start3A_49 = arith.constant 0 : i32
    %dma_start3A_50 = arith.constant 0 : i32
    %dma_start3A_51 = tpu.memref_slice %arg2[%dma_start3A_49, %dma_start3A_50] : memref<100000x128xf32, #tpu.memory_space<hbm>> -> memref<100000x128xf32, #tpu.memory_space<hbm>>
    tpu.enqueue_indirect_dma source(%dma_start3A_51 : memref<100000x128xf32, #tpu.memory_space<hbm>>) target(%arg11 : memref<128x128xf32, #tpu.memory_space<vmem>>) offsets(%dma_start3A_48 : memref<128xi32, #tpu.memory_space<vmem>>) semaphore(%arg13 : memref<!tpu.dma_semaphore, #tpu.memory_space<semaphore_mem>>)
    %dma_wait3A_52 = arith.constant 1 : i32
    %dma_wait3A_53 = arith.constant 0 : i32
    %dma_wait3A_54 = tpu.memref_slice %arg9[%dma_wait3A_52, %dma_wait3A_53] : memref<4x128xi32, #tpu.memory_space<vmem>> -> memref<1x128xi32, #tpu.memory_space<vmem>>
    %dma_wait3A_55 = tpu.memref_squeeze %dma_wait3A_54 : memref<1x128xi32, #tpu.memory_space<vmem>> -> memref<128xi32, #tpu.memory_space<vmem>>
    %dma_wait3A_56 = arith.constant 0 : i32
    %dma_wait3A_57 = arith.constant 0 : i32
    %dma_wait3A_58 = tpu.memref_slice %arg2[%dma_wait3A_56, %dma_wait3A_57] : memref<100000x128xf32, #tpu.memory_space<hbm>> -> memref<100000x128xf32, #tpu.memory_space<hbm>>
    tpu.wait_indirect_dma semaphore(%arg13 : memref<!tpu.dma_semaphore, #tpu.memory_space<semaphore_mem>>) src(%dma_wait3A_58 : memref<100000x128xf32, #tpu.memory_space<hbm>>) dst(%arg11 : memref<128x128xf32, #tpu.memory_space<vmem>>)
    "tpu.region"() ({
      %run_scoped3A = tpu.sem_alloc : memref<!tpu.dma_semaphore, #tpu.memory_space<semaphore_mem>>
      %dma_start3A_169 = arith.constant 0 : i32
      %dma_start3A_170 = tpu.memref_slice %arg6[%add3A_44, %dma_start3A_169] : memref<16384x128xf32, #tpu.memory_space<hbm>> -> memref<128x128xf32, #tpu.memory_space<hbm>>
      %dma_start3A_171 = arith.constant 0 : i32
      %dma_start3A_172 = tpu.memref_slice %arg6[%add3A_44, %dma_start3A_171] : memref<16384x128xf32, #tpu.memory_space<hbm>> -> memref<128x128xf32, #tpu.memory_space<hbm>>
      tpu.enqueue_dma source(%arg11 : memref<128x128xf32, #tpu.memory_space<vmem>>) target(%dma_start3A_172 : memref<128x128xf32, #tpu.memory_space<hbm>>) target_semaphore(%run_scoped3A : memref<!tpu.dma_semaphore, #tpu.memory_space<semaphore_mem>>)
      %dma_wait3A_173 = arith.constant 0 : i32
      %dma_wait3A_174 = tpu.memref_slice %arg6[%add3A_44, %dma_wait3A_173] : memref<16384x128xf32, #tpu.memory_space<hbm>> -> memref<128x128xf32, #tpu.memory_space<hbm>>
      %dma_wait3A_175 = arith.constant 0 : i32
      %dma_wait3A_176 = tpu.memref_slice %arg6[%add3A_44, %dma_wait3A_175] : memref<16384x128xf32, #tpu.memory_space<hbm>> -> memref<128x128xf32, #tpu.memory_space<hbm>>
      tpu.wait_dma2 semaphore(%run_scoped3A : memref<!tpu.dma_semaphore, #tpu.memory_space<semaphore_mem>>) src(%arg11 : memref<128x128xf32, #tpu.memory_space<vmem>>) dst(%dma_wait3A_176 : memref<128x128xf32, #tpu.memory_space<hbm>>)
      tpu.yield
    }) : () -> ()
    %dma_start3A_59 = arith.constant 1 : i32
    %dma_start3A_60 = arith.constant 0 : i32
    %dma_start3A_61 = tpu.memref_slice %arg10[%dma_start3A_59, %dma_start3A_60] : memref<4x128xi32, #tpu.memory_space<vmem>> -> memref<1x128xi32, #tpu.memory_space<vmem>>
    %dma_start3A_62 = tpu.memref_squeeze %dma_start3A_61 : memref<1x128xi32, #tpu.memory_space<vmem>> -> memref<128xi32, #tpu.memory_space<vmem>>
    %dma_start3A_63 = arith.constant 0 : i32
    %dma_start3A_64 = arith.constant 0 : i32
    %dma_start3A_65 = tpu.memref_slice %arg2[%dma_start3A_63, %dma_start3A_64] : memref<100000x128xf32, #tpu.memory_space<hbm>> -> memref<100000x128xf32, #tpu.memory_space<hbm>>
    tpu.enqueue_indirect_dma source(%dma_start3A_65 : memref<100000x128xf32, #tpu.memory_space<hbm>>) target(%arg11 : memref<128x128xf32, #tpu.memory_space<vmem>>) offsets(%dma_start3A_62 : memref<128xi32, #tpu.memory_space<vmem>>) semaphore(%arg13 : memref<!tpu.dma_semaphore, #tpu.memory_space<semaphore_mem>>)
    %dma_wait3A_66 = arith.constant 1 : i32
    %dma_wait3A_67 = arith.constant 0 : i32
    %dma_wait3A_68 = tpu.memref_slice %arg10[%dma_wait3A_66, %dma_wait3A_67] : memref<4x128xi32, #tpu.memory_space<vmem>> -> memref<1x128xi32, #tpu.memory_space<vmem>>
    %dma_wait3A_69 = tpu.memref_squeeze %dma_wait3A_68 : memref<1x128xi32, #tpu.memory_space<vmem>> -> memref<128xi32, #tpu.memory_space<vmem>>
    %dma_wait3A_70 = arith.constant 0 : i32
    %dma_wait3A_71 = arith.constant 0 : i32
    %dma_wait3A_72 = tpu.memref_slice %arg2[%dma_wait3A_70, %dma_wait3A_71] : memref<100000x128xf32, #tpu.memory_space<hbm>> -> memref<100000x128xf32, #tpu.memory_space<hbm>>
    tpu.wait_indirect_dma semaphore(%arg13 : memref<!tpu.dma_semaphore, #tpu.memory_space<semaphore_mem>>) src(%dma_wait3A_72 : memref<100000x128xf32, #tpu.memory_space<hbm>>) dst(%arg11 : memref<128x128xf32, #tpu.memory_space<vmem>>)
    "tpu.region"() ({
      %run_scoped3A = tpu.sem_alloc : memref<!tpu.dma_semaphore, #tpu.memory_space<semaphore_mem>>
      %dma_start3A_169 = arith.constant 0 : i32
      %dma_start3A_170 = tpu.memref_slice %arg7[%add3A_44, %dma_start3A_169] : memref<16384x128xf32, #tpu.memory_space<hbm>> -> memref<128x128xf32, #tpu.memory_space<hbm>>
      %dma_start3A_171 = arith.constant 0 : i32
      %dma_start3A_172 = tpu.memref_slice %arg7[%add3A_44, %dma_start3A_171] : memref<16384x128xf32, #tpu.memory_space<hbm>> -> memref<128x128xf32, #tpu.memory_space<hbm>>
      tpu.enqueue_dma source(%arg11 : memref<128x128xf32, #tpu.memory_space<vmem>>) target(%dma_start3A_172 : memref<128x128xf32, #tpu.memory_space<hbm>>) target_semaphore(%run_scoped3A : memref<!tpu.dma_semaphore, #tpu.memory_space<semaphore_mem>>)
      %dma_wait3A_173 = arith.constant 0 : i32
      %dma_wait3A_174 = tpu.memref_slice %arg7[%add3A_44, %dma_wait3A_173] : memref<16384x128xf32, #tpu.memory_space<hbm>> -> memref<128x128xf32, #tpu.memory_space<hbm>>
      %dma_wait3A_175 = arith.constant 0 : i32
      %dma_wait3A_176 = tpu.memref_slice %arg7[%add3A_44, %dma_wait3A_175] : memref<16384x128xf32, #tpu.memory_space<hbm>> -> memref<128x128xf32, #tpu.memory_space<hbm>>
      tpu.wait_dma2 semaphore(%run_scoped3A : memref<!tpu.dma_semaphore, #tpu.memory_space<semaphore_mem>>) src(%arg11 : memref<128x128xf32, #tpu.memory_space<vmem>>) dst(%dma_wait3A_176 : memref<128x128xf32, #tpu.memory_space<hbm>>)
      tpu.yield
    }) : () -> ()
    %dma_start3A_73 = arith.constant 1 : i32
    %dma_start3A_74 = arith.constant 0 : i32
    %dma_start3A_75 = tpu.memref_slice %arg9[%dma_start3A_73, %dma_start3A_74] : memref<4x128xi32, #tpu.memory_space<vmem>> -> memref<1x128xi32, #tpu.memory_space<vmem>>
    %dma_start3A_76 = tpu.memref_squeeze %dma_start3A_75 : memref<1x128xi32, #tpu.memory_space<vmem>> -> memref<128xi32, #tpu.memory_space<vmem>>
    %dma_start3A_77 = arith.constant 0 : i32
    %dma_start3A_78 = tpu.memref_slice %arg3[%dma_start3A_77] : memref<100000xf32, #tpu.memory_space<hbm>> -> memref<100000xf32, #tpu.memory_space<hbm>>
    tpu.enqueue_indirect_dma source(%dma_start3A_78 : memref<100000xf32, #tpu.memory_space<hbm>>) target(%arg12 : memref<128xf32, #tpu.memory_space<vmem>>) offsets(%dma_start3A_76 : memref<128xi32, #tpu.memory_space<vmem>>) semaphore(%arg13 : memref<!tpu.dma_semaphore, #tpu.memory_space<semaphore_mem>>)
    %dma_wait3A_79 = arith.constant 1 : i32
    %dma_wait3A_80 = arith.constant 0 : i32
    %dma_wait3A_81 = tpu.memref_slice %arg9[%dma_wait3A_79, %dma_wait3A_80] : memref<4x128xi32, #tpu.memory_space<vmem>> -> memref<1x128xi32, #tpu.memory_space<vmem>>
    %dma_wait3A_82 = tpu.memref_squeeze %dma_wait3A_81 : memref<1x128xi32, #tpu.memory_space<vmem>> -> memref<128xi32, #tpu.memory_space<vmem>>
    %dma_wait3A_83 = arith.constant 0 : i32
    %dma_wait3A_84 = tpu.memref_slice %arg3[%dma_wait3A_83] : memref<100000xf32, #tpu.memory_space<hbm>> -> memref<100000xf32, #tpu.memory_space<hbm>>
    tpu.wait_indirect_dma semaphore(%arg13 : memref<!tpu.dma_semaphore, #tpu.memory_space<semaphore_mem>>) src(%dma_wait3A_84 : memref<100000xf32, #tpu.memory_space<hbm>>) dst(%arg12 : memref<128xf32, #tpu.memory_space<vmem>>)
    "tpu.region"() ({
      %run_scoped3A = tpu.sem_alloc : memref<!tpu.dma_semaphore, #tpu.memory_space<semaphore_mem>>
      %dma_start3A_169 = tpu.memref_slice %arg8[%add3A_44] : memref<16384xf32, #tpu.memory_space<hbm>> -> memref<128xf32, #tpu.memory_space<hbm>>
      %dma_start3A_170 = tpu.memref_slice %arg8[%add3A_44] : memref<16384xf32, #tpu.memory_space<hbm>> -> memref<128xf32, #tpu.memory_space<hbm>>
      tpu.enqueue_dma source(%arg12 : memref<128xf32, #tpu.memory_space<vmem>>) target(%dma_start3A_170 : memref<128xf32, #tpu.memory_space<hbm>>) target_semaphore(%run_scoped3A : memref<!tpu.dma_semaphore, #tpu.memory_space<semaphore_mem>>)
      %dma_wait3A_171 = tpu.memref_slice %arg8[%add3A_44] : memref<16384xf32, #tpu.memory_space<hbm>> -> memref<128xf32, #tpu.memory_space<hbm>>
      %dma_wait3A_172 = tpu.memref_slice %arg8[%add3A_44] : memref<16384xf32, #tpu.memory_space<hbm>> -> memref<128xf32, #tpu.memory_space<hbm>>
      tpu.wait_dma2 semaphore(%run_scoped3A : memref<!tpu.dma_semaphore, #tpu.memory_space<semaphore_mem>>) src(%arg12 : memref<128xf32, #tpu.memory_space<vmem>>) dst(%dma_wait3A_172 : memref<128xf32, #tpu.memory_space<hbm>>)
      tpu.yield
    }) : () -> ()
    %add3A_85 = arith.constant 256 : i32
    %add3A_86 = arith.addi %mul3A_2, %add3A_85 : i32
    %dma_start3A_87 = arith.constant 2 : i32
    %dma_start3A_88 = arith.constant 0 : i32
    %dma_start3A_89 = tpu.memref_slice %arg9[%dma_start3A_87, %dma_start3A_88] : memref<4x128xi32, #tpu.memory_space<vmem>> -> memref<1x128xi32, #tpu.memory_space<vmem>>
    %dma_start3A_90 = tpu.memref_squeeze %dma_start3A_89 : memref<1x128xi32, #tpu.memory_space<vmem>> -> memref<128xi32, #tpu.memory_space<vmem>>
    %dma_start3A_91 = arith.constant 0 : i32
    %dma_start3A_92 = arith.constant 0 : i32
    %dma_start3A_93 = tpu.memref_slice %arg2[%dma_start3A_91, %dma_start3A_92] : memref<100000x128xf32, #tpu.memory_space<hbm>> -> memref<100000x128xf32, #tpu.memory_space<hbm>>
    tpu.enqueue_indirect_dma source(%dma_start3A_93 : memref<100000x128xf32, #tpu.memory_space<hbm>>) target(%arg11 : memref<128x128xf32, #tpu.memory_space<vmem>>) offsets(%dma_start3A_90 : memref<128xi32, #tpu.memory_space<vmem>>) semaphore(%arg13 : memref<!tpu.dma_semaphore, #tpu.memory_space<semaphore_mem>>)
    %dma_wait3A_94 = arith.constant 2 : i32
    %dma_wait3A_95 = arith.constant 0 : i32
    %dma_wait3A_96 = tpu.memref_slice %arg9[%dma_wait3A_94, %dma_wait3A_95] : memref<4x128xi32, #tpu.memory_space<vmem>> -> memref<1x128xi32, #tpu.memory_space<vmem>>
    %dma_wait3A_97 = tpu.memref_squeeze %dma_wait3A_96 : memref<1x128xi32, #tpu.memory_space<vmem>> -> memref<128xi32, #tpu.memory_space<vmem>>
    %dma_wait3A_98 = arith.constant 0 : i32
    %dma_wait3A_99 = arith.constant 0 : i32
    %dma_wait3A_100 = tpu.memref_slice %arg2[%dma_wait3A_98, %dma_wait3A_99] : memref<100000x128xf32, #tpu.memory_space<hbm>> -> memref<100000x128xf32, #tpu.memory_space<hbm>>
    tpu.wait_indirect_dma semaphore(%arg13 : memref<!tpu.dma_semaphore, #tpu.memory_space<semaphore_mem>>) src(%dma_wait3A_100 : memref<100000x128xf32, #tpu.memory_space<hbm>>) dst(%arg11 : memref<128x128xf32, #tpu.memory_space<vmem>>)
    "tpu.region"() ({
      %run_scoped3A = tpu.sem_alloc : memref<!tpu.dma_semaphore, #tpu.memory_space<semaphore_mem>>
      %dma_start3A_169 = arith.constant 0 : i32
      %dma_start3A_170 = tpu.memref_slice %arg6[%add3A_86, %dma_start3A_169] : memref<16384x128xf32, #tpu.memory_space<hbm>> -> memref<128x128xf32, #tpu.memory_space<hbm>>
      %dma_start3A_171 = arith.constant 0 : i32
      %dma_start3A_172 = tpu.memref_slice %arg6[%add3A_86, %dma_start3A_171] : memref<16384x128xf32, #tpu.memory_space<hbm>> -> memref<128x128xf32, #tpu.memory_space<hbm>>
      tpu.enqueue_dma source(%arg11 : memref<128x128xf32, #tpu.memory_space<vmem>>) target(%dma_start3A_172 : memref<128x128xf32, #tpu.memory_space<hbm>>) target_semaphore(%run_scoped3A : memref<!tpu.dma_semaphore, #tpu.memory_space<semaphore_mem>>)
      %dma_wait3A_173 = arith.constant 0 : i32
      %dma_wait3A_174 = tpu.memref_slice %arg6[%add3A_86, %dma_wait3A_173] : memref<16384x128xf32, #tpu.memory_space<hbm>> -> memref<128x128xf32, #tpu.memory_space<hbm>>
      %dma_wait3A_175 = arith.constant 0 : i32
      %dma_wait3A_176 = tpu.memref_slice %arg6[%add3A_86, %dma_wait3A_175] : memref<16384x128xf32, #tpu.memory_space<hbm>> -> memref<128x128xf32, #tpu.memory_space<hbm>>
      tpu.wait_dma2 semaphore(%run_scoped3A : memref<!tpu.dma_semaphore, #tpu.memory_space<semaphore_mem>>) src(%arg11 : memref<128x128xf32, #tpu.memory_space<vmem>>) dst(%dma_wait3A_176 : memref<128x128xf32, #tpu.memory_space<hbm>>)
      tpu.yield
    }) : () -> ()
    %dma_start3A_101 = arith.constant 2 : i32
    %dma_start3A_102 = arith.constant 0 : i32
    %dma_start3A_103 = tpu.memref_slice %arg10[%dma_start3A_101, %dma_start3A_102] : memref<4x128xi32, #tpu.memory_space<vmem>> -> memref<1x128xi32, #tpu.memory_space<vmem>>
    %dma_start3A_104 = tpu.memref_squeeze %dma_start3A_103 : memref<1x128xi32, #tpu.memory_space<vmem>> -> memref<128xi32, #tpu.memory_space<vmem>>
    %dma_start3A_105 = arith.constant 0 : i32
    %dma_start3A_106 = arith.constant 0 : i32
    %dma_start3A_107 = tpu.memref_slice %arg2[%dma_start3A_105, %dma_start3A_106] : memref<100000x128xf32, #tpu.memory_space<hbm>> -> memref<100000x128xf32, #tpu.memory_space<hbm>>
    tpu.enqueue_indirect_dma source(%dma_start3A_107 : memref<100000x128xf32, #tpu.memory_space<hbm>>) target(%arg11 : memref<128x128xf32, #tpu.memory_space<vmem>>) offsets(%dma_start3A_104 : memref<128xi32, #tpu.memory_space<vmem>>) semaphore(%arg13 : memref<!tpu.dma_semaphore, #tpu.memory_space<semaphore_mem>>)
    %dma_wait3A_108 = arith.constant 2 : i32
    %dma_wait3A_109 = arith.constant 0 : i32
    %dma_wait3A_110 = tpu.memref_slice %arg10[%dma_wait3A_108, %dma_wait3A_109] : memref<4x128xi32, #tpu.memory_space<vmem>> -> memref<1x128xi32, #tpu.memory_space<vmem>>
    %dma_wait3A_111 = tpu.memref_squeeze %dma_wait3A_110 : memref<1x128xi32, #tpu.memory_space<vmem>> -> memref<128xi32, #tpu.memory_space<vmem>>
    %dma_wait3A_112 = arith.constant 0 : i32
    %dma_wait3A_113 = arith.constant 0 : i32
    %dma_wait3A_114 = tpu.memref_slice %arg2[%dma_wait3A_112, %dma_wait3A_113] : memref<100000x128xf32, #tpu.memory_space<hbm>> -> memref<100000x128xf32, #tpu.memory_space<hbm>>
    tpu.wait_indirect_dma semaphore(%arg13 : memref<!tpu.dma_semaphore, #tpu.memory_space<semaphore_mem>>) src(%dma_wait3A_114 : memref<100000x128xf32, #tpu.memory_space<hbm>>) dst(%arg11 : memref<128x128xf32, #tpu.memory_space<vmem>>)
    "tpu.region"() ({
      %run_scoped3A = tpu.sem_alloc : memref<!tpu.dma_semaphore, #tpu.memory_space<semaphore_mem>>
      %dma_start3A_169 = arith.constant 0 : i32
      %dma_start3A_170 = tpu.memref_slice %arg7[%add3A_86, %dma_start3A_169] : memref<16384x128xf32, #tpu.memory_space<hbm>> -> memref<128x128xf32, #tpu.memory_space<hbm>>
      %dma_start3A_171 = arith.constant 0 : i32
      %dma_start3A_172 = tpu.memref_slice %arg7[%add3A_86, %dma_start3A_171] : memref<16384x128xf32, #tpu.memory_space<hbm>> -> memref<128x128xf32, #tpu.memory_space<hbm>>
      tpu.enqueue_dma source(%arg11 : memref<128x128xf32, #tpu.memory_space<vmem>>) target(%dma_start3A_172 : memref<128x128xf32, #tpu.memory_space<hbm>>) target_semaphore(%run_scoped3A : memref<!tpu.dma_semaphore, #tpu.memory_space<semaphore_mem>>)
      %dma_wait3A_173 = arith.constant 0 : i32
      %dma_wait3A_174 = tpu.memref_slice %arg7[%add3A_86, %dma_wait3A_173] : memref<16384x128xf32, #tpu.memory_space<hbm>> -> memref<128x128xf32, #tpu.memory_space<hbm>>
      %dma_wait3A_175 = arith.constant 0 : i32
      %dma_wait3A_176 = tpu.memref_slice %arg7[%add3A_86, %dma_wait3A_175] : memref<16384x128xf32, #tpu.memory_space<hbm>> -> memref<128x128xf32, #tpu.memory_space<hbm>>
      tpu.wait_dma2 semaphore(%run_scoped3A : memref<!tpu.dma_semaphore, #tpu.memory_space<semaphore_mem>>) src(%arg11 : memref<128x128xf32, #tpu.memory_space<vmem>>) dst(%dma_wait3A_176 : memref<128x128xf32, #tpu.memory_space<hbm>>)
      tpu.yield
    }) : () -> ()
    %dma_start3A_115 = arith.constant 2 : i32
    %dma_start3A_116 = arith.constant 0 : i32
    %dma_start3A_117 = tpu.memref_slice %arg9[%dma_start3A_115, %dma_start3A_116] : memref<4x128xi32, #tpu.memory_space<vmem>> -> memref<1x128xi32, #tpu.memory_space<vmem>>
    %dma_start3A_118 = tpu.memref_squeeze %dma_start3A_117 : memref<1x128xi32, #tpu.memory_space<vmem>> -> memref<128xi32, #tpu.memory_space<vmem>>
    %dma_start3A_119 = arith.constant 0 : i32
    %dma_start3A_120 = tpu.memref_slice %arg3[%dma_start3A_119] : memref<100000xf32, #tpu.memory_space<hbm>> -> memref<100000xf32, #tpu.memory_space<hbm>>
    tpu.enqueue_indirect_dma source(%dma_start3A_120 : memref<100000xf32, #tpu.memory_space<hbm>>) target(%arg12 : memref<128xf32, #tpu.memory_space<vmem>>) offsets(%dma_start3A_118 : memref<128xi32, #tpu.memory_space<vmem>>) semaphore(%arg13 : memref<!tpu.dma_semaphore, #tpu.memory_space<semaphore_mem>>)
    %dma_wait3A_121 = arith.constant 2 : i32
    %dma_wait3A_122 = arith.constant 0 : i32
    %dma_wait3A_123 = tpu.memref_slice %arg9[%dma_wait3A_121, %dma_wait3A_122] : memref<4x128xi32, #tpu.memory_space<vmem>> -> memref<1x128xi32, #tpu.memory_space<vmem>>
    %dma_wait3A_124 = tpu.memref_squeeze %dma_wait3A_123 : memref<1x128xi32, #tpu.memory_space<vmem>> -> memref<128xi32, #tpu.memory_space<vmem>>
    %dma_wait3A_125 = arith.constant 0 : i32
    %dma_wait3A_126 = tpu.memref_slice %arg3[%dma_wait3A_125] : memref<100000xf32, #tpu.memory_space<hbm>> -> memref<100000xf32, #tpu.memory_space<hbm>>
    tpu.wait_indirect_dma semaphore(%arg13 : memref<!tpu.dma_semaphore, #tpu.memory_space<semaphore_mem>>) src(%dma_wait3A_126 : memref<100000xf32, #tpu.memory_space<hbm>>) dst(%arg12 : memref<128xf32, #tpu.memory_space<vmem>>)
    "tpu.region"() ({
      %run_scoped3A = tpu.sem_alloc : memref<!tpu.dma_semaphore, #tpu.memory_space<semaphore_mem>>
      %dma_start3A_169 = tpu.memref_slice %arg8[%add3A_86] : memref<16384xf32, #tpu.memory_space<hbm>> -> memref<128xf32, #tpu.memory_space<hbm>>
      %dma_start3A_170 = tpu.memref_slice %arg8[%add3A_86] : memref<16384xf32, #tpu.memory_space<hbm>> -> memref<128xf32, #tpu.memory_space<hbm>>
      tpu.enqueue_dma source(%arg12 : memref<128xf32, #tpu.memory_space<vmem>>) target(%dma_start3A_170 : memref<128xf32, #tpu.memory_space<hbm>>) target_semaphore(%run_scoped3A : memref<!tpu.dma_semaphore, #tpu.memory_space<semaphore_mem>>)
      %dma_wait3A_171 = tpu.memref_slice %arg8[%add3A_86] : memref<16384xf32, #tpu.memory_space<hbm>> -> memref<128xf32, #tpu.memory_space<hbm>>
      %dma_wait3A_172 = tpu.memref_slice %arg8[%add3A_86] : memref<16384xf32, #tpu.memory_space<hbm>> -> memref<128xf32, #tpu.memory_space<hbm>>
      tpu.wait_dma2 semaphore(%run_scoped3A : memref<!tpu.dma_semaphore, #tpu.memory_space<semaphore_mem>>) src(%arg12 : memref<128xf32, #tpu.memory_space<vmem>>) dst(%dma_wait3A_172 : memref<128xf32, #tpu.memory_space<hbm>>)
      tpu.yield
    }) : () -> ()
    %add3A_127 = arith.constant 384 : i32
    %add3A_128 = arith.addi %mul3A_2, %add3A_127 : i32
    %dma_start3A_129 = arith.constant 3 : i32
    %dma_start3A_130 = arith.constant 0 : i32
    %dma_start3A_131 = tpu.memref_slice %arg9[%dma_start3A_129, %dma_start3A_130] : memref<4x128xi32, #tpu.memory_space<vmem>> -> memref<1x128xi32, #tpu.memory_space<vmem>>
    %dma_start3A_132 = tpu.memref_squeeze %dma_start3A_131 : memref<1x128xi32, #tpu.memory_space<vmem>> -> memref<128xi32, #tpu.memory_space<vmem>>
    %dma_start3A_133 = arith.constant 0 : i32
    %dma_start3A_134 = arith.constant 0 : i32
    %dma_start3A_135 = tpu.memref_slice %arg2[%dma_start3A_133, %dma_start3A_134] : memref<100000x128xf32, #tpu.memory_space<hbm>> -> memref<100000x128xf32, #tpu.memory_space<hbm>>
    tpu.enqueue_indirect_dma source(%dma_start3A_135 : memref<100000x128xf32, #tpu.memory_space<hbm>>) target(%arg11 : memref<128x128xf32, #tpu.memory_space<vmem>>) offsets(%dma_start3A_132 : memref<128xi32, #tpu.memory_space<vmem>>) semaphore(%arg13 : memref<!tpu.dma_semaphore, #tpu.memory_space<semaphore_mem>>)
    %dma_wait3A_136 = arith.constant 3 : i32
    %dma_wait3A_137 = arith.constant 0 : i32
    %dma_wait3A_138 = tpu.memref_slice %arg9[%dma_wait3A_136, %dma_wait3A_137] : memref<4x128xi32, #tpu.memory_space<vmem>> -> memref<1x128xi32, #tpu.memory_space<vmem>>
    %dma_wait3A_139 = tpu.memref_squeeze %dma_wait3A_138 : memref<1x128xi32, #tpu.memory_space<vmem>> -> memref<128xi32, #tpu.memory_space<vmem>>
    %dma_wait3A_140 = arith.constant 0 : i32
    %dma_wait3A_141 = arith.constant 0 : i32
    %dma_wait3A_142 = tpu.memref_slice %arg2[%dma_wait3A_140, %dma_wait3A_141] : memref<100000x128xf32, #tpu.memory_space<hbm>> -> memref<100000x128xf32, #tpu.memory_space<hbm>>
    tpu.wait_indirect_dma semaphore(%arg13 : memref<!tpu.dma_semaphore, #tpu.memory_space<semaphore_mem>>) src(%dma_wait3A_142 : memref<100000x128xf32, #tpu.memory_space<hbm>>) dst(%arg11 : memref<128x128xf32, #tpu.memory_space<vmem>>)
    "tpu.region"() ({
      %run_scoped3A = tpu.sem_alloc : memref<!tpu.dma_semaphore, #tpu.memory_space<semaphore_mem>>
      %dma_start3A_169 = arith.constant 0 : i32
      %dma_start3A_170 = tpu.memref_slice %arg6[%add3A_128, %dma_start3A_169] : memref<16384x128xf32, #tpu.memory_space<hbm>> -> memref<128x128xf32, #tpu.memory_space<hbm>>
      %dma_start3A_171 = arith.constant 0 : i32
      %dma_start3A_172 = tpu.memref_slice %arg6[%add3A_128, %dma_start3A_171] : memref<16384x128xf32, #tpu.memory_space<hbm>> -> memref<128x128xf32, #tpu.memory_space<hbm>>
      tpu.enqueue_dma source(%arg11 : memref<128x128xf32, #tpu.memory_space<vmem>>) target(%dma_start3A_172 : memref<128x128xf32, #tpu.memory_space<hbm>>) target_semaphore(%run_scoped3A : memref<!tpu.dma_semaphore, #tpu.memory_space<semaphore_mem>>)
      %dma_wait3A_173 = arith.constant 0 : i32
      %dma_wait3A_174 = tpu.memref_slice %arg6[%add3A_128, %dma_wait3A_173] : memref<16384x128xf32, #tpu.memory_space<hbm>> -> memref<128x128xf32, #tpu.memory_space<hbm>>
      %dma_wait3A_175 = arith.constant 0 : i32
      %dma_wait3A_176 = tpu.memref_slice %arg6[%add3A_128, %dma_wait3A_175] : memref<16384x128xf32, #tpu.memory_space<hbm>> -> memref<128x128xf32, #tpu.memory_space<hbm>>
      tpu.wait_dma2 semaphore(%run_scoped3A : memref<!tpu.dma_semaphore, #tpu.memory_space<semaphore_mem>>) src(%arg11 : memref<128x128xf32, #tpu.memory_space<vmem>>) dst(%dma_wait3A_176 : memref<128x128xf32, #tpu.memory_space<hbm>>)
      tpu.yield
    }) : () -> ()
    %dma_start3A_143 = arith.constant 3 : i32
    %dma_start3A_144 = arith.constant 0 : i32
    %dma_start3A_145 = tpu.memref_slice %arg10[%dma_start3A_143, %dma_start3A_144] : memref<4x128xi32, #tpu.memory_space<vmem>> -> memref<1x128xi32, #tpu.memory_space<vmem>>
    %dma_start3A_146 = tpu.memref_squeeze %dma_start3A_145 : memref<1x128xi32, #tpu.memory_space<vmem>> -> memref<128xi32, #tpu.memory_space<vmem>>
    %dma_start3A_147 = arith.constant 0 : i32
    %dma_start3A_148 = arith.constant 0 : i32
    %dma_start3A_149 = tpu.memref_slice %arg2[%dma_start3A_147, %dma_start3A_148] : memref<100000x128xf32, #tpu.memory_space<hbm>> -> memref<100000x128xf32, #tpu.memory_space<hbm>>
    tpu.enqueue_indirect_dma source(%dma_start3A_149 : memref<100000x128xf32, #tpu.memory_space<hbm>>) target(%arg11 : memref<128x128xf32, #tpu.memory_space<vmem>>) offsets(%dma_start3A_146 : memref<128xi32, #tpu.memory_space<vmem>>) semaphore(%arg13 : memref<!tpu.dma_semaphore, #tpu.memory_space<semaphore_mem>>)
    %dma_wait3A_150 = arith.constant 3 : i32
    %dma_wait3A_151 = arith.constant 0 : i32
    %dma_wait3A_152 = tpu.memref_slice %arg10[%dma_wait3A_150, %dma_wait3A_151] : memref<4x128xi32, #tpu.memory_space<vmem>> -> memref<1x128xi32, #tpu.memory_space<vmem>>
    %dma_wait3A_153 = tpu.memref_squeeze %dma_wait3A_152 : memref<1x128xi32, #tpu.memory_space<vmem>> -> memref<128xi32, #tpu.memory_space<vmem>>
    %dma_wait3A_154 = arith.constant 0 : i32
    %dma_wait3A_155 = arith.constant 0 : i32
    %dma_wait3A_156 = tpu.memref_slice %arg2[%dma_wait3A_154, %dma_wait3A_155] : memref<100000x128xf32, #tpu.memory_space<hbm>> -> memref<100000x128xf32, #tpu.memory_space<hbm>>
    tpu.wait_indirect_dma semaphore(%arg13 : memref<!tpu.dma_semaphore, #tpu.memory_space<semaphore_mem>>) src(%dma_wait3A_156 : memref<100000x128xf32, #tpu.memory_space<hbm>>) dst(%arg11 : memref<128x128xf32, #tpu.memory_space<vmem>>)
    "tpu.region"() ({
      %run_scoped3A = tpu.sem_alloc : memref<!tpu.dma_semaphore, #tpu.memory_space<semaphore_mem>>
      %dma_start3A_169 = arith.constant 0 : i32
      %dma_start3A_170 = tpu.memref_slice %arg7[%add3A_128, %dma_start3A_169] : memref<16384x128xf32, #tpu.memory_space<hbm>> -> memref<128x128xf32, #tpu.memory_space<hbm>>
      %dma_start3A_171 = arith.constant 0 : i32
      %dma_start3A_172 = tpu.memref_slice %arg7[%add3A_128, %dma_start3A_171] : memref<16384x128xf32, #tpu.memory_space<hbm>> -> memref<128x128xf32, #tpu.memory_space<hbm>>
      tpu.enqueue_dma source(%arg11 : memref<128x128xf32, #tpu.memory_space<vmem>>) target(%dma_start3A_172 : memref<128x128xf32, #tpu.memory_space<hbm>>) target_semaphore(%run_scoped3A : memref<!tpu.dma_semaphore, #tpu.memory_space<semaphore_mem>>)
      %dma_wait3A_173 = arith.constant 0 : i32
      %dma_wait3A_174 = tpu.memref_slice %arg7[%add3A_128, %dma_wait3A_173] : memref<16384x128xf32, #tpu.memory_space<hbm>> -> memref<128x128xf32, #tpu.memory_space<hbm>>
      %dma_wait3A_175 = arith.constant 0 : i32
      %dma_wait3A_176 = tpu.memref_slice %arg7[%add3A_128, %dma_wait3A_175] : memref<16384x128xf32, #tpu.memory_space<hbm>> -> memref<128x128xf32, #tpu.memory_space<hbm>>
      tpu.wait_dma2 semaphore(%run_scoped3A : memref<!tpu.dma_semaphore, #tpu.memory_space<semaphore_mem>>) src(%arg11 : memref<128x128xf32, #tpu.memory_space<vmem>>) dst(%dma_wait3A_176 : memref<128x128xf32, #tpu.memory_space<hbm>>)
      tpu.yield
    }) : () -> ()
    %dma_start3A_157 = arith.constant 3 : i32
    %dma_start3A_158 = arith.constant 0 : i32
    %dma_start3A_159 = tpu.memref_slice %arg9[%dma_start3A_157, %dma_start3A_158] : memref<4x128xi32, #tpu.memory_space<vmem>> -> memref<1x128xi32, #tpu.memory_space<vmem>>
    %dma_start3A_160 = tpu.memref_squeeze %dma_start3A_159 : memref<1x128xi32, #tpu.memory_space<vmem>> -> memref<128xi32, #tpu.memory_space<vmem>>
    %dma_start3A_161 = arith.constant 0 : i32
    %dma_start3A_162 = tpu.memref_slice %arg3[%dma_start3A_161] : memref<100000xf32, #tpu.memory_space<hbm>> -> memref<100000xf32, #tpu.memory_space<hbm>>
    tpu.enqueue_indirect_dma source(%dma_start3A_162 : memref<100000xf32, #tpu.memory_space<hbm>>) target(%arg12 : memref<128xf32, #tpu.memory_space<vmem>>) offsets(%dma_start3A_160 : memref<128xi32, #tpu.memory_space<vmem>>) semaphore(%arg13 : memref<!tpu.dma_semaphore, #tpu.memory_space<semaphore_mem>>)
    %dma_wait3A_163 = arith.constant 3 : i32
    %dma_wait3A_164 = arith.constant 0 : i32
    %dma_wait3A_165 = tpu.memref_slice %arg9[%dma_wait3A_163, %dma_wait3A_164] : memref<4x128xi32, #tpu.memory_space<vmem>> -> memref<1x128xi32, #tpu.memory_space<vmem>>
    %dma_wait3A_166 = tpu.memref_squeeze %dma_wait3A_165 : memref<1x128xi32, #tpu.memory_space<vmem>> -> memref<128xi32, #tpu.memory_space<vmem>>
    %dma_wait3A_167 = arith.constant 0 : i32
    %dma_wait3A_168 = tpu.memref_slice %arg3[%dma_wait3A_167] : memref<100000xf32, #tpu.memory_space<hbm>> -> memref<100000xf32, #tpu.memory_space<hbm>>
    tpu.wait_indirect_dma semaphore(%arg13 : memref<!tpu.dma_semaphore, #tpu.memory_space<semaphore_mem>>) src(%dma_wait3A_168 : memref<100000xf32, #tpu.memory_space<hbm>>) dst(%arg12 : memref<128xf32, #tpu.memory_space<vmem>>)
    "tpu.region"() ({
      %run_scoped3A = tpu.sem_alloc : memref<!tpu.dma_semaphore, #tpu.memory_space<semaphore_mem>>
      %dma_start3A_169 = tpu.memref_slice %arg8[%add3A_128] : memref<16384xf32, #tpu.memory_space<hbm>> -> memref<128xf32, #tpu.memory_space<hbm>>
      %dma_start3A_170 = tpu.memref_slice %arg8[%add3A_128] : memref<16384xf32, #tpu.memory_space<hbm>> -> memref<128xf32, #tpu.memory_space<hbm>>
      tpu.enqueue_dma source(%arg12 : memref<128xf32, #tpu.memory_space<vmem>>) target(%dma_start3A_170 : memref<128xf32, #tpu.memory_space<hbm>>) target_semaphore(%run_scoped3A : memref<!tpu.dma_semaphore, #tpu.memory_space<semaphore_mem>>)
      %dma_wait3A_171 = tpu.memref_slice %arg8[%add3A_128] : memref<16384xf32, #tpu.memory_space<hbm>> -> memref<128xf32, #tpu.memory_space<hbm>>
      %dma_wait3A_172 = tpu.memref_slice %arg8[%add3A_128] : memref<16384xf32, #tpu.memory_space<hbm>> -> memref<128xf32, #tpu.memory_space<hbm>>
      tpu.wait_dma2 semaphore(%run_scoped3A : memref<!tpu.dma_semaphore, #tpu.memory_space<semaphore_mem>>) src(%arg12 : memref<128xf32, #tpu.memory_space<vmem>>) dst(%dma_wait3A_172 : memref<128xf32, #tpu.memory_space<hbm>>)
      tpu.yield
    }) : () -> ()
    return
  }
}

#map = affine_map<(d0, d1) -> (0, 0)>
#map1 = affine_map<(d0, d1) -> (0)>
#map2 = affine_map<(d0, d1) -> (0, 0, 0)>
module attributes {stable_mosaic.version = 14 : i64} {
  func.func @new_body(%arg0: i32, %arg1: i32, %arg2: memref<16384x128xf32, #tpu.memory_space<hbm>>, %arg3: memref<16384xf32, #tpu.memory_space<hbm>>, %arg4: memref<32x4x128xi32, #tpu.memory_space<hbm>>, %arg5: memref<32x4x128xi32, #tpu.memory_space<hbm>>, %arg6: memref<100000x128xf32, #tpu.memory_space<hbm>>, %arg7: memref<100000xf32, #tpu.memory_space<hbm>>, %arg8: memref<100000x128xf32, #tpu.memory_space<hbm>>, %arg9: memref<100000xf32, #tpu.memory_space<hbm>>, %arg10: memref<4x128xi32, #tpu.memory_space<vmem>>, %arg11: memref<4x128xi32, #tpu.memory_space<vmem>>, %arg12: memref<128x128xf32, #tpu.memory_space<vmem>>, %arg13: memref<128xf32, #tpu.memory_space<vmem>>, %arg14: memref<!tpu.dma_semaphore, #tpu.memory_space<semaphore_mem>>) attributes {dimension_semantics = [#tpu.dimension_semantics<core_parallel>, #tpu.dimension_semantics<subcore_parallel>], iteration_bounds = array<i64: 2, 16>, scalar_prefetch = 0 : i64, scratch_operands = 5 : i64, tpu.core_type = #tpu.core_type<sc_vector_subcore>, window_params = [{transform_indices = #map}, {transform_indices = #map1}, {transform_indices = #map2}, {transform_indices = #map2}, {transform_indices = #map}, {transform_indices = #map1}, {transform_indices = #map}, {transform_indices = #map1}]} {
    %mul3A = arith.constant 2 : i32
    %mul3A_0 = arith.muli %arg1, %mul3A : i32
    %add3A = arith.addi %mul3A_0, %arg0 : i32
    "tpu.region"() ({
      %run_scoped3A = tpu.sem_alloc : memref<!tpu.dma_semaphore, #tpu.memory_space<semaphore_mem>>
      %dma_start3A_207 = arith.constant 0 : i32
      %dma_start3A_208 = arith.constant 0 : i32
      %dma_start3A_209 = tpu.memref_slice %arg4[%add3A, %dma_start3A_207, %dma_start3A_208] : memref<32x4x128xi32, #tpu.memory_space<hbm>> -> memref<1x4x128xi32, #tpu.memory_space<hbm>>
      %dma_start3A_210 = tpu.memref_squeeze %dma_start3A_209 : memref<1x4x128xi32, #tpu.memory_space<hbm>> -> memref<4x128xi32, #tpu.memory_space<hbm>>
      %dma_start3A_211 = arith.constant 0 : i32
      %dma_start3A_212 = arith.constant 0 : i32
      %dma_start3A_213 = tpu.memref_slice %arg4[%add3A, %dma_start3A_211, %dma_start3A_212] : memref<32x4x128xi32, #tpu.memory_space<hbm>> -> memref<1x4x128xi32, #tpu.memory_space<hbm>>
      %dma_start3A_214 = tpu.memref_squeeze %dma_start3A_213 : memref<1x4x128xi32, #tpu.memory_space<hbm>> -> memref<4x128xi32, #tpu.memory_space<hbm>>
      tpu.enqueue_dma source(%dma_start3A_214 : memref<4x128xi32, #tpu.memory_space<hbm>>) target(%arg10 : memref<4x128xi32, #tpu.memory_space<vmem>>) target_semaphore(%run_scoped3A : memref<!tpu.dma_semaphore, #tpu.memory_space<semaphore_mem>>)
      %dma_wait3A_215 = arith.constant 0 : i32
      %dma_wait3A_216 = arith.constant 0 : i32
      %dma_wait3A_217 = tpu.memref_slice %arg4[%add3A, %dma_wait3A_215, %dma_wait3A_216] : memref<32x4x128xi32, #tpu.memory_space<hbm>> -> memref<1x4x128xi32, #tpu.memory_space<hbm>>
      %dma_wait3A_218 = tpu.memref_squeeze %dma_wait3A_217 : memref<1x4x128xi32, #tpu.memory_space<hbm>> -> memref<4x128xi32, #tpu.memory_space<hbm>>
      %dma_wait3A_219 = arith.constant 0 : i32
      %dma_wait3A_220 = arith.constant 0 : i32
      %dma_wait3A_221 = tpu.memref_slice %arg4[%add3A, %dma_wait3A_219, %dma_wait3A_220] : memref<32x4x128xi32, #tpu.memory_space<hbm>> -> memref<1x4x128xi32, #tpu.memory_space<hbm>>
      %dma_wait3A_222 = tpu.memref_squeeze %dma_wait3A_221 : memref<1x4x128xi32, #tpu.memory_space<hbm>> -> memref<4x128xi32, #tpu.memory_space<hbm>>
      tpu.wait_dma2 semaphore(%run_scoped3A : memref<!tpu.dma_semaphore, #tpu.memory_space<semaphore_mem>>) src(%dma_wait3A_222 : memref<4x128xi32, #tpu.memory_space<hbm>>) dst(%arg10 : memref<4x128xi32, #tpu.memory_space<vmem>>)
      tpu.yield
    }) : () -> ()
    "tpu.region"() ({
      %run_scoped3A = tpu.sem_alloc : memref<!tpu.dma_semaphore, #tpu.memory_space<semaphore_mem>>
      %dma_start3A_207 = arith.constant 0 : i32
      %dma_start3A_208 = arith.constant 0 : i32
      %dma_start3A_209 = tpu.memref_slice %arg5[%add3A, %dma_start3A_207, %dma_start3A_208] : memref<32x4x128xi32, #tpu.memory_space<hbm>> -> memref<1x4x128xi32, #tpu.memory_space<hbm>>
      %dma_start3A_210 = tpu.memref_squeeze %dma_start3A_209 : memref<1x4x128xi32, #tpu.memory_space<hbm>> -> memref<4x128xi32, #tpu.memory_space<hbm>>
      %dma_start3A_211 = arith.constant 0 : i32
      %dma_start3A_212 = arith.constant 0 : i32
      %dma_start3A_213 = tpu.memref_slice %arg5[%add3A, %dma_start3A_211, %dma_start3A_212] : memref<32x4x128xi32, #tpu.memory_space<hbm>> -> memref<1x4x128xi32, #tpu.memory_space<hbm>>
      %dma_start3A_214 = tpu.memref_squeeze %dma_start3A_213 : memref<1x4x128xi32, #tpu.memory_space<hbm>> -> memref<4x128xi32, #tpu.memory_space<hbm>>
      tpu.enqueue_dma source(%dma_start3A_214 : memref<4x128xi32, #tpu.memory_space<hbm>>) target(%arg11 : memref<4x128xi32, #tpu.memory_space<vmem>>) target_semaphore(%run_scoped3A : memref<!tpu.dma_semaphore, #tpu.memory_space<semaphore_mem>>)
      %dma_wait3A_215 = arith.constant 0 : i32
      %dma_wait3A_216 = arith.constant 0 : i32
      %dma_wait3A_217 = tpu.memref_slice %arg5[%add3A, %dma_wait3A_215, %dma_wait3A_216] : memref<32x4x128xi32, #tpu.memory_space<hbm>> -> memref<1x4x128xi32, #tpu.memory_space<hbm>>
      %dma_wait3A_218 = tpu.memref_squeeze %dma_wait3A_217 : memref<1x4x128xi32, #tpu.memory_space<hbm>> -> memref<4x128xi32, #tpu.memory_space<hbm>>
      %dma_wait3A_219 = arith.constant 0 : i32
      %dma_wait3A_220 = arith.constant 0 : i32
      %dma_wait3A_221 = tpu.memref_slice %arg5[%add3A, %dma_wait3A_219, %dma_wait3A_220] : memref<32x4x128xi32, #tpu.memory_space<hbm>> -> memref<1x4x128xi32, #tpu.memory_space<hbm>>
      %dma_wait3A_222 = tpu.memref_squeeze %dma_wait3A_221 : memref<1x4x128xi32, #tpu.memory_space<hbm>> -> memref<4x128xi32, #tpu.memory_space<hbm>>
      tpu.wait_dma2 semaphore(%run_scoped3A : memref<!tpu.dma_semaphore, #tpu.memory_space<semaphore_mem>>) src(%dma_wait3A_222 : memref<4x128xi32, #tpu.memory_space<hbm>>) dst(%arg11 : memref<4x128xi32, #tpu.memory_space<vmem>>)
      tpu.yield
    }) : () -> ()
    %dma_start3A = arith.constant 0 : i32
    %dma_start3A_1 = arith.constant 0 : i32
    %dma_start3A_2 = tpu.memref_slice %arg11[%dma_start3A, %dma_start3A_1] : memref<4x128xi32, #tpu.memory_space<vmem>> -> memref<1x128xi32, #tpu.memory_space<vmem>>
    %dma_start3A_3 = tpu.memref_squeeze %dma_start3A_2 : memref<1x128xi32, #tpu.memory_space<vmem>> -> memref<128xi32, #tpu.memory_space<vmem>>
    %dma_start3A_4 = arith.constant 0 : i32
    %dma_start3A_5 = arith.constant 0 : i32
    %dma_start3A_6 = tpu.memref_slice %arg2[%dma_start3A_4, %dma_start3A_5] : memref<16384x128xf32, #tpu.memory_space<hbm>> -> memref<16384x128xf32, #tpu.memory_space<hbm>>
    tpu.enqueue_indirect_dma source(%dma_start3A_6 : memref<16384x128xf32, #tpu.memory_space<hbm>>) target(%arg12 : memref<128x128xf32, #tpu.memory_space<vmem>>) offsets(%dma_start3A_3 : memref<128xi32, #tpu.memory_space<vmem>>) semaphore(%arg14 : memref<!tpu.dma_semaphore, #tpu.memory_space<semaphore_mem>>)
    %dma_wait3A = arith.constant 0 : i32
    %dma_wait3A_7 = arith.constant 0 : i32
    %dma_wait3A_8 = tpu.memref_slice %arg11[%dma_wait3A, %dma_wait3A_7] : memref<4x128xi32, #tpu.memory_space<vmem>> -> memref<1x128xi32, #tpu.memory_space<vmem>>
    %dma_wait3A_9 = tpu.memref_squeeze %dma_wait3A_8 : memref<1x128xi32, #tpu.memory_space<vmem>> -> memref<128xi32, #tpu.memory_space<vmem>>
    %dma_wait3A_10 = arith.constant 0 : i32
    %dma_wait3A_11 = arith.constant 0 : i32
    %dma_wait3A_12 = tpu.memref_slice %arg2[%dma_wait3A_10, %dma_wait3A_11] : memref<16384x128xf32, #tpu.memory_space<hbm>> -> memref<16384x128xf32, #tpu.memory_space<hbm>>
    tpu.wait_indirect_dma semaphore(%arg14 : memref<!tpu.dma_semaphore, #tpu.memory_space<semaphore_mem>>) src(%dma_wait3A_12 : memref<16384x128xf32, #tpu.memory_space<hbm>>) dst(%arg12 : memref<128x128xf32, #tpu.memory_space<vmem>>)
    %dma_start3A_13 = arith.constant 0 : i32
    %dma_start3A_14 = arith.constant 0 : i32
    %dma_start3A_15 = tpu.memref_slice %arg10[%dma_start3A_13, %dma_start3A_14] : memref<4x128xi32, #tpu.memory_space<vmem>> -> memref<1x128xi32, #tpu.memory_space<vmem>>
    %dma_start3A_16 = tpu.memref_squeeze %dma_start3A_15 : memref<1x128xi32, #tpu.memory_space<vmem>> -> memref<128xi32, #tpu.memory_space<vmem>>
    %dma_start3A_17 = arith.constant 0 : i32
    %dma_start3A_18 = arith.constant 0 : i32
    %dma_start3A_19 = tpu.memref_slice %arg6[%dma_start3A_17, %dma_start3A_18] : memref<100000x128xf32, #tpu.memory_space<hbm>> -> memref<100000x128xf32, #tpu.memory_space<hbm>>
    tpu.enqueue_indirect_dma source(%arg12 : memref<128x128xf32, #tpu.memory_space<vmem>>) target(%dma_start3A_19 : memref<100000x128xf32, #tpu.memory_space<hbm>>) offsets(%dma_start3A_16 : memref<128xi32, #tpu.memory_space<vmem>>) semaphore(%arg14 : memref<!tpu.dma_semaphore, #tpu.memory_space<semaphore_mem>>)
    %dma_wait3A_20 = arith.constant 0 : i32
    %dma_wait3A_21 = arith.constant 0 : i32
    %dma_wait3A_22 = tpu.memref_slice %arg10[%dma_wait3A_20, %dma_wait3A_21] : memref<4x128xi32, #tpu.memory_space<vmem>> -> memref<1x128xi32, #tpu.memory_space<vmem>>
    %dma_wait3A_23 = tpu.memref_squeeze %dma_wait3A_22 : memref<1x128xi32, #tpu.memory_space<vmem>> -> memref<128xi32, #tpu.memory_space<vmem>>
    %dma_wait3A_24 = arith.constant 0 : i32
    %dma_wait3A_25 = arith.constant 0 : i32
    %dma_wait3A_26 = tpu.memref_slice %arg6[%dma_wait3A_24, %dma_wait3A_25] : memref<100000x128xf32, #tpu.memory_space<hbm>> -> memref<100000x128xf32, #tpu.memory_space<hbm>>
    tpu.wait_indirect_dma semaphore(%arg14 : memref<!tpu.dma_semaphore, #tpu.memory_space<semaphore_mem>>) src(%arg12 : memref<128x128xf32, #tpu.memory_space<vmem>>) dst(%dma_wait3A_26 : memref<100000x128xf32, #tpu.memory_space<hbm>>)
    %dma_start3A_27 = arith.constant 0 : i32
    %dma_start3A_28 = arith.constant 0 : i32
    %dma_start3A_29 = tpu.memref_slice %arg11[%dma_start3A_27, %dma_start3A_28] : memref<4x128xi32, #tpu.memory_space<vmem>> -> memref<1x128xi32, #tpu.memory_space<vmem>>
    %dma_start3A_30 = tpu.memref_squeeze %dma_start3A_29 : memref<1x128xi32, #tpu.memory_space<vmem>> -> memref<128xi32, #tpu.memory_space<vmem>>
    %dma_start3A_31 = arith.constant 0 : i32
    %dma_start3A_32 = tpu.memref_slice %arg3[%dma_start3A_31] : memref<16384xf32, #tpu.memory_space<hbm>> -> memref<16384xf32, #tpu.memory_space<hbm>>
    tpu.enqueue_indirect_dma source(%dma_start3A_32 : memref<16384xf32, #tpu.memory_space<hbm>>) target(%arg13 : memref<128xf32, #tpu.memory_space<vmem>>) offsets(%dma_start3A_30 : memref<128xi32, #tpu.memory_space<vmem>>) semaphore(%arg14 : memref<!tpu.dma_semaphore, #tpu.memory_space<semaphore_mem>>)
    %dma_wait3A_33 = arith.constant 0 : i32
    %dma_wait3A_34 = arith.constant 0 : i32
    %dma_wait3A_35 = tpu.memref_slice %arg11[%dma_wait3A_33, %dma_wait3A_34] : memref<4x128xi32, #tpu.memory_space<vmem>> -> memref<1x128xi32, #tpu.memory_space<vmem>>
    %dma_wait3A_36 = tpu.memref_squeeze %dma_wait3A_35 : memref<1x128xi32, #tpu.memory_space<vmem>> -> memref<128xi32, #tpu.memory_space<vmem>>
    %dma_wait3A_37 = arith.constant 0 : i32
    %dma_wait3A_38 = tpu.memref_slice %arg3[%dma_wait3A_37] : memref<16384xf32, #tpu.memory_space<hbm>> -> memref<16384xf32, #tpu.memory_space<hbm>>
    tpu.wait_indirect_dma semaphore(%arg14 : memref<!tpu.dma_semaphore, #tpu.memory_space<semaphore_mem>>) src(%dma_wait3A_38 : memref<16384xf32, #tpu.memory_space<hbm>>) dst(%arg13 : memref<128xf32, #tpu.memory_space<vmem>>)
    %dma_start3A_39 = arith.constant 0 : i32
    %dma_start3A_40 = arith.constant 0 : i32
    %dma_start3A_41 = tpu.memref_slice %arg10[%dma_start3A_39, %dma_start3A_40] : memref<4x128xi32, #tpu.memory_space<vmem>> -> memref<1x128xi32, #tpu.memory_space<vmem>>
    %dma_start3A_42 = tpu.memref_squeeze %dma_start3A_41 : memref<1x128xi32, #tpu.memory_space<vmem>> -> memref<128xi32, #tpu.memory_space<vmem>>
    %dma_start3A_43 = arith.constant 0 : i32
    %dma_start3A_44 = tpu.memref_slice %arg7[%dma_start3A_43] : memref<100000xf32, #tpu.memory_space<hbm>> -> memref<100000xf32, #tpu.memory_space<hbm>>
    tpu.enqueue_indirect_dma source(%arg13 : memref<128xf32, #tpu.memory_space<vmem>>) target(%dma_start3A_44 : memref<100000xf32, #tpu.memory_space<hbm>>) offsets(%dma_start3A_42 : memref<128xi32, #tpu.memory_space<vmem>>) semaphore(%arg14 : memref<!tpu.dma_semaphore, #tpu.memory_space<semaphore_mem>>)
    %dma_wait3A_45 = arith.constant 0 : i32
    %dma_wait3A_46 = arith.constant 0 : i32
    %dma_wait3A_47 = tpu.memref_slice %arg10[%dma_wait3A_45, %dma_wait3A_46] : memref<4x128xi32, #tpu.memory_space<vmem>> -> memref<1x128xi32, #tpu.memory_space<vmem>>
    %dma_wait3A_48 = tpu.memref_squeeze %dma_wait3A_47 : memref<1x128xi32, #tpu.memory_space<vmem>> -> memref<128xi32, #tpu.memory_space<vmem>>
    %dma_wait3A_49 = arith.constant 0 : i32
    %dma_wait3A_50 = tpu.memref_slice %arg7[%dma_wait3A_49] : memref<100000xf32, #tpu.memory_space<hbm>> -> memref<100000xf32, #tpu.memory_space<hbm>>
    tpu.wait_indirect_dma semaphore(%arg14 : memref<!tpu.dma_semaphore, #tpu.memory_space<semaphore_mem>>) src(%arg13 : memref<128xf32, #tpu.memory_space<vmem>>) dst(%dma_wait3A_50 : memref<100000xf32, #tpu.memory_space<hbm>>)
    %dma_start3A_51 = arith.constant 1 : i32
    %dma_start3A_52 = arith.constant 0 : i32
    %dma_start3A_53 = tpu.memref_slice %arg11[%dma_start3A_51, %dma_start3A_52] : memref<4x128xi32, #tpu.memory_space<vmem>> -> memref<1x128xi32, #tpu.memory_space<vmem>>
    %dma_start3A_54 = tpu.memref_squeeze %dma_start3A_53 : memref<1x128xi32, #tpu.memory_space<vmem>> -> memref<128xi32, #tpu.memory_space<vmem>>
    %dma_start3A_55 = arith.constant 0 : i32
    %dma_start3A_56 = arith.constant 0 : i32
    %dma_start3A_57 = tpu.memref_slice %arg2[%dma_start3A_55, %dma_start3A_56] : memref<16384x128xf32, #tpu.memory_space<hbm>> -> memref<16384x128xf32, #tpu.memory_space<hbm>>
    tpu.enqueue_indirect_dma source(%dma_start3A_57 : memref<16384x128xf32, #tpu.memory_space<hbm>>) target(%arg12 : memref<128x128xf32, #tpu.memory_space<vmem>>) offsets(%dma_start3A_54 : memref<128xi32, #tpu.memory_space<vmem>>) semaphore(%arg14 : memref<!tpu.dma_semaphore, #tpu.memory_space<semaphore_mem>>)
    %dma_wait3A_58 = arith.constant 1 : i32
    %dma_wait3A_59 = arith.constant 0 : i32
    %dma_wait3A_60 = tpu.memref_slice %arg11[%dma_wait3A_58, %dma_wait3A_59] : memref<4x128xi32, #tpu.memory_space<vmem>> -> memref<1x128xi32, #tpu.memory_space<vmem>>
    %dma_wait3A_61 = tpu.memref_squeeze %dma_wait3A_60 : memref<1x128xi32, #tpu.memory_space<vmem>> -> memref<128xi32, #tpu.memory_space<vmem>>
    %dma_wait3A_62 = arith.constant 0 : i32
    %dma_wait3A_63 = arith.constant 0 : i32
    %dma_wait3A_64 = tpu.memref_slice %arg2[%dma_wait3A_62, %dma_wait3A_63] : memref<16384x128xf32, #tpu.memory_space<hbm>> -> memref<16384x128xf32, #tpu.memory_space<hbm>>
    tpu.wait_indirect_dma semaphore(%arg14 : memref<!tpu.dma_semaphore, #tpu.memory_space<semaphore_mem>>) src(%dma_wait3A_64 : memref<16384x128xf32, #tpu.memory_space<hbm>>) dst(%arg12 : memref<128x128xf32, #tpu.memory_space<vmem>>)
    %dma_start3A_65 = arith.constant 1 : i32
    %dma_start3A_66 = arith.constant 0 : i32
    %dma_start3A_67 = tpu.memref_slice %arg10[%dma_start3A_65, %dma_start3A_66] : memref<4x128xi32, #tpu.memory_space<vmem>> -> memref<1x128xi32, #tpu.memory_space<vmem>>
    %dma_start3A_68 = tpu.memref_squeeze %dma_start3A_67 : memref<1x128xi32, #tpu.memory_space<vmem>> -> memref<128xi32, #tpu.memory_space<vmem>>
    %dma_start3A_69 = arith.constant 0 : i32
    %dma_start3A_70 = arith.constant 0 : i32
    %dma_start3A_71 = tpu.memref_slice %arg6[%dma_start3A_69, %dma_start3A_70] : memref<100000x128xf32, #tpu.memory_space<hbm>> -> memref<100000x128xf32, #tpu.memory_space<hbm>>
    tpu.enqueue_indirect_dma source(%arg12 : memref<128x128xf32, #tpu.memory_space<vmem>>) target(%dma_start3A_71 : memref<100000x128xf32, #tpu.memory_space<hbm>>) offsets(%dma_start3A_68 : memref<128xi32, #tpu.memory_space<vmem>>) semaphore(%arg14 : memref<!tpu.dma_semaphore, #tpu.memory_space<semaphore_mem>>)
    %dma_wait3A_72 = arith.constant 1 : i32
    %dma_wait3A_73 = arith.constant 0 : i32
    %dma_wait3A_74 = tpu.memref_slice %arg10[%dma_wait3A_72, %dma_wait3A_73] : memref<4x128xi32, #tpu.memory_space<vmem>> -> memref<1x128xi32, #tpu.memory_space<vmem>>
    %dma_wait3A_75 = tpu.memref_squeeze %dma_wait3A_74 : memref<1x128xi32, #tpu.memory_space<vmem>> -> memref<128xi32, #tpu.memory_space<vmem>>
    %dma_wait3A_76 = arith.constant 0 : i32
    %dma_wait3A_77 = arith.constant 0 : i32
    %dma_wait3A_78 = tpu.memref_slice %arg6[%dma_wait3A_76, %dma_wait3A_77] : memref<100000x128xf32, #tpu.memory_space<hbm>> -> memref<100000x128xf32, #tpu.memory_space<hbm>>
    tpu.wait_indirect_dma semaphore(%arg14 : memref<!tpu.dma_semaphore, #tpu.memory_space<semaphore_mem>>) src(%arg12 : memref<128x128xf32, #tpu.memory_space<vmem>>) dst(%dma_wait3A_78 : memref<100000x128xf32, #tpu.memory_space<hbm>>)
    %dma_start3A_79 = arith.constant 1 : i32
    %dma_start3A_80 = arith.constant 0 : i32
    %dma_start3A_81 = tpu.memref_slice %arg11[%dma_start3A_79, %dma_start3A_80] : memref<4x128xi32, #tpu.memory_space<vmem>> -> memref<1x128xi32, #tpu.memory_space<vmem>>
    %dma_start3A_82 = tpu.memref_squeeze %dma_start3A_81 : memref<1x128xi32, #tpu.memory_space<vmem>> -> memref<128xi32, #tpu.memory_space<vmem>>
    %dma_start3A_83 = arith.constant 0 : i32
    %dma_start3A_84 = tpu.memref_slice %arg3[%dma_start3A_83] : memref<16384xf32, #tpu.memory_space<hbm>> -> memref<16384xf32, #tpu.memory_space<hbm>>
    tpu.enqueue_indirect_dma source(%dma_start3A_84 : memref<16384xf32, #tpu.memory_space<hbm>>) target(%arg13 : memref<128xf32, #tpu.memory_space<vmem>>) offsets(%dma_start3A_82 : memref<128xi32, #tpu.memory_space<vmem>>) semaphore(%arg14 : memref<!tpu.dma_semaphore, #tpu.memory_space<semaphore_mem>>)
    %dma_wait3A_85 = arith.constant 1 : i32
    %dma_wait3A_86 = arith.constant 0 : i32
    %dma_wait3A_87 = tpu.memref_slice %arg11[%dma_wait3A_85, %dma_wait3A_86] : memref<4x128xi32, #tpu.memory_space<vmem>> -> memref<1x128xi32, #tpu.memory_space<vmem>>
    %dma_wait3A_88 = tpu.memref_squeeze %dma_wait3A_87 : memref<1x128xi32, #tpu.memory_space<vmem>> -> memref<128xi32, #tpu.memory_space<vmem>>
    %dma_wait3A_89 = arith.constant 0 : i32
    %dma_wait3A_90 = tpu.memref_slice %arg3[%dma_wait3A_89] : memref<16384xf32, #tpu.memory_space<hbm>> -> memref<16384xf32, #tpu.memory_space<hbm>>
    tpu.wait_indirect_dma semaphore(%arg14 : memref<!tpu.dma_semaphore, #tpu.memory_space<semaphore_mem>>) src(%dma_wait3A_90 : memref<16384xf32, #tpu.memory_space<hbm>>) dst(%arg13 : memref<128xf32, #tpu.memory_space<vmem>>)
    %dma_start3A_91 = arith.constant 1 : i32
    %dma_start3A_92 = arith.constant 0 : i32
    %dma_start3A_93 = tpu.memref_slice %arg10[%dma_start3A_91, %dma_start3A_92] : memref<4x128xi32, #tpu.memory_space<vmem>> -> memref<1x128xi32, #tpu.memory_space<vmem>>
    %dma_start3A_94 = tpu.memref_squeeze %dma_start3A_93 : memref<1x128xi32, #tpu.memory_space<vmem>> -> memref<128xi32, #tpu.memory_space<vmem>>
    %dma_start3A_95 = arith.constant 0 : i32
    %dma_start3A_96 = tpu.memref_slice %arg7[%dma_start3A_95] : memref<100000xf32, #tpu.memory_space<hbm>> -> memref<100000xf32, #tpu.memory_space<hbm>>
    tpu.enqueue_indirect_dma source(%arg13 : memref<128xf32, #tpu.memory_space<vmem>>) target(%dma_start3A_96 : memref<100000xf32, #tpu.memory_space<hbm>>) offsets(%dma_start3A_94 : memref<128xi32, #tpu.memory_space<vmem>>) semaphore(%arg14 : memref<!tpu.dma_semaphore, #tpu.memory_space<semaphore_mem>>)
    %dma_wait3A_97 = arith.constant 1 : i32
    %dma_wait3A_98 = arith.constant 0 : i32
    %dma_wait3A_99 = tpu.memref_slice %arg10[%dma_wait3A_97, %dma_wait3A_98] : memref<4x128xi32, #tpu.memory_space<vmem>> -> memref<1x128xi32, #tpu.memory_space<vmem>>
    %dma_wait3A_100 = tpu.memref_squeeze %dma_wait3A_99 : memref<1x128xi32, #tpu.memory_space<vmem>> -> memref<128xi32, #tpu.memory_space<vmem>>
    %dma_wait3A_101 = arith.constant 0 : i32
    %dma_wait3A_102 = tpu.memref_slice %arg7[%dma_wait3A_101] : memref<100000xf32, #tpu.memory_space<hbm>> -> memref<100000xf32, #tpu.memory_space<hbm>>
    tpu.wait_indirect_dma semaphore(%arg14 : memref<!tpu.dma_semaphore, #tpu.memory_space<semaphore_mem>>) src(%arg13 : memref<128xf32, #tpu.memory_space<vmem>>) dst(%dma_wait3A_102 : memref<100000xf32, #tpu.memory_space<hbm>>)
    %dma_start3A_103 = arith.constant 2 : i32
    %dma_start3A_104 = arith.constant 0 : i32
    %dma_start3A_105 = tpu.memref_slice %arg11[%dma_start3A_103, %dma_start3A_104] : memref<4x128xi32, #tpu.memory_space<vmem>> -> memref<1x128xi32, #tpu.memory_space<vmem>>
    %dma_start3A_106 = tpu.memref_squeeze %dma_start3A_105 : memref<1x128xi32, #tpu.memory_space<vmem>> -> memref<128xi32, #tpu.memory_space<vmem>>
    %dma_start3A_107 = arith.constant 0 : i32
    %dma_start3A_108 = arith.constant 0 : i32
    %dma_start3A_109 = tpu.memref_slice %arg2[%dma_start3A_107, %dma_start3A_108] : memref<16384x128xf32, #tpu.memory_space<hbm>> -> memref<16384x128xf32, #tpu.memory_space<hbm>>
    tpu.enqueue_indirect_dma source(%dma_start3A_109 : memref<16384x128xf32, #tpu.memory_space<hbm>>) target(%arg12 : memref<128x128xf32, #tpu.memory_space<vmem>>) offsets(%dma_start3A_106 : memref<128xi32, #tpu.memory_space<vmem>>) semaphore(%arg14 : memref<!tpu.dma_semaphore, #tpu.memory_space<semaphore_mem>>)
    %dma_wait3A_110 = arith.constant 2 : i32
    %dma_wait3A_111 = arith.constant 0 : i32
    %dma_wait3A_112 = tpu.memref_slice %arg11[%dma_wait3A_110, %dma_wait3A_111] : memref<4x128xi32, #tpu.memory_space<vmem>> -> memref<1x128xi32, #tpu.memory_space<vmem>>
    %dma_wait3A_113 = tpu.memref_squeeze %dma_wait3A_112 : memref<1x128xi32, #tpu.memory_space<vmem>> -> memref<128xi32, #tpu.memory_space<vmem>>
    %dma_wait3A_114 = arith.constant 0 : i32
    %dma_wait3A_115 = arith.constant 0 : i32
    %dma_wait3A_116 = tpu.memref_slice %arg2[%dma_wait3A_114, %dma_wait3A_115] : memref<16384x128xf32, #tpu.memory_space<hbm>> -> memref<16384x128xf32, #tpu.memory_space<hbm>>
    tpu.wait_indirect_dma semaphore(%arg14 : memref<!tpu.dma_semaphore, #tpu.memory_space<semaphore_mem>>) src(%dma_wait3A_116 : memref<16384x128xf32, #tpu.memory_space<hbm>>) dst(%arg12 : memref<128x128xf32, #tpu.memory_space<vmem>>)
    %dma_start3A_117 = arith.constant 2 : i32
    %dma_start3A_118 = arith.constant 0 : i32
    %dma_start3A_119 = tpu.memref_slice %arg10[%dma_start3A_117, %dma_start3A_118] : memref<4x128xi32, #tpu.memory_space<vmem>> -> memref<1x128xi32, #tpu.memory_space<vmem>>
    %dma_start3A_120 = tpu.memref_squeeze %dma_start3A_119 : memref<1x128xi32, #tpu.memory_space<vmem>> -> memref<128xi32, #tpu.memory_space<vmem>>
    %dma_start3A_121 = arith.constant 0 : i32
    %dma_start3A_122 = arith.constant 0 : i32
    %dma_start3A_123 = tpu.memref_slice %arg6[%dma_start3A_121, %dma_start3A_122] : memref<100000x128xf32, #tpu.memory_space<hbm>> -> memref<100000x128xf32, #tpu.memory_space<hbm>>
    tpu.enqueue_indirect_dma source(%arg12 : memref<128x128xf32, #tpu.memory_space<vmem>>) target(%dma_start3A_123 : memref<100000x128xf32, #tpu.memory_space<hbm>>) offsets(%dma_start3A_120 : memref<128xi32, #tpu.memory_space<vmem>>) semaphore(%arg14 : memref<!tpu.dma_semaphore, #tpu.memory_space<semaphore_mem>>)
    %dma_wait3A_124 = arith.constant 2 : i32
    %dma_wait3A_125 = arith.constant 0 : i32
    %dma_wait3A_126 = tpu.memref_slice %arg10[%dma_wait3A_124, %dma_wait3A_125] : memref<4x128xi32, #tpu.memory_space<vmem>> -> memref<1x128xi32, #tpu.memory_space<vmem>>
    %dma_wait3A_127 = tpu.memref_squeeze %dma_wait3A_126 : memref<1x128xi32, #tpu.memory_space<vmem>> -> memref<128xi32, #tpu.memory_space<vmem>>
    %dma_wait3A_128 = arith.constant 0 : i32
    %dma_wait3A_129 = arith.constant 0 : i32
    %dma_wait3A_130 = tpu.memref_slice %arg6[%dma_wait3A_128, %dma_wait3A_129] : memref<100000x128xf32, #tpu.memory_space<hbm>> -> memref<100000x128xf32, #tpu.memory_space<hbm>>
    tpu.wait_indirect_dma semaphore(%arg14 : memref<!tpu.dma_semaphore, #tpu.memory_space<semaphore_mem>>) src(%arg12 : memref<128x128xf32, #tpu.memory_space<vmem>>) dst(%dma_wait3A_130 : memref<100000x128xf32, #tpu.memory_space<hbm>>)
    %dma_start3A_131 = arith.constant 2 : i32
    %dma_start3A_132 = arith.constant 0 : i32
    %dma_start3A_133 = tpu.memref_slice %arg11[%dma_start3A_131, %dma_start3A_132] : memref<4x128xi32, #tpu.memory_space<vmem>> -> memref<1x128xi32, #tpu.memory_space<vmem>>
    %dma_start3A_134 = tpu.memref_squeeze %dma_start3A_133 : memref<1x128xi32, #tpu.memory_space<vmem>> -> memref<128xi32, #tpu.memory_space<vmem>>
    %dma_start3A_135 = arith.constant 0 : i32
    %dma_start3A_136 = tpu.memref_slice %arg3[%dma_start3A_135] : memref<16384xf32, #tpu.memory_space<hbm>> -> memref<16384xf32, #tpu.memory_space<hbm>>
    tpu.enqueue_indirect_dma source(%dma_start3A_136 : memref<16384xf32, #tpu.memory_space<hbm>>) target(%arg13 : memref<128xf32, #tpu.memory_space<vmem>>) offsets(%dma_start3A_134 : memref<128xi32, #tpu.memory_space<vmem>>) semaphore(%arg14 : memref<!tpu.dma_semaphore, #tpu.memory_space<semaphore_mem>>)
    %dma_wait3A_137 = arith.constant 2 : i32
    %dma_wait3A_138 = arith.constant 0 : i32
    %dma_wait3A_139 = tpu.memref_slice %arg11[%dma_wait3A_137, %dma_wait3A_138] : memref<4x128xi32, #tpu.memory_space<vmem>> -> memref<1x128xi32, #tpu.memory_space<vmem>>
    %dma_wait3A_140 = tpu.memref_squeeze %dma_wait3A_139 : memref<1x128xi32, #tpu.memory_space<vmem>> -> memref<128xi32, #tpu.memory_space<vmem>>
    %dma_wait3A_141 = arith.constant 0 : i32
    %dma_wait3A_142 = tpu.memref_slice %arg3[%dma_wait3A_141] : memref<16384xf32, #tpu.memory_space<hbm>> -> memref<16384xf32, #tpu.memory_space<hbm>>
    tpu.wait_indirect_dma semaphore(%arg14 : memref<!tpu.dma_semaphore, #tpu.memory_space<semaphore_mem>>) src(%dma_wait3A_142 : memref<16384xf32, #tpu.memory_space<hbm>>) dst(%arg13 : memref<128xf32, #tpu.memory_space<vmem>>)
    %dma_start3A_143 = arith.constant 2 : i32
    %dma_start3A_144 = arith.constant 0 : i32
    %dma_start3A_145 = tpu.memref_slice %arg10[%dma_start3A_143, %dma_start3A_144] : memref<4x128xi32, #tpu.memory_space<vmem>> -> memref<1x128xi32, #tpu.memory_space<vmem>>
    %dma_start3A_146 = tpu.memref_squeeze %dma_start3A_145 : memref<1x128xi32, #tpu.memory_space<vmem>> -> memref<128xi32, #tpu.memory_space<vmem>>
    %dma_start3A_147 = arith.constant 0 : i32
    %dma_start3A_148 = tpu.memref_slice %arg7[%dma_start3A_147] : memref<100000xf32, #tpu.memory_space<hbm>> -> memref<100000xf32, #tpu.memory_space<hbm>>
    tpu.enqueue_indirect_dma source(%arg13 : memref<128xf32, #tpu.memory_space<vmem>>) target(%dma_start3A_148 : memref<100000xf32, #tpu.memory_space<hbm>>) offsets(%dma_start3A_146 : memref<128xi32, #tpu.memory_space<vmem>>) semaphore(%arg14 : memref<!tpu.dma_semaphore, #tpu.memory_space<semaphore_mem>>)
    %dma_wait3A_149 = arith.constant 2 : i32
    %dma_wait3A_150 = arith.constant 0 : i32
    %dma_wait3A_151 = tpu.memref_slice %arg10[%dma_wait3A_149, %dma_wait3A_150] : memref<4x128xi32, #tpu.memory_space<vmem>> -> memref<1x128xi32, #tpu.memory_space<vmem>>
    %dma_wait3A_152 = tpu.memref_squeeze %dma_wait3A_151 : memref<1x128xi32, #tpu.memory_space<vmem>> -> memref<128xi32, #tpu.memory_space<vmem>>
    %dma_wait3A_153 = arith.constant 0 : i32
    %dma_wait3A_154 = tpu.memref_slice %arg7[%dma_wait3A_153] : memref<100000xf32, #tpu.memory_space<hbm>> -> memref<100000xf32, #tpu.memory_space<hbm>>
    tpu.wait_indirect_dma semaphore(%arg14 : memref<!tpu.dma_semaphore, #tpu.memory_space<semaphore_mem>>) src(%arg13 : memref<128xf32, #tpu.memory_space<vmem>>) dst(%dma_wait3A_154 : memref<100000xf32, #tpu.memory_space<hbm>>)
    %dma_start3A_155 = arith.constant 3 : i32
    %dma_start3A_156 = arith.constant 0 : i32
    %dma_start3A_157 = tpu.memref_slice %arg11[%dma_start3A_155, %dma_start3A_156] : memref<4x128xi32, #tpu.memory_space<vmem>> -> memref<1x128xi32, #tpu.memory_space<vmem>>
    %dma_start3A_158 = tpu.memref_squeeze %dma_start3A_157 : memref<1x128xi32, #tpu.memory_space<vmem>> -> memref<128xi32, #tpu.memory_space<vmem>>
    %dma_start3A_159 = arith.constant 0 : i32
    %dma_start3A_160 = arith.constant 0 : i32
    %dma_start3A_161 = tpu.memref_slice %arg2[%dma_start3A_159, %dma_start3A_160] : memref<16384x128xf32, #tpu.memory_space<hbm>> -> memref<16384x128xf32, #tpu.memory_space<hbm>>
    tpu.enqueue_indirect_dma source(%dma_start3A_161 : memref<16384x128xf32, #tpu.memory_space<hbm>>) target(%arg12 : memref<128x128xf32, #tpu.memory_space<vmem>>) offsets(%dma_start3A_158 : memref<128xi32, #tpu.memory_space<vmem>>) semaphore(%arg14 : memref<!tpu.dma_semaphore, #tpu.memory_space<semaphore_mem>>)
    %dma_wait3A_162 = arith.constant 3 : i32
    %dma_wait3A_163 = arith.constant 0 : i32
    %dma_wait3A_164 = tpu.memref_slice %arg11[%dma_wait3A_162, %dma_wait3A_163] : memref<4x128xi32, #tpu.memory_space<vmem>> -> memref<1x128xi32, #tpu.memory_space<vmem>>
    %dma_wait3A_165 = tpu.memref_squeeze %dma_wait3A_164 : memref<1x128xi32, #tpu.memory_space<vmem>> -> memref<128xi32, #tpu.memory_space<vmem>>
    %dma_wait3A_166 = arith.constant 0 : i32
    %dma_wait3A_167 = arith.constant 0 : i32
    %dma_wait3A_168 = tpu.memref_slice %arg2[%dma_wait3A_166, %dma_wait3A_167] : memref<16384x128xf32, #tpu.memory_space<hbm>> -> memref<16384x128xf32, #tpu.memory_space<hbm>>
    tpu.wait_indirect_dma semaphore(%arg14 : memref<!tpu.dma_semaphore, #tpu.memory_space<semaphore_mem>>) src(%dma_wait3A_168 : memref<16384x128xf32, #tpu.memory_space<hbm>>) dst(%arg12 : memref<128x128xf32, #tpu.memory_space<vmem>>)
    %dma_start3A_169 = arith.constant 3 : i32
    %dma_start3A_170 = arith.constant 0 : i32
    %dma_start3A_171 = tpu.memref_slice %arg10[%dma_start3A_169, %dma_start3A_170] : memref<4x128xi32, #tpu.memory_space<vmem>> -> memref<1x128xi32, #tpu.memory_space<vmem>>
    %dma_start3A_172 = tpu.memref_squeeze %dma_start3A_171 : memref<1x128xi32, #tpu.memory_space<vmem>> -> memref<128xi32, #tpu.memory_space<vmem>>
    %dma_start3A_173 = arith.constant 0 : i32
    %dma_start3A_174 = arith.constant 0 : i32
    %dma_start3A_175 = tpu.memref_slice %arg6[%dma_start3A_173, %dma_start3A_174] : memref<100000x128xf32, #tpu.memory_space<hbm>> -> memref<100000x128xf32, #tpu.memory_space<hbm>>
    tpu.enqueue_indirect_dma source(%arg12 : memref<128x128xf32, #tpu.memory_space<vmem>>) target(%dma_start3A_175 : memref<100000x128xf32, #tpu.memory_space<hbm>>) offsets(%dma_start3A_172 : memref<128xi32, #tpu.memory_space<vmem>>) semaphore(%arg14 : memref<!tpu.dma_semaphore, #tpu.memory_space<semaphore_mem>>)
    %dma_wait3A_176 = arith.constant 3 : i32
    %dma_wait3A_177 = arith.constant 0 : i32
    %dma_wait3A_178 = tpu.memref_slice %arg10[%dma_wait3A_176, %dma_wait3A_177] : memref<4x128xi32, #tpu.memory_space<vmem>> -> memref<1x128xi32, #tpu.memory_space<vmem>>
    %dma_wait3A_179 = tpu.memref_squeeze %dma_wait3A_178 : memref<1x128xi32, #tpu.memory_space<vmem>> -> memref<128xi32, #tpu.memory_space<vmem>>
    %dma_wait3A_180 = arith.constant 0 : i32
    %dma_wait3A_181 = arith.constant 0 : i32
    %dma_wait3A_182 = tpu.memref_slice %arg6[%dma_wait3A_180, %dma_wait3A_181] : memref<100000x128xf32, #tpu.memory_space<hbm>> -> memref<100000x128xf32, #tpu.memory_space<hbm>>
    tpu.wait_indirect_dma semaphore(%arg14 : memref<!tpu.dma_semaphore, #tpu.memory_space<semaphore_mem>>) src(%arg12 : memref<128x128xf32, #tpu.memory_space<vmem>>) dst(%dma_wait3A_182 : memref<100000x128xf32, #tpu.memory_space<hbm>>)
    %dma_start3A_183 = arith.constant 3 : i32
    %dma_start3A_184 = arith.constant 0 : i32
    %dma_start3A_185 = tpu.memref_slice %arg11[%dma_start3A_183, %dma_start3A_184] : memref<4x128xi32, #tpu.memory_space<vmem>> -> memref<1x128xi32, #tpu.memory_space<vmem>>
    %dma_start3A_186 = tpu.memref_squeeze %dma_start3A_185 : memref<1x128xi32, #tpu.memory_space<vmem>> -> memref<128xi32, #tpu.memory_space<vmem>>
    %dma_start3A_187 = arith.constant 0 : i32
    %dma_start3A_188 = tpu.memref_slice %arg3[%dma_start3A_187] : memref<16384xf32, #tpu.memory_space<hbm>> -> memref<16384xf32, #tpu.memory_space<hbm>>
    tpu.enqueue_indirect_dma source(%dma_start3A_188 : memref<16384xf32, #tpu.memory_space<hbm>>) target(%arg13 : memref<128xf32, #tpu.memory_space<vmem>>) offsets(%dma_start3A_186 : memref<128xi32, #tpu.memory_space<vmem>>) semaphore(%arg14 : memref<!tpu.dma_semaphore, #tpu.memory_space<semaphore_mem>>)
    %dma_wait3A_189 = arith.constant 3 : i32
    %dma_wait3A_190 = arith.constant 0 : i32
    %dma_wait3A_191 = tpu.memref_slice %arg11[%dma_wait3A_189, %dma_wait3A_190] : memref<4x128xi32, #tpu.memory_space<vmem>> -> memref<1x128xi32, #tpu.memory_space<vmem>>
    %dma_wait3A_192 = tpu.memref_squeeze %dma_wait3A_191 : memref<1x128xi32, #tpu.memory_space<vmem>> -> memref<128xi32, #tpu.memory_space<vmem>>
    %dma_wait3A_193 = arith.constant 0 : i32
    %dma_wait3A_194 = tpu.memref_slice %arg3[%dma_wait3A_193] : memref<16384xf32, #tpu.memory_space<hbm>> -> memref<16384xf32, #tpu.memory_space<hbm>>
    tpu.wait_indirect_dma semaphore(%arg14 : memref<!tpu.dma_semaphore, #tpu.memory_space<semaphore_mem>>) src(%dma_wait3A_194 : memref<16384xf32, #tpu.memory_space<hbm>>) dst(%arg13 : memref<128xf32, #tpu.memory_space<vmem>>)
    %dma_start3A_195 = arith.constant 3 : i32
    %dma_start3A_196 = arith.constant 0 : i32
    %dma_start3A_197 = tpu.memref_slice %arg10[%dma_start3A_195, %dma_start3A_196] : memref<4x128xi32, #tpu.memory_space<vmem>> -> memref<1x128xi32, #tpu.memory_space<vmem>>
    %dma_start3A_198 = tpu.memref_squeeze %dma_start3A_197 : memref<1x128xi32, #tpu.memory_space<vmem>> -> memref<128xi32, #tpu.memory_space<vmem>>
    %dma_start3A_199 = arith.constant 0 : i32
    %dma_start3A_200 = tpu.memref_slice %arg7[%dma_start3A_199] : memref<100000xf32, #tpu.memory_space<hbm>> -> memref<100000xf32, #tpu.memory_space<hbm>>
    tpu.enqueue_indirect_dma source(%arg13 : memref<128xf32, #tpu.memory_space<vmem>>) target(%dma_start3A_200 : memref<100000xf32, #tpu.memory_space<hbm>>) offsets(%dma_start3A_198 : memref<128xi32, #tpu.memory_space<vmem>>) semaphore(%arg14 : memref<!tpu.dma_semaphore, #tpu.memory_space<semaphore_mem>>)
    %dma_wait3A_201 = arith.constant 3 : i32
    %dma_wait3A_202 = arith.constant 0 : i32
    %dma_wait3A_203 = tpu.memref_slice %arg10[%dma_wait3A_201, %dma_wait3A_202] : memref<4x128xi32, #tpu.memory_space<vmem>> -> memref<1x128xi32, #tpu.memory_space<vmem>>
    %dma_wait3A_204 = tpu.memref_squeeze %dma_wait3A_203 : memref<1x128xi32, #tpu.memory_space<vmem>> -> memref<128xi32, #tpu.memory_space<vmem>>
    %dma_wait3A_205 = arith.constant 0 : i32
    %dma_wait3A_206 = tpu.memref_slice %arg7[%dma_wait3A_205] : memref<100000xf32, #tpu.memory_space<hbm>> -> memref<100000xf32, #tpu.memory_space<hbm>>
    tpu.wait_indirect_dma semaphore(%arg14 : memref<!tpu.dma_semaphore, #tpu.memory_space<semaphore_mem>>) src(%arg13 : memref<128xf32, #tpu.memory_space<vmem>>) dst(%dma_wait3A_206 : memref<100000xf32, #tpu.memory_space<hbm>>)
    return
  }
}

module attributes {stable_mosaic.version = 14 : i64} {
  func.func @_gru_body(%arg0: i32, %arg1: memref<2048x1xf32, #tpu.memory_space<vmem>>, %arg2: memref<2048x128xf32, #tpu.memory_space<vmem>>, %arg3: memref<2048x128xf32, #tpu.memory_space<vmem>>, %arg4: memref<2048x16xf32, #tpu.memory_space<vmem>>, %arg5: memref<1x16xf32, #tpu.memory_space<vmem>>, %arg6: memref<1x16xf32, #tpu.memory_space<vmem>>, %arg7: memref<288x384xf32, #tpu.memory_space<vmem>>, %arg8: memref<128x384xf32, #tpu.memory_space<vmem>>, %arg9: memref<1x384xf32, #tpu.memory_space<vmem>>, %arg10: memref<1x384xf32, #tpu.memory_space<vmem>>, %arg11: memref<2048x128xf32, #tpu.memory_space<vmem>>) attributes {dimension_semantics = [#tpu.dimension_semantics<arbitrary>], iteration_bounds = array<i64: 8>, scalar_prefetch = 0 : i64, scratch_operands = 0 : i64, tpu.core_type = #tpu.core_type<tc>, window_params = [{transform_indices = @transform_0, window_bounds = array<i64: 2048, 1>}, {transform_indices = @transform_1, window_bounds = array<i64: 2048, 128>}, {transform_indices = @transform_2, window_bounds = array<i64: 2048, 128>}, {transform_indices = @transform_3, window_bounds = array<i64: 2048, 16>}, {pipeline_mode = #tpu.pipeline_mode<synchronous>, transform_indices = @transform_4, window_bounds = array<i64: 1, 16>}, {pipeline_mode = #tpu.pipeline_mode<synchronous>, transform_indices = @transform_5, window_bounds = array<i64: 1, 16>}, {pipeline_mode = #tpu.pipeline_mode<synchronous>, transform_indices = @transform_6, window_bounds = array<i64: 288, 384>}, {pipeline_mode = #tpu.pipeline_mode<synchronous>, transform_indices = @transform_7, window_bounds = array<i64: 128, 384>}, {pipeline_mode = #tpu.pipeline_mode<synchronous>, transform_indices = @transform_8, window_bounds = array<i64: 1, 384>}, {pipeline_mode = #tpu.pipeline_mode<synchronous>, transform_indices = @transform_9, window_bounds = array<i64: 1, 384>}, {transform_indices = @transform_10, window_bounds = array<i64: 2048, 128>}]} {
    %get3A = arith.constant 0 : index
    %get3A_0 = arith.constant 0 : index
    %get3A_1 = vector.load %arg2[%get3A, %get3A_0] : memref<2048x128xf32, #tpu.memory_space<vmem>>, vector<2048x128xf32>
    %get3A_2 = arith.constant 0 : index
    %get3A_3 = arith.constant 0 : index
    %get3A_4 = vector.load %arg1[%get3A_2, %get3A_3] : memref<2048x1xf32, #tpu.memory_space<vmem>>, vector<2048x1xf32>
    %get3A_5 = arith.constant 0 : index
    %get3A_6 = arith.constant 0 : index
    %get3A_7 = vector.load %arg5[%get3A_5, %get3A_6] : memref<1x16xf32, #tpu.memory_space<vmem>>, vector<1x16xf32>
    %mul3A = vector.broadcast %get3A_4 : vector<2048x1xf32> to vector<2048x16xf32>
    %mul3A_8 = vector.broadcast %get3A_7 : vector<1x16xf32> to vector<2048x16xf32>
    %mul3A_9 = arith.mulf %mul3A, %mul3A_8 : vector<2048x16xf32>
    %get3A_10 = arith.constant 0 : index
    %get3A_11 = arith.constant 0 : index
    %get3A_12 = vector.load %arg6[%get3A_10, %get3A_11] : memref<1x16xf32, #tpu.memory_space<vmem>>, vector<1x16xf32>
    %add3A = vector.broadcast %get3A_12 : vector<1x16xf32> to vector<2048x16xf32>
    %add3A_13 = arith.addf %mul3A_9, %add3A : vector<2048x16xf32>
    %cos3A = math.cos %add3A_13 : vector<2048x16xf32>
    %get3A_14 = arith.constant 0 : index
    %get3A_15 = arith.constant 0 : index
    %get3A_16 = vector.load %arg7[%get3A_14, %get3A_15] : memref<288x384xf32, #tpu.memory_space<vmem>>, vector<288x384xf32>
    %slice3A = vector.extract_strided_slice %get3A_16 {offsets = [0, 0], sizes = [128, 384], strides = [1, 1]} : vector<288x384xf32> to vector<128x384xf32>
    %dot_general3A = arith.constant dense<0.000000e+00> : vector<2048x384xf32>
    %dot_general3A_17 = tpu.matmul %get3A_1, %slice3A, %dot_general3A {dimension_numbers = #tpu.dot_dimension_numbers<[1], [0], [0], [1], [0, 0, 1, 1], [], []>, transpose_lhs_hint = false} : vector<2048x128xf32>, vector<128x384xf32>, vector<2048x384xf32> -> vector<2048x384xf32>
    %get3A_18 = arith.constant 0 : index
    %get3A_19 = arith.constant 0 : index
    %get3A_20 = vector.load %arg3[%get3A_18, %get3A_19] : memref<2048x128xf32, #tpu.memory_space<vmem>>, vector<2048x128xf32>
    %slice3A_21 = vector.extract_strided_slice %get3A_16 {offsets = [128, 0], sizes = [128, 384], strides = [1, 1]} : vector<288x384xf32> to vector<128x384xf32>
    %dot_general3A_22 = arith.constant dense<0.000000e+00> : vector<2048x384xf32>
    %dot_general3A_23 = tpu.matmul %get3A_20, %slice3A_21, %dot_general3A_22 {dimension_numbers = #tpu.dot_dimension_numbers<[1], [0], [0], [1], [0, 0, 1, 1], [], []>, transpose_lhs_hint = false} : vector<2048x128xf32>, vector<128x384xf32>, vector<2048x384xf32> -> vector<2048x384xf32>
    %add3A_24 = arith.addf %dot_general3A_17, %dot_general3A_23 : vector<2048x384xf32>
    %get3A_25 = arith.constant 0 : index
    %get3A_26 = arith.constant 0 : index
    %get3A_27 = vector.load %arg4[%get3A_25, %get3A_26] : memref<2048x16xf32, #tpu.memory_space<vmem>>, vector<2048x16xf32>
    %slice3A_28 = vector.extract_strided_slice %get3A_16 {offsets = [256, 0], sizes = [16, 384], strides = [1, 1]} : vector<288x384xf32> to vector<16x384xf32>
    %dot_general3A_29 = arith.constant dense<0.000000e+00> : vector<2048x384xf32>
    %dot_general3A_30 = tpu.matmul %get3A_27, %slice3A_28, %dot_general3A_29 {dimension_numbers = #tpu.dot_dimension_numbers<[1], [0], [0], [1], [0, 0, 1, 1], [], []>, transpose_lhs_hint = false} : vector<2048x16xf32>, vector<16x384xf32>, vector<2048x384xf32> -> vector<2048x384xf32>
    %add3A_31 = arith.addf %add3A_24, %dot_general3A_30 : vector<2048x384xf32>
    %slice3A_32 = vector.extract_strided_slice %get3A_16 {offsets = [272, 0], sizes = [16, 384], strides = [1, 1]} : vector<288x384xf32> to vector<16x384xf32>
    %dot_general3A_33 = arith.constant dense<0.000000e+00> : vector<2048x384xf32>
    %dot_general3A_34 = tpu.matmul %cos3A, %slice3A_32, %dot_general3A_33 {dimension_numbers = #tpu.dot_dimension_numbers<[1], [0], [0], [1], [0, 0, 1, 1], [], []>, transpose_lhs_hint = false} : vector<2048x16xf32>, vector<16x384xf32>, vector<2048x384xf32> -> vector<2048x384xf32>
    %add3A_35 = arith.addf %add3A_31, %dot_general3A_34 : vector<2048x384xf32>
    %get3A_36 = arith.constant 0 : index
    %get3A_37 = arith.constant 0 : index
    %get3A_38 = vector.load %arg9[%get3A_36, %get3A_37] : memref<1x384xf32, #tpu.memory_space<vmem>>, vector<1x384xf32>
    %add3A_39 = vector.broadcast %get3A_38 : vector<1x384xf32> to vector<2048x384xf32>
    %add3A_40 = arith.addf %add3A_35, %add3A_39 : vector<2048x384xf32>
    %get3A_41 = arith.constant 0 : index
    %get3A_42 = arith.constant 0 : index
    %get3A_43 = vector.load %arg8[%get3A_41, %get3A_42] : memref<128x384xf32, #tpu.memory_space<vmem>>, vector<128x384xf32>
    %dot_general3A_44 = arith.constant dense<0.000000e+00> : vector<2048x384xf32>
    %dot_general3A_45 = tpu.matmul %get3A_1, %get3A_43, %dot_general3A_44 {dimension_numbers = #tpu.dot_dimension_numbers<[1], [0], [0], [1], [0, 0, 1, 1], [], []>, transpose_lhs_hint = false} : vector<2048x128xf32>, vector<128x384xf32>, vector<2048x384xf32> -> vector<2048x384xf32>
    %get3A_46 = arith.constant 0 : index
    %get3A_47 = arith.constant 0 : index
    %get3A_48 = vector.load %arg10[%get3A_46, %get3A_47] : memref<1x384xf32, #tpu.memory_space<vmem>>, vector<1x384xf32>
    %add3A_49 = vector.broadcast %get3A_48 : vector<1x384xf32> to vector<2048x384xf32>
    %add3A_50 = arith.addf %dot_general3A_45, %add3A_49 : vector<2048x384xf32>
    %slice3A_51 = vector.extract_strided_slice %add3A_40 {offsets = [0, 0], sizes = [2048, 128], strides = [1, 1]} : vector<2048x384xf32> to vector<2048x128xf32>
    %slice3A_52 = vector.extract_strided_slice %add3A_50 {offsets = [0, 0], sizes = [2048, 128], strides = [1, 1]} : vector<2048x384xf32> to vector<2048x128xf32>
    %add3A_53 = arith.addf %slice3A_51, %slice3A_52 : vector<2048x128xf32>
    %logistic3A = arith.negf %add3A_53 : vector<2048x128xf32>
    %logistic3A_54 = math.exp %logistic3A : vector<2048x128xf32>
    %logistic3A_55 = arith.constant 1.000000e+00 : f32
    %logistic3A_56 = vector.broadcast %logistic3A_55 : f32 to vector<2048x128xf32>
    %logistic3A_57 = arith.addf %logistic3A_56, %logistic3A_54 : vector<2048x128xf32>
    %logistic3A_58 = arith.divf %logistic3A_56, %logistic3A_57 : vector<2048x128xf32>
    %slice3A_59 = vector.extract_strided_slice %add3A_40 {offsets = [0, 128], sizes = [2048, 128], strides = [1, 1]} : vector<2048x384xf32> to vector<2048x128xf32>
    %slice3A_60 = vector.extract_strided_slice %add3A_50 {offsets = [0, 128], sizes = [2048, 128], strides = [1, 1]} : vector<2048x384xf32> to vector<2048x128xf32>
    %add3A_61 = arith.addf %slice3A_59, %slice3A_60 : vector<2048x128xf32>
    %logistic3A_62 = arith.negf %add3A_61 : vector<2048x128xf32>
    %logistic3A_63 = math.exp %logistic3A_62 : vector<2048x128xf32>
    %logistic3A_64 = arith.constant 1.000000e+00 : f32
    %logistic3A_65 = vector.broadcast %logistic3A_64 : f32 to vector<2048x128xf32>
    %logistic3A_66 = arith.addf %logistic3A_65, %logistic3A_63 : vector<2048x128xf32>
    %logistic3A_67 = arith.divf %logistic3A_65, %logistic3A_66 : vector<2048x128xf32>
    %slice3A_68 = vector.extract_strided_slice %add3A_40 {offsets = [0, 256], sizes = [2048, 128], strides = [1, 1]} : vector<2048x384xf32> to vector<2048x128xf32>
    %slice3A_69 = vector.extract_strided_slice %add3A_50 {offsets = [0, 256], sizes = [2048, 128], strides = [1, 1]} : vector<2048x384xf32> to vector<2048x128xf32>
    %mul3A_70 = arith.mulf %logistic3A_58, %slice3A_69 : vector<2048x128xf32>
    %add3A_71 = arith.addf %slice3A_68, %mul3A_70 : vector<2048x128xf32>
    %tanh3A = math.tanh %add3A_71 : vector<2048x128xf32>
    %sub3A = arith.constant 1.000000e+00 : f32
    %sub3A_72 = vector.broadcast %sub3A : f32 to vector<2048x128xf32>
    %sub3A_73 = arith.subf %sub3A_72, %logistic3A_67 : vector<2048x128xf32>
    %mul3A_74 = arith.mulf %sub3A_73, %tanh3A : vector<2048x128xf32>
    %mul3A_75 = arith.mulf %logistic3A_67, %get3A_1 : vector<2048x128xf32>
    %add3A_76 = arith.addf %mul3A_74, %mul3A_75 : vector<2048x128xf32>
    %swap3A = arith.constant 0 : index
    %swap3A_77 = arith.constant 0 : index
    %swap3A_78 = vector.load %arg11[%swap3A, %swap3A_77] : memref<2048x128xf32, #tpu.memory_space<vmem>>, vector<2048x128xf32>
    tpu.vector_store %arg11[%swap3A, %swap3A_77], %add3A_76 {strides = array<i32>} : memref<2048x128xf32, #tpu.memory_space<vmem>>, vector<2048x128xf32>,
    return
  }
  func.func @transform_0(%arg0: i32) -> (i32, i32) {
    %c0_i32 = arith.constant 0 : i32
    %c0_i32_0 = arith.constant 0 : i32
    return %arg0, %c0_i32 : i32, i32
  }
  func.func @transform_1(%arg0: i32) -> (i32, i32) {
    %c0_i32 = arith.constant 0 : i32
    %c0_i32_0 = arith.constant 0 : i32
    return %arg0, %c0_i32 : i32, i32
  }
  func.func @transform_2(%arg0: i32) -> (i32, i32) {
    %c0_i32 = arith.constant 0 : i32
    %c0_i32_0 = arith.constant 0 : i32
    return %arg0, %c0_i32 : i32, i32
  }
  func.func @transform_3(%arg0: i32) -> (i32, i32) {
    %c0_i32 = arith.constant 0 : i32
    %c0_i32_0 = arith.constant 0 : i32
    return %arg0, %c0_i32 : i32, i32
  }
  func.func @transform_4(%arg0: i32) -> (i32, i32) {
    %c0_i32 = arith.constant 0 : i32
    %c0_i32_0 = arith.constant 0 : i32
    %c0_i32_1 = arith.constant 0 : i32
    return %c0_i32, %c0_i32_0 : i32, i32
  }
  func.func @transform_5(%arg0: i32) -> (i32, i32) {
    %c0_i32 = arith.constant 0 : i32
    %c0_i32_0 = arith.constant 0 : i32
    %c0_i32_1 = arith.constant 0 : i32
    return %c0_i32, %c0_i32_0 : i32, i32
  }
  func.func @transform_6(%arg0: i32) -> (i32, i32) {
    %c0_i32 = arith.constant 0 : i32
    %c0_i32_0 = arith.constant 0 : i32
    %c0_i32_1 = arith.constant 0 : i32
    return %c0_i32, %c0_i32_0 : i32, i32
  }
  func.func @transform_7(%arg0: i32) -> (i32, i32) {
    %c0_i32 = arith.constant 0 : i32
    %c0_i32_0 = arith.constant 0 : i32
    %c0_i32_1 = arith.constant 0 : i32
    return %c0_i32, %c0_i32_0 : i32, i32
  }
  func.func @transform_8(%arg0: i32) -> (i32, i32) {
    %c0_i32 = arith.constant 0 : i32
    %c0_i32_0 = arith.constant 0 : i32
    %c0_i32_1 = arith.constant 0 : i32
    return %c0_i32, %c0_i32_0 : i32, i32
  }
  func.func @transform_9(%arg0: i32) -> (i32, i32) {
    %c0_i32 = arith.constant 0 : i32
    %c0_i32_0 = arith.constant 0 : i32
    %c0_i32_1 = arith.constant 0 : i32
    return %c0_i32, %c0_i32_0 : i32, i32
  }
  func.func @transform_10(%arg0: i32) -> (i32, i32) {
    %c0_i32 = arith.constant 0 : i32
    %c0_i32_0 = arith.constant 0 : i32
    return %arg0, %c0_i32 : i32, i32
  }
}

</mosaic_0001>

<sc_bundles>
// kernel: gather_offload_async_start
scs
__scs_entry_jumppad:
0x0: {  	(pc) =	sbr.rel $0x88, $3  }
0x1: {  	(tag) =	ssettag $0x0;
	lr =	simm.s32 $0x1  }
0x2: {  	[smem:$0x3F95] =	sst lr;
	_ =	strace $0xD0000000  }
0x3: {  	_ = 	snop  }
0x4: {  	_ = 	snop  }
0x5: {  	_ = 	snop  }
0x6: {  	_ = 	snop  }
0x7: {  	_ = 	snop  }
__scs_overlays_trampoline_lowered:
0x8: {  	[smem:$0x3FA4] =	sst s0  }
0x9: {  	[smem:$0x3FA5] =	sst s1  }
0xa: {  	[smem:$0x3FA6] =	sst s2  }
0xb: {  	[smem:$0x3FA7] =	sst s3  }
0xc: {  	[smem:$0x3FA8] =	sst s4  }
0xd: {  	[smem:$0x3FA9] =	sst s5  }
0xe: {  	[smem:$0x3FAA] =	sst s6  }
0xf: {  	[smem:$0x3FAB] =	sst s7  }
0x10: {  	[smem:$0x3FAC] =	sst s8  }
0x11: {  	[smem:$0x3FAD] =	sst s9;
	s0 =	simm.s32 @!p0 $0x0  }
0x12: {  	s1 =	sld [smem:$0x3F93];
	s0 =	simm.s32 @p0 $0x1  }
0x13: {  	[smem:$0x3FAE] =	sst s0;
	s0 =	simm.s32 @!p1 $0x0  }
0x14: {  	s2 =	sld [smem:$0x3F92];
	s0 =	simm.s32 @p1 $0x1  }
0x15: {  	[smem:$0x3FAF] =	sst s0;
	s0 =	simm.s32 @!p2 $0x0  }
0x16: {  	s3 =	sld [smem:$0x3FDB];
	s0 =	simm.s32 @p2 $0x1  }
0x17: {  	s4 =	simm.s32 $0x1BF5;
	[smem:$0x3FB1] =	sst s0  }
0x18: {  	s0 =	sld [smem:$0x3F94];
	_ =	swait.ge [sflag:s4], $0x0  }
0x19: {  	s7 =	sld [smem:$0x3F95]  }
0x1a: {  	s8 =	sadd.s32 $0xFFFFE003, lr  }
0x1b: {  	s9 =	sadd.s32 $0xFFFFFEF7, lr;
	s5 =	simm.s32 $0xFFFFFFFF;
	p2 =	slt.u32 s8, $0xFFFFF086  }
0x1c: {  	p1 =	slt.u32 s9, $0xF7A;
	s5 =	simm.s32 @!p2 $0x0  }
0x1d: {  	s5 =	simm.s32 @p1 $0x1;
	p0 =	seq.s32 s7, s2  }
0x1e: {  	s7 =	smul.u32 @!p0 $0xF7A, s2;
	p2 =	seq.s32 @!p0 s5, $0x0  }
0x1f: {  	s9 =	smul.u32 $0xF7A, s1;
	s8 =	simm.s32 @!p0 $0x1BF5;
	p2 =	por !p2, p0  }
0x20: {  	[sflag:s8] =	ssyncset.s32 @!p0 $0xFFFFF086;
	s6 =	sadd.s32 @!p0 s3, s7;
	s7 =	simm.s32 @!p0 $0x108  }
0x21: {  	s3 =	sadd.s32 s3, s9;
	s6 =	sadd.s32 @!p0 $0x88, s6;
	s7 =	simm.s32 @p2 $0x1082  }
0x22: {  	[simem:s7], [sflag:s8] =	dma.local @!p0 [hbm:s6], $0xF7A  }
0x23: {  	s9 =	sor.u32 $0xD0000000, s2;
	s6 =	simm.s32 $0x108;
	_ =	swait.ge @!p0 [sflag:s8], $0x0  }
0x24: {  	s3 =	sadd.s32 $0x88, s3;
	s6 =	simm.s32 @!p1 $0x1082;
	[sflag:s4] =	ssyncset.s32 $0xFFFFF086  }
0x25: {  	[simem:s6], [sflag:s4] =	dma.local [hbm:s3], $0xF7A  }
0x26: {  	[smem:$0x3F95] =	sst s1;
	(tag) =	ssettag s2;
	_ =	strace s9  }
0x27: {  	s1 =	sld [smem:$0x3FA5]  }
0x28: {  	s2 =	sld [smem:$0x3FA6]  }
0x29: {  	s4 =	sld [smem:$0x3FA8]  }
0x2a: {  	p0 =	seq.s32 s5, $0x0;
	s5 =	sld [smem:$0x3FA9]  }
0x2b: {  	s6 =	sld [smem:$0x3FAA]  }
0x2c: {  	s7 =	sld [smem:$0x3FAB]  }
0x2d: {  	s3 =	simm.s32 $0x108;
	s8 =	sld [smem:$0x3FAC]  }
0x2e: {  	s3 =	simm.s32 @!p0 $0x1082;
	s9 =	sld [smem:$0x3FAD]  }
0x2f: {  	lr =	sadd.s32 s0, s3;
	s0 =	sld [smem:$0x3FA4]  }
0x30: {  	s3 =	sld [smem:$0x3FA7]  }
0x31: {  	[smem:$0x3FB0] =	sst s10  }
0x32: {  	s10 =	sld [smem:$0x3FAE];
	_ =	sdelay $0x3  }
0x33: {  	p0 =	seq.s32 s10, $0x1;
	s10 =	sld [smem:$0x3FB0];
	_ =	sdelay $0x3  }
0x34: {  	[smem:$0x3FB0] =	sst s10  }
0x35: {  	s10 =	sld [smem:$0x3FAF];
	_ =	sdelay $0x3  }
0x36: {  	p1 =	seq.s32 s10, $0x1;
	s10 =	sld [smem:$0x3FB0];
	_ =	sdelay $0x3  }
0x37: {  	[smem:$0x3FB0] =	sst s10  }
0x38: {  	s10 =	sld [smem:$0x3FB1]  }
0x39: {  	_ = 	snop;
	(pc) =	sbr.ind lr, $3  }
0x3a: {  	_ = 	snop  }
0x3b: {  	_ = 	snop  }
0x3c: {  	p2 =	seq.s32 s10, $0x1;
	s10 =	sld [smem:$0x3FB0]  }
0x3d: {  	_ =	shalt  }
0x3e: {  	_ =	shalt  }
0x3f: {  	_ =	shalt  }
0x40: {  	_ =	shalt  }
0x41: {  	_ =	shalt  }
0x42: {  	_ =	shalt  }
0x43: {  	_ =	shalt  }
0x44: {  	_ =	shalt  }
0x45: {  	_ =	shalt  }
0x46: {  	_ =	shalt  }
0x47: {  	_ =	shalt  }
0x48: {  	_ =	shalt  }
0x49: {  	_ =	shalt  }
0x4a: {  	_ =	shalt  }
0x4b: {  	_ =	shalt  }
0x4c: {  	_ =	shalt  }
0x4d: {  	_ =	shalt  }
0x4e: {  	_ =	shalt  }
0x4f: {  	_ =	shalt  }
0x50: {  	_ =	shalt  }
0x51: {  	_ =	shalt  }
0x52: {  	_ =	shalt  }
0x53: {  	_ =	shalt  }
0x54: {  	_ =	shalt  }
0x55: {  	_ =	shalt  }
0x56: {  	_ =	shalt  }
0x57: {  	_ =	shalt  }
0x58: {  	_ =	shalt  }
0x59: {  	_ =	shalt  }
0x5a: {  	_ =	shalt  }
0x5b: {  	_ =	shalt  }
0x5c: {  	_ =	shalt  }
0x5d: {  	_ =	shalt  }
0x5e: {  	_ =	shalt  }
0x5f: {  	_ =	shalt  }
0x60: {  	_ =	shalt  }
0x61: {  	_ =	shalt  }
0x62: {  	_ =	shalt  }
0x63: {  	_ =	shalt  }
0x64: {  	_ =	shalt  }
0x65: {  	_ =	shalt  }
0x66: {  	_ =	shalt  }
0x67: {  	_ =	shalt  }
0x68: {  	_ =	shalt  }
0x69: {  	_ =	shalt  }
0x6a: {  	_ =	shalt  }
0x6b: {  	_ =	shalt  }
0x6c: {  	_ =	shalt  }
0x6d: {  	_ =	shalt  }
0x6e: {  	_ =	shalt  }
0x6f: {  	_ =	shalt  }
0x70: {  	_ =	shalt  }
0x71: {  	_ =	shalt  }
0x72: {  	_ =	shalt  }
0x73: {  	_ =	shalt  }
0x74: {  	_ =	shalt  }
0x75: {  	_ =	shalt  }
0x76: {  	_ =	shalt  }
0x77: {  	_ =	shalt  }
0x78: {  	_ =	shalt  }
0x79: {  	_ =	shalt  }
0x7a: {  	_ =	shalt  }
0x7b: {  	_ =	shalt  }
0x7c: {  	_ =	shalt  }
0x7d: {  	_ =	shalt  }
0x7e: {  	_ =	shalt  }
0x7f: {  	_ =	shalt  }
0x80: {  	_ =	shalt  }
0x81: {  	_ =	shalt  }
0x82: {  	_ =	shalt  }
0x83: {  	_ =	shalt  }
0x84: {  	_ =	shalt  }
0x85: {  	_ =	shalt  }
0x86: {  	_ =	shalt  }
0x87: {  	_ =	shalt  }
.Lfunc_end0:
.L_simem_size_0:
called_computation.1_lowered:
.L_overlay_start_0:
0x88: {  	s2 =	sld [smem:$0x3FD9]  }
0x89: {  	s3 =	sld [smem:$0x3FFE];
	_ =	sdelay $0x1  }
0x8a: {  	s1 =	srdreg.scid  }
0x8b: {  	s0 =	sand.u32 $0x1, s1  }
0x8c: {  	s16 =	sshll.u32 s0, $0xA;
	s2 =	sadd.s32 s3, s2  }
0x8d: {  	s2 =	sadd.s32 s2, s16  }
0x8e: {  	[smem:$0x3FBC] =	sst s2  }
0x8f: {  	_ = 	snop  }
0x90: {  	(tm) =	ssettm $0x1  }
0x91: {  	s17 =	sld [smem:$0x3FFB];
	_ =	sdelay $0x3  }
0x92: {  	_ =	strace s17  }
0x93: {  	s2 =	sld [smem:$0x3FFC];
	_ =	sdelay $0x3  }
0x94: {  	_ =	strace s2  }
0x95: {  	s2 =	sld [smem:$0x3FFD];
	_ =	sdelay $0x3  }
0x96: {  	_ =	strace s2  }
0x97: {  	_ =	strace $0x8FFFFFFF  }
0x98: {  	s18 =	sld [smem:$0x3FDB];
	_ =	sdelay $0x1  }
0x99: {  	s19 =	simm.s32 $_scs_section_size  }
0x9a: {  	s4 =	simm.s32 $_size__tile_overlayer_lowered;
	s5 =	simm.s32 $_tile_overlayer_lowered  }
0x9b: {  	s22 =	simm.s32 $0x1BFF;
	s21 =	sshll.u32 s5, $0x1;
	s2 =	sadd.s32 s19, s18  }
0x9c: {  	s6 =	simm.s32 $0x0;
	s20 =	sshll.u32 s4, $0x1;
	s4 =	sadd.s32 s21, s2  }
0x9d: {  	[timem:s6], [sflag:s22] =	dma.local [hbm:s4], s20  }
0x9e: {  	_ =	swait.ge [sflag:s22], s20  }
0x9f: {  	s3 =	ssub.s32 $0x0, s20;
	[sflag:s22] =	ssyncset.done $0x0  }
0xa0: {  	[sflag:s22] =	ssyncadd.s32 s3;
	_ =	sdelay $0x1  }
0xa1: {  	s23 =	simm.s32 $0x1B8B  }
0xa2: {  	_ =	swait.ge [sflag:s23], $0x1  }
0xa3: {  	[sflag:s23] =	ssyncset.done $0x0  }
0xa4: {  	s25 =	simm.s32 $0x1B8E;
	s24 =	sld [smem:$0x3FFE];
	[sflag:s23] =	ssyncadd.s32 $0xFFFFFFFF  }
0xa5: {  	s26 =	simm.s32 $execute0_lowered;
	[smem:$0x3FD2] =	sst s25  }
0xa6: {  	s4 =	sshll.u32 s26, $0x1;
	_ =	strace $0x8000004C;
	[dreg:$0x1] =	wrdreg $0xFFFFFFFF  }
0xa7: {  	s28 =	simm.s32 $_size_execute0_lowered;
	s2 =	sadd.s32 s2, s4;
	[dreg:$0x0] =	wrdreg $0x0  }
0xa8: {  	s4 =	sshll.u32 s28, $0x1;
	[dreg:$0x2] =	wrdreg s2  }
0xa9: {  	[dreg:$0x3] =	wrdreg s4  }
0xaa: {  	[dreg:$0x4] =	wrdreg $0xC0  }
0xab: {  	_ =	task [dreg:s6], $0x5FFFF  }
0xac: {  	[dreg:$0x1] =	wrdreg $0xFFFFFFFF  }
0xad: {  	[dreg:$0x0] =	wrdreg $0x60  }
0xae: {  	[dreg:$0x2] =	wrdreg s24  }
0xaf: {  	[dreg:$0x3] =	wrdreg $0x9  }
0xb0: {  	_ =	task.clear_ibuf [dreg:s6], $0x4FFFF;
	_ =	strace $0x9000004C  }
0xb1: {  	s29 =	simm.s32 $0x9;
	_ =	strace $0x8000004E  }
0xb2: {  	_ =	swait.ge [sflag:s29], $0x1  }
0xb3: {  	[sflag:s29] =	ssyncadd.s32 $0xFFFFFFFF  }
0xb4: {  	_ =	strace $0x9000004E  }
0xb5: {  	_ =	sfence  }
0xb6: {  	s30 =	sld [smem:$0x0];
	_ =	sdelay $0x2  }
0xb7: {  	s31 =	sshll.u32 s1, $0xD;
	s1 =	sshrl.u32 s1, $0x2  }
0xb8: {  	s3 =	sand.u32 $0x4000, s31;
	s1 =	sadd.s32 s1, s30  }
0xb9: {  	s0 =	sor.u32 s3, s0;
	s1 =	sshll.u32 s1, $0x11  }
0xba: {  	s0 =	sor.u32 s1, s0  }
0xbb: {  	s0 =	sadd.s32 $0x8F2B, s0  }
0xbc: {  	[sflag:s0] =	ssyncadd.remote.s32 $0x1  }
0xbd: {  	_ =	sfence.sel $0xFFFF  }
0xbe: {  	[dreg:$0x0] =	wrdreg $0xFFFFFFFF;
	(pc) =	sbr.abs _section_cstart, $3  }
0xbf: {  	[dreg:$0x1] =	wrdreg $0xFFFFFFFF  }
0xc0: {  	_ =	task.clear_ibuf [dreg:s6], $0x2FFFF;
	_ =	strace $0x9FFFFFFF  }
0xc1: {  	(tm) =	ssettm $0x7FFFFFFF  }
tec
execute0_lowered:
.L_overlay_start_1:
0x0: {  	(tag) =	ssettag $0x1  }
0x1: {  	s0 =	srdreg.scid;
	s5 =	rddreg [dreg:$0x0]  }
0x2: {  	s1 =	stileid.u32;
	s6 =	simm.s32 $0x1;
	s9 =	simm.s32 $0x1  }
0x3: {  	s10 =	simm.s32 $0x3;
	s13 =	simm.s32 $0x0;
	s2 =	sshll.u32 s0, $0x8  }
0x4: {  	s12 =	simm.s32 $0x0;
	s3 =	sshll.u32 s1, $0x9;
	s2 =	sand.u32 $0x100, s2  }
0x5: {  	s0 =	rddreg [dreg:$0x1];
	_ =	strace $0x8000004D;
	s2 =	sor.u32 s3, s2  }
0x6: {  	s4 =	sadd.s32 $0xC4A00, s5;
	[sflag:s6] =	ssyncpa.u1 $0x0;
	s8 =	ssub.s32 $0x4000, s2  }
.Ltmp0:
0x7: {  	s3 =	sadd.s32 $0xC6200, s5;
	s7 =	sand.u32 $0x1F00, s8;
	(pc) =	sbr.rel .LBB2_1-.Ltmp0, $4  }
0x8: {  	s5 =	sadd.s32 $0x2600, s5;
	s11 =	smov.u32 s2;
	p0 =	sne.s32 s7, $0x0  }
0x9: {  	s8 =	sshrl.u32 s8, $0xD;
	s7 =	simm.s32 $0x2;
	s9 =	simm.s32 @!p0 $0x0  }
0xa: {  	[sflag:s7] =	ssyncpa.u1 $0x0;
	p0 =	por $0x0, $0x0;
	s8 =	sadd.s32 s9, s8  }
0xb: {  	vm0 =	vmmov $0xffff;
	[sflag:s10] =	ssyncpa.u1 $0x0;
	s10 =	simm.s32 $0x0;
	s9 =	sadd.s32 $0x1, s8  }
.LBB2_4:
0xc: {  	v2 =	vnsel vm1, $0x0, v2  }
0xd: {  	vm1 =	vgt.s32 v0, $0x0;
	v2 =	vmin.u32 v2, $0x1869F  }
0xe: {  	v0 =	vnsel vm1, $0x0, v0  }
0xf: {  	v0 =	vmin.u32 v0, $0x1869F  }
0x10: {  	[tilespmem:s15], [sflag:$0x1] =	stream.indirect_vreg.gather [hbm4b:s3+s10], $0x1, v1, vm0, $0x4038;
	[tilespmem:$0x400] =	vst v63  }
0x11: {  	(ifvalue) =	ssetifvalue $0x7FFFFFFF  }
0x12: {  	[tilespmem:s16], [sflag:$0x1] =	stream.indirect_vreg.gather [hbm4b:s3+s10], $0x1, v2, vm0, $0x4038;
	[tilespmem:$0x400] =	vst v63  }
0x13: {  	s29 =	sadd.s32 $0x10, s16;
	(ifvalue) =	ssetifvalue $0x7FFFFFFF  }
0x14: {  	[tilespmem:s29], [sflag:$0x1] =	stream.indirect_vreg.gather [hbm4b:s3+s10], $0x1, v0, vm0, $0x4038;
	[tilespmem:$0x400] =	vst v63  }
0x15: {  	_ =	swait.ge [sflag:s6], $0x100  }
0x16: {  	s30 =	sshrl.u32 s13, $0x3;
	[sflag:s6] =	ssyncset.done $0x0  }
0x17: {  	s31 =	sand.u32 $0x7, s13;
	s15 =	sadd.s32 s5, s30;
	[sflag:s6] =	ssyncadd.s32 $0xFFFFFF00  }
0x18: {  	[hbm4b:s15+s31] =	stream.linear.scatter [tilespmem:s14], [sflag:$0x3], $0x100, $0x38;
	[tilespmem:$0x400] =	vst v63  }
.LBB2_5:
0x19: {  	s15 =	sadd.s32 $0x2000, s11  }
0x1a: {  	p2 =	sgt.s32 s15, $0x3FFF  }
0x1b: {  	s15 =	smov.u32 @p2 s2;
	p2 =	sne.s32 s12, s9  }
.Ltmp1:
0x1c: {  	p1 =	slt.u32 s12, $0x2;
	(pc) =	sbr.rel @!p2 .LBB2_6-.Ltmp1, $4  }
0x1d: {  	s14 =	simm.s32 @!p1 $0x3  }
0x1e: {  	s16 =	sadd.s32 $0x1, s12;
	_ =	swait.ge @!p1 [sflag:s14], $0x100  }
0x1f: {  	s13 =	smov.u32 s11;
	p0 =	por !p0, !p0;
	[sflag:s14] =	ssyncset.done @!p1 $0x0  }
0x20: {  	s12 =	smov.u32 s16;
	s11 =	smov.u32 s15;
	[sflag:s14] =	ssyncadd.s32 @!p1 $0xFFFFFF00  }
.LBB2_1:
0x21: {  	p1 =	sge.u32 s12, s8  }
0x22: {  	s14 =	sxor.u32 @!p1 $0xFFFFFFFF, s12  }
0x23: {  	s31 =	sadd.s32 $0xFFFFFFFF, s12;
	s15 =	sshrl.u32 @!p1 s11, $0x3;
	s14 =	sshll.u32 @!p1 s14, $0x8  }
0x24: {  	s16 =	sand.u32 @!p1 $0x7, s11;
	s15 =	sadd.s32 @!p1 s4, s15;
	s14 =	sand.u32 @!p1 $0x100, s14  }
0x25: {  	[tilespmem:s14], [sflag:$0x2] =	stream.linear.gather @!p1 [hbm4b:s15+s16], $0x100, $0x38;
	[tilespmem:$0x400] =	vst v63  }
0x26: {  	p1 =	sge.u32 s31, s8  }
.Ltmp2:
0x27: {  	_ = 	snop;
	(pc) =	sbr.rel @p1 .LBB2_5-.Ltmp2, $1  }
0x28: {  	_ =	sdelay $0x3  }
0x29: {  	s14 =	simm.s32 $0x1  }
0x2a: {  	_ =	swait.ge [sflag:s7], $0x100;
	s14 =	simm.s32 @!p0 $0x0  }
0x2b: {  	[sflag:s7] =	ssyncset.done $0x0;
	s14 =	sshll.u32 s14, $0x8  }
0x2c: {  	[sflag:s7] =	ssyncadd.s32 $0xFFFFFF00;
	(ifvalue) =	ssetifvalue $0x7FFFFFFF;
	v0 =	vld.msk [tilespmem:s14+$0x0 ss:$0x1], $0xffff;
	_ =	sdelay $0x4  }
0x2d: {  	s15 =	sadd.s32 $0x10, s14;
	vm1 =	vgt.s32 v0, $0x0  }
0x2e: {  	v2 =	vld.msk [tilespmem:s15+$0x0 ss:$0x1], $0xffff;
	v1 =	vnsel vm1, $0x0, v0  }
0x2f: {  	v1 =	vmin.u32 v1, $0x1869F;
	_ =	sdelay $0x1  }
0x30: {  	s16 =	sshll.u32 s12, $0x8;
	s18 =	simm.s32 $0x20  }
0x31: {  	s16 =	sand.u32 $0x100, s16;
	s17 =	sadd.s32 $0x10, s15;
	s15 =	sor.u32 $0x200, s14  }
0x32: {  	s14 =	sor.u32 $0x200, s16;
	s16 =	sadd.s32 $0x10, s15;
	v0 =	vld.msk [tilespmem:s17+$0x0 ss:$0x1], $0xffff;
	vm1 =	vgt.s32 v2, $0x0;
	(ifvalue) =	ssetifvalue $0x7FFFFFFF  }
.LBB2_3:
0x33: {  	[tilespmem:s15], [sflag:$0x1] =	stream.indirect_vreg.gather [hbm4b:s3+s10], $0x1, v1, vm0, $0x4038;
	[tilespmem:$0x400] =	vst v63  }
0x34: {  	s18 =	sadd.s32 $0x10, s18  }
0x35: {  	v2 =	vnsel vm1, $0x0, v2;
	p1 =	slt.u32 s18, $0xF0  }
.Ltmp3:
0x36: {  	s15 =	smov.u32 s16;
	v1 =	vmin.u32 v2, $0x1869F;
	(pc) =	sbr.rel @p1 .LBB2_3-.Ltmp3, $3  }
0x37: {  	_ =	sdelay $0x1  }
0x38: {  	s17 =	sadd.s32 $0x10, s17  }
0x39: {  	vm1 =	vgt.s32 v0, $0x0;
	s16 =	sadd.s32 $0x10, s16;
	v2 =	vmov v0;
	(ifvalue) =	ssetifvalue $0x7FFFFFFF;
	v0 =	vld.msk [tilespmem:s17+$0x0 ss:$0x1], $0xffff  }
.Ltmp4:
0x3a: {  	_ = 	snop;
	(pc) =	sbr.rel .LBB2_4-.Ltmp4, $1  }
0x3b: {  	_ =	sdelay $0x3  }
.LBB2_6:
0x3c: {  	_ =	sfence.sel $0x180000  }
0x3d: {  	s2 =	simm.s32 $0x2;
	[bflag:$0x0] =	sbarrier.arrive $0xFFFF  }
0x3e: {  	s30 =	simm.s32 $0x3;
	[sflag:s2] =	ssyncpa.u1 $0x1  }
0x3f: {  	s31 =	simm.s32 $0x1;
	[sflag:s30] =	ssyncpa.u1 $0x1  }
0x40: {  	[sflag:s31] =	ssyncpa.u1 $0x1  }
0x41: {  	p0 =	sne.s32 s1, $0x0;
	_ =	strace $0x9000004D  }
0x42: {  	s0 =	sadd.s32 @!p0 $0x100000, s0;
	[bflag:$0x2] =	sbarrier.arrive $0xFFFF  }
0x43: {  	[sflag:s0] =	ssyncadd.tile.s32 @!p0 $0x1;
	_ =	shalt  }
.Lfunc_end2:
_tile_overlayer_lowered:
.L_overlay_start_2:
0x44: {  	(tag) =	ssettag $0x2  }
0x45: {  	s0 =	rddreg [dreg:$0x0];
	s2 =	stileid.u32  }
0x46: {  	s1 =	rddreg [dreg:$0x1];
	p0 =	sne.s32 s2, $0x0  }
0x47: {  	s3 =	rddreg [dreg:$0x2];
	[bflag:$0x3] =	sbarrier.arrive $0xFFFF;
	s2 =	simm.s32 @!p0 $0x1C01  }
0x48: {  	[timem:s3], [sflag:s2] =	dma.local @!p0 [hbm:s0], s1  }
0x49: {  	s0 =	simm.s32 @!p0 $0x1  }
0x4a: {  	_ =	swait.ge @!p0 [sflag:s0], s1  }
0x4b: {  	s1 =	ssub.s32 @!p0 $0x0, s1;
	[sflag:s0] =	ssyncset.done @!p0 $0x0  }
0x4c: {  	[sflag:s0] =	ssyncadd.s32 @!p0 s1  }
0x4d: {  	[bflag:$0x3] =	sbarrier.arrive $0xFFFF  }
0x4e: {  	_ =	shalt  }

// kernel: kernel.5.cloned.1.call-start
scs
__scs_entry_jumppad:
0x0: {  	(pc) =	sbr.rel $0x88, $3  }
0x1: {  	(tag) =	ssettag $0x0;
	lr =	simm.s32 $0x1  }
0x2: {  	[smem:$0x3F95] =	sst lr;
	_ =	strace $0xD0000000  }
0x3: {  	_ = 	snop  }
0x4: {  	_ = 	snop  }
0x5: {  	_ = 	snop  }
0x6: {  	_ = 	snop  }
0x7: {  	_ = 	snop  }
__scs_overlays_trampoline_lowered:
0x8: {  	[smem:$0x3FA4] =	sst s0  }
0x9: {  	[smem:$0x3FA5] =	sst s1  }
0xa: {  	[smem:$0x3FA6] =	sst s2  }
0xb: {  	[smem:$0x3FA7] =	sst s3  }
0xc: {  	[smem:$0x3FA8] =	sst s4  }
0xd: {  	[smem:$0x3FA9] =	sst s5  }
0xe: {  	[smem:$0x3FAA] =	sst s6  }
0xf: {  	[smem:$0x3FAB] =	sst s7  }
0x10: {  	[smem:$0x3FAC] =	sst s8  }
0x11: {  	[smem:$0x3FAD] =	sst s9;
	s0 =	simm.s32 @!p0 $0x0  }
0x12: {  	s1 =	sld [smem:$0x3F93];
	s0 =	simm.s32 @p0 $0x1  }
0x13: {  	[smem:$0x3FAE] =	sst s0;
	s0 =	simm.s32 @!p1 $0x0  }
0x14: {  	s2 =	sld [smem:$0x3F92];
	s0 =	simm.s32 @p1 $0x1  }
0x15: {  	[smem:$0x3FAF] =	sst s0;
	s0 =	simm.s32 @!p2 $0x0  }
0x16: {  	s3 =	sld [smem:$0x3FDB];
	s0 =	simm.s32 @p2 $0x1  }
0x17: {  	s4 =	simm.s32 $0x1BF5;
	[smem:$0x3FB1] =	sst s0  }
0x18: {  	s0 =	sld [smem:$0x3F94];
	_ =	swait.ge [sflag:s4], $0x0  }
0x19: {  	s7 =	sld [smem:$0x3F95]  }
0x1a: {  	s8 =	sadd.s32 $0xFFFFE003, lr  }
0x1b: {  	s9 =	sadd.s32 $0xFFFFFEF7, lr;
	s5 =	simm.s32 $0xFFFFFFFF;
	p2 =	slt.u32 s8, $0xFFFFF086  }
0x1c: {  	p1 =	slt.u32 s9, $0xF7A;
	s5 =	simm.s32 @!p2 $0x0  }
0x1d: {  	s5 =	simm.s32 @p1 $0x1;
	p0 =	seq.s32 s7, s2  }
0x1e: {  	s7 =	smul.u32 @!p0 $0xF7A, s2;
	p2 =	seq.s32 @!p0 s5, $0x0  }
0x1f: {  	s9 =	smul.u32 $0xF7A, s1;
	s8 =	simm.s32 @!p0 $0x1BF5;
	p2 =	por !p2, p0  }
0x20: {  	[sflag:s8] =	ssyncset.s32 @!p0 $0xFFFFF086;
	s6 =	sadd.s32 @!p0 s3, s7;
	s7 =	simm.s32 @!p0 $0x108  }
0x21: {  	s3 =	sadd.s32 s3, s9;
	s6 =	sadd.s32 @!p0 $0x88, s6;
	s7 =	simm.s32 @p2 $0x1082  }
0x22: {  	[simem:s7], [sflag:s8] =	dma.local @!p0 [hbm:s6], $0xF7A  }
0x23: {  	s9 =	sor.u32 $0xD0000000, s2;
	s6 =	simm.s32 $0x108;
	_ =	swait.ge @!p0 [sflag:s8], $0x0  }
0x24: {  	s3 =	sadd.s32 $0x88, s3;
	s6 =	simm.s32 @!p1 $0x1082;
	[sflag:s4] =	ssyncset.s32 $0xFFFFF086  }
0x25: {  	[simem:s6], [sflag:s4] =	dma.local [hbm:s3], $0xF7A  }
0x26: {  	[smem:$0x3F95] =	sst s1;
	(tag) =	ssettag s2;
	_ =	strace s9  }
0x27: {  	s1 =	sld [smem:$0x3FA5]  }
0x28: {  	s2 =	sld [smem:$0x3FA6]  }
0x29: {  	s4 =	sld [smem:$0x3FA8]  }
0x2a: {  	p0 =	seq.s32 s5, $0x0;
	s5 =	sld [smem:$0x3FA9]  }
0x2b: {  	s6 =	sld [smem:$0x3FAA]  }
0x2c: {  	s7 =	sld [smem:$0x3FAB]  }
0x2d: {  	s3 =	simm.s32 $0x108;
	s8 =	sld [smem:$0x3FAC]  }
0x2e: {  	s3 =	simm.s32 @!p0 $0x1082;
	s9 =	sld [smem:$0x3FAD]  }
0x2f: {  	lr =	sadd.s32 s0, s3;
	s0 =	sld [smem:$0x3FA4]  }
0x30: {  	s3 =	sld [smem:$0x3FA7]  }
0x31: {  	[smem:$0x3FB0] =	sst s10  }
0x32: {  	s10 =	sld [smem:$0x3FAE];
	_ =	sdelay $0x3  }
0x33: {  	p0 =	seq.s32 s10, $0x1;
	s10 =	sld [smem:$0x3FB0];
	_ =	sdelay $0x3  }
0x34: {  	[smem:$0x3FB0] =	sst s10  }
0x35: {  	s10 =	sld [smem:$0x3FAF];
	_ =	sdelay $0x3  }
0x36: {  	p1 =	seq.s32 s10, $0x1;
	s10 =	sld [smem:$0x3FB0];
	_ =	sdelay $0x3  }
0x37: {  	[smem:$0x3FB0] =	sst s10  }
0x38: {  	s10 =	sld [smem:$0x3FB1]  }
0x39: {  	_ = 	snop;
	(pc) =	sbr.ind lr, $3  }
0x3a: {  	_ = 	snop  }
0x3b: {  	_ = 	snop  }
0x3c: {  	p2 =	seq.s32 s10, $0x1;
	s10 =	sld [smem:$0x3FB0]  }
0x3d: {  	_ =	shalt  }
0x3e: {  	_ =	shalt  }
0x3f: {  	_ =	shalt  }
0x40: {  	_ =	shalt  }
0x41: {  	_ =	shalt  }
0x42: {  	_ =	shalt  }
0x43: {  	_ =	shalt  }
0x44: {  	_ =	shalt  }
0x45: {  	_ =	shalt  }
0x46: {  	_ =	shalt  }
0x47: {  	_ =	shalt  }
0x48: {  	_ =	shalt  }
0x49: {  	_ =	shalt  }
0x4a: {  	_ =	shalt  }
0x4b: {  	_ =	shalt  }
0x4c: {  	_ =	shalt  }
0x4d: {  	_ =	shalt  }
0x4e: {  	_ =	shalt  }
0x4f: {  	_ =	shalt  }
0x50: {  	_ =	shalt  }
0x51: {  	_ =	shalt  }
0x52: {  	_ =	shalt  }
0x53: {  	_ =	shalt  }
0x54: {  	_ =	shalt  }
0x55: {  	_ =	shalt  }
0x56: {  	_ =	shalt  }
0x57: {  	_ =	shalt  }
0x58: {  	_ =	shalt  }
0x59: {  	_ =	shalt  }
0x5a: {  	_ =	shalt  }
0x5b: {  	_ =	shalt  }
0x5c: {  	_ =	shalt  }
0x5d: {  	_ =	shalt  }
0x5e: {  	_ =	shalt  }
0x5f: {  	_ =	shalt  }
0x60: {  	_ =	shalt  }
0x61: {  	_ =	shalt  }
0x62: {  	_ =	shalt  }
0x63: {  	_ =	shalt  }
0x64: {  	_ =	shalt  }
0x65: {  	_ =	shalt  }
0x66: {  	_ =	shalt  }
0x67: {  	_ =	shalt  }
0x68: {  	_ =	shalt  }
0x69: {  	_ =	shalt  }
0x6a: {  	_ =	shalt  }
0x6b: {  	_ =	shalt  }
0x6c: {  	_ =	shalt  }
0x6d: {  	_ =	shalt  }
0x6e: {  	_ =	shalt  }
0x6f: {  	_ =	shalt  }
0x70: {  	_ =	shalt  }
0x71: {  	_ =	shalt  }
0x72: {  	_ =	shalt  }
0x73: {  	_ =	shalt  }
0x74: {  	_ =	shalt  }
0x75: {  	_ =	shalt  }
0x76: {  	_ =	shalt  }
0x77: {  	_ =	shalt  }
0x78: {  	_ =	shalt  }
0x79: {  	_ =	shalt  }
0x7a: {  	_ =	shalt  }
0x7b: {  	_ =	shalt  }
0x7c: {  	_ =	shalt  }
0x7d: {  	_ =	shalt  }
0x7e: {  	_ =	shalt  }
0x7f: {  	_ =	shalt  }
0x80: {  	_ =	shalt  }
0x81: {  	_ =	shalt  }
0x82: {  	_ =	shalt  }
0x83: {  	_ =	shalt  }
0x84: {  	_ =	shalt  }
0x85: {  	_ =	shalt  }
0x86: {  	_ =	shalt  }
0x87: {  	_ =	shalt  }
.Lfunc_end0:
.L_simem_size_0:
called_computation.2_lowered:
.L_overlay_start_0:
0x88: {  	s2 =	sld [smem:$0x3FD9]  }
0x89: {  	s3 =	sld [smem:$0x3FFE];
	_ =	sdelay $0x1  }
0x8a: {  	s1 =	srdreg.scid  }
0x8b: {  	s0 =	sand.u32 $0x1, s1  }
0x8c: {  	s14 =	sshll.u32 s0, $0xA;
	s2 =	sadd.s32 s3, s2  }
0x8d: {  	s2 =	sadd.s32 s2, s14  }
0x8e: {  	[smem:$0x3FBC] =	sst s2  }
0x8f: {  	_ = 	snop  }
0x90: {  	s2 =	sld [smem:$0x3FD0];
	_ =	sdelay $0x1  }
0x91: {  	s15 =	sld [smem:$0x3FC7]  }
0x92: {  	s5 =	simm.s32 $0xA;
	s6 =	simm.s32 $0x10;
	s4 =	sld [smem:$0x3FC6]  }
0x93: {  	[smem:s6], [sflag:s5] =	dma.local [hbm:s2], $0x1  }
0x94: {  	_ =	swait.eq [sflag:s5], $0x1  }
0x95: {  	[sflag:s5] =	ssyncset.done $0x0  }
0x96: {  	s16 =	sld [smem:$0x10];
	[sflag:s5] =	ssyncadd.s32 $0xFFFFFFFF  }
0x97: {  	s17 =	sld [smem:$0x11];
	(tm) =	ssettm $0x1  }
0x98: {  	s18 =	sld [smem:$0x3FFB];
	_ =	sdelay $0x3  }
0x99: {  	_ =	strace s18  }
0x9a: {  	s6 =	sld [smem:$0x3FFC];
	_ =	sdelay $0x3  }
0x9b: {  	_ =	strace s6  }
0x9c: {  	s6 =	sld [smem:$0x3FFD];
	_ =	sdelay $0x3  }
0x9d: {  	_ =	strace s6  }
0x9e: {  	_ =	strace $0x8FFFFFFF  }
0x9f: {  	s19 =	sld [smem:$0x3FDB];
	_ =	sdelay $0x1  }
0xa0: {  	s7 =	simm.s32 $_scs_section_size  }
0xa1: {  	s8 =	simm.s32 $_size__tile_overlayer_lowered;
	s9 =	simm.s32 $_tile_overlayer_lowered  }
0xa2: {  	s22 =	simm.s32 $0x1BFF;
	s21 =	sshll.u32 s9, $0x1;
	s6 =	sadd.s32 s7, s19  }
0xa3: {  	s10 =	simm.s32 $0x0;
	s20 =	sshll.u32 s8, $0x1;
	s8 =	sadd.s32 s21, s6  }
0xa4: {  	[timem:s10], [sflag:s22] =	dma.local [hbm:s8], s20  }
0xa5: {  	_ =	swait.ge [sflag:s22], s20  }
0xa6: {  	s7 =	ssub.s32 $0x0, s20;
	[sflag:s22] =	ssyncset.done $0x0  }
0xa7: {  	[sflag:s22] =	ssyncadd.s32 s7;
	_ =	sdelay $0x1  }
0xa8: {  	s23 =	simm.s32 $0x1B8B  }
0xa9: {  	_ =	swait.ge [sflag:s23], $0x1  }
0xaa: {  	[sflag:s23] =	ssyncset.done $0x0  }
0xab: {  	s25 =	simm.s32 $0x1B8E;
	s24 =	sld [smem:$0x3FFE];
	[sflag:s23] =	ssyncadd.s32 $0xFFFFFFFF  }
0xac: {  	s26 =	simm.s32 $execute0_lowered;
	[smem:$0x3FD2] =	sst s25  }
0xad: {  	s8 =	sshll.u32 s26, $0x1;
	_ =	strace $0x80000046;
	[dreg:$0x1] =	wrdreg $0xFFFFFFFF  }
0xae: {  	s28 =	simm.s32 $_size_execute0_lowered;
	s6 =	sadd.s32 s6, s8;
	[dreg:$0x0] =	wrdreg $0x0  }
0xaf: {  	s8 =	sshll.u32 s28, $0x1;
	[dreg:$0x2] =	wrdreg s6  }
0xb0: {  	[dreg:$0x3] =	wrdreg s8  }
0xb1: {  	[dreg:$0x4] =	wrdreg $0xC0  }
0xb2: {  	_ =	task [dreg:s10], $0x5FFFF  }
0xb3: {  	[dreg:$0x1] =	wrdreg $0xFFFFFFFF  }
0xb4: {  	[dreg:$0x0] =	wrdreg $0x60  }
0xb5: {  	[dreg:$0x2] =	wrdreg s16  }
0xb6: {  	[dreg:$0x3] =	wrdreg s17  }
0xb7: {  	[dreg:$0x4] =	wrdreg s15  }
0xb8: {  	[dreg:$0x5] =	wrdreg s4  }
0xb9: {  	[dreg:$0x6] =	wrdreg s24  }
0xba: {  	[dreg:$0x7] =	wrdreg $0x9  }
0xbb: {  	_ =	task.clear_ibuf [dreg:s10], $0x8FFFF;
	_ =	strace $0x90000046  }
0xbc: {  	s29 =	simm.s32 $0x9;
	_ =	strace $0x80000048  }
0xbd: {  	_ =	swait.ge [sflag:s29], $0x1  }
0xbe: {  	[sflag:s29] =	ssyncadd.s32 $0xFFFFFFFF  }
0xbf: {  	_ =	strace $0x90000048  }
0xc0: {  	_ =	sfence  }
0xc1: {  	s30 =	sld [smem:$0x0];
	_ =	sdelay $0x2  }
0xc2: {  	s31 =	sshll.u32 s1, $0xD;
	s1 =	sshrl.u32 s1, $0x2  }
0xc3: {  	s3 =	sand.u32 $0x4000, s31;
	s1 =	sadd.s32 s1, s30  }
0xc4: {  	s0 =	sor.u32 s3, s0;
	s1 =	sshll.u32 s1, $0x11  }
0xc5: {  	s0 =	sor.u32 s1, s0  }
0xc6: {  	s0 =	sadd.s32 $0x8F2B, s0  }
0xc7: {  	[sflag:s0] =	ssyncadd.remote.s32 $0x1  }
0xc8: {  	_ =	sfence.sel $0xFFFF  }
0xc9: {  	[dreg:$0x0] =	wrdreg $0xFFFFFFFF;
	(pc) =	sbr.abs _section_cstart, $3  }
0xca: {  	[dreg:$0x1] =	wrdreg $0xFFFFFFFF  }
0xcb: {  	_ =	task.clear_ibuf [dreg:s10], $0x2FFFF;
	_ =	strace $0x9FFFFFFF  }
0xcc: {  	(tm) =	ssettm $0x7FFFFFFF  }
0xcd: {  	_ =	shalt  }
tec
execute0_lowered:
.L_overlay_start_1:
0x0: {  	(tag) =	ssettag $0x1  }
0x1: {  	s1 =	rddreg [dreg:$0x0]  }
0x2: {  	s2 =	rddreg [dreg:$0x1];
	s3 =	srdreg.scid  }
0x3: {  	s5 =	rddreg [dreg:$0x2];
	s0 =	stileid.u32;
	s30 =	sand.u32 $0x1, s3  }
0x4: {  	s7 =	rddreg [dreg:$0x3];
	s6 =	sshll.u32 s0, $0xA;
	s8 =	sshll.u32 s30, $0x9  }
0x5: {  	s15 =	rddreg [dreg:$0x4];
	s4 =	simm.s32 $0x0;
	s26 =	sor.u32 s8, s6  }
0x6: {  	[smem:$0x7FF] =	sst s4;
	s16 =	sshrl.u32 s26, $0x3  }
0x7: {  	_ =	strace $0x80000047;
	s6 =	sadd.s32 s5, s16;
	s5 =	simm.s32 $0x2  }
0x8: {  	[tilespmem:s4], [sflag:$0x2] =	stream.linear.gather [hbm4b:s6+s4], $0x200, $0x38;
	[tilespmem:$0x4480] =	vst v63  }
0x9: {  	_ =	swait.ge [sflag:s5], $0x200  }
0xa: {  	[sflag:s5] =	ssyncset.done $0x0  }
0xb: {  	s8 =	simm.s32 $0x200;
	s7 =	sadd.s32 s7, s16;
	[sflag:s5] =	ssyncadd.s32 $0xFFFFFE00  }
0xc: {  	[tilespmem:s8], [sflag:$0x2] =	stream.linear.gather [hbm4b:s7+s4], $0x200, $0x38;
	[tilespmem:$0x4480] =	vst v63  }
0xd: {  	_ =	swait.ge [sflag:s5], $0x200  }
0xe: {  	s9 =	simm.s32 $0x80;
	[sflag:s5] =	ssyncset.done $0x0  }
0xf: {  	s10 =	simm.s32 $0x400;
	s11 =	simm.s32 $0x1;
	[sflag:s5] =	ssyncadd.s32 $0xFFFFFE00  }
0x10: {  	[tilespmem:s10], [sflag:$0x1] =	stream.indirect.gather [hbm4b:s1+s9], $0x80, s4, s9, $0xb8;
	[tilespmem:$0x4480] =	vst v63  }
0x11: {  	_ =	swait.ge [sflag:s11], $0x4000  }
0x12: {  	s28 =	sadd.s32 $0x2E00, s15;
	s13 =	sshll.u32 s26, $0x4;
	[sflag:s11] =	ssyncset.done $0x0  }
0x13: {  	s12 =	sadd.s32 s28, s13;
	[sflag:s11] =	ssyncadd.s32 $0xFFFFC000  }
0x14: {  	[hbm4b:s12+s4] =	stream.linear.scatter [tilespmem:s10], [sflag:$0x2], $0x4000, $0x38;
	[tilespmem:$0x4480] =	vst v63  }
0x15: {  	_ =	swait.ge [sflag:s5], $0x4000  }
0x16: {  	[sflag:s5] =	ssyncset.done $0x0  }
0x17: {  	[sflag:s5] =	ssyncadd.s32 $0xFFFFC000  }
0x18: {  	[tilespmem:s10], [sflag:$0x1] =	stream.indirect.gather [hbm4b:s1+s9], $0x80, s8, s9, $0xb8;
	[tilespmem:$0x4480] =	vst v63  }
0x19: {  	_ =	swait.ge [sflag:s11], $0x4000  }
0x1a: {  	s29 =	sadd.s32 $0x42E00, s15;
	[sflag:s11] =	ssyncset.done $0x0  }
0x1b: {  	s13 =	sadd.s32 s29, s13;
	[sflag:s11] =	ssyncadd.s32 $0xFFFFC000  }
0x1c: {  	[hbm4b:s13+s4] =	stream.linear.scatter [tilespmem:s10], [sflag:$0x2], $0x4000, $0x38;
	[tilespmem:$0x4480] =	vst v63  }
0x1d: {  	_ =	swait.ge [sflag:s5], $0x4000  }
0x1e: {  	[sflag:s5] =	ssyncset.done $0x0  }
0x1f: {  	s14 =	simm.s32 $0x4400;
	[sflag:s5] =	ssyncadd.s32 $0xFFFFC000  }
0x20: {  	[tilespmem:s14], [sflag:$0x1] =	stream.indirect.gather [hbm4b:s2+s9], $0x1, s4, s9, $0xb8;
	[tilespmem:$0x4480] =	vst v63  }
0x21: {  	_ =	swait.ge [sflag:s11], $0x80  }
0x22: {  	s31 =	sadd.s32 $0x2600, s15;
	[sflag:s11] =	ssyncset.done $0x0  }
0x23: {  	s15 =	sadd.s32 s31, s16;
	[sflag:s11] =	ssyncadd.s32 $0xFFFFFF80  }
0x24: {  	[hbm4b:s15+s4] =	stream.linear.scatter [tilespmem:s14], [sflag:$0x2], $0x80, $0x38;
	[tilespmem:$0x4480] =	vst v63  }
0x25: {  	_ =	swait.ge [sflag:s5], $0x80  }
0x26: {  	[sflag:s5] =	ssyncset.done $0x0  }
0x27: {  	[sflag:s5] =	ssyncadd.s32 $0xFFFFFF80  }
0x28: {  	[tilespmem:s10], [sflag:$0x1] =	stream.indirect.gather [hbm4b:s1+s9], $0x80, s9, s9, $0xb8;
	[tilespmem:$0x4480] =	vst v63  }
0x29: {  	s19 =	sor.u32 $0x80, s26;
	_ =	swait.ge [sflag:s11], $0x4000  }
0x2a: {  	s18 =	sshll.u32 s19, $0x4;
	[sflag:s11] =	ssyncset.done $0x0  }
0x2b: {  	s16 =	sadd.s32 s28, s18;
	[sflag:s11] =	ssyncadd.s32 $0xFFFFC000  }
0x2c: {  	[hbm4b:s16+s4] =	stream.linear.scatter [tilespmem:s10], [sflag:$0x2], $0x4000, $0x38;
	[tilespmem:$0x4480] =	vst v63  }
0x2d: {  	_ =	swait.ge [sflag:s5], $0x4000  }
0x2e: {  	[sflag:s5] =	ssyncset.done $0x0  }
0x2f: {  	s17 =	simm.s32 $0x280;
	[sflag:s5] =	ssyncadd.s32 $0xFFFFC000  }
0x30: {  	[tilespmem:s10], [sflag:$0x1] =	stream.indirect.gather [hbm4b:s1+s9], $0x80, s17, s9, $0xb8;
	[tilespmem:$0x4480] =	vst v63  }
0x31: {  	_ =	swait.ge [sflag:s11], $0x4000  }
0x32: {  	[sflag:s11] =	ssyncset.done $0x0  }
0x33: {  	s18 =	sadd.s32 s29, s18;
	[sflag:s11] =	ssyncadd.s32 $0xFFFFC000  }
0x34: {  	[hbm4b:s18+s4] =	stream.linear.scatter [tilespmem:s10], [sflag:$0x2], $0x4000, $0x38;
	[tilespmem:$0x4480] =	vst v63  }
0x35: {  	_ =	swait.ge [sflag:s5], $0x4000  }
0x36: {  	[sflag:s5] =	ssyncset.done $0x0  }
0x37: {  	[sflag:s5] =	ssyncadd.s32 $0xFFFFC000  }
0x38: {  	[tilespmem:s14], [sflag:$0x1] =	stream.indirect.gather [hbm4b:s2+s9], $0x1, s9, s9, $0xb8;
	[tilespmem:$0x4480] =	vst v63  }
0x39: {  	_ =	swait.ge [sflag:s11], $0x80  }
0x3a: {  	s19 =	sshrl.u32 s19, $0x3;
	[sflag:s11] =	ssyncset.done $0x0  }
0x3b: {  	s19 =	sadd.s32 s31, s19;
	[sflag:s11] =	ssyncadd.s32 $0xFFFFFF80  }
0x3c: {  	[hbm4b:s19+s4] =	stream.linear.scatter [tilespmem:s14], [sflag:$0x2], $0x80, $0x38;
	[tilespmem:$0x4480] =	vst v63  }
0x3d: {  	_ =	swait.ge [sflag:s5], $0x80  }
0x3e: {  	[sflag:s5] =	ssyncset.done $0x0  }
0x3f: {  	s20 =	simm.s32 $0x100;
	[sflag:s5] =	ssyncadd.s32 $0xFFFFFF80  }
0x40: {  	[tilespmem:s10], [sflag:$0x1] =	stream.indirect.gather [hbm4b:s1+s9], $0x80, s20, s9, $0xb8;
	[tilespmem:$0x4480] =	vst v63  }
0x41: {  	s24 =	sor.u32 $0x100, s26;
	_ =	swait.ge [sflag:s11], $0x4000  }
0x42: {  	s23 =	sshll.u32 s24, $0x4;
	[sflag:s11] =	ssyncset.done $0x0  }
0x43: {  	s21 =	sadd.s32 s28, s23;
	[sflag:s11] =	ssyncadd.s32 $0xFFFFC000  }
0x44: {  	[hbm4b:s21+s4] =	stream.linear.scatter [tilespmem:s10], [sflag:$0x2], $0x4000, $0x38;
	[tilespmem:$0x4480] =	vst v63  }
0x45: {  	_ =	swait.ge [sflag:s5], $0x4000  }
0x46: {  	[sflag:s5] =	ssyncset.done $0x0  }
0x47: {  	s22 =	simm.s32 $0x300;
	[sflag:s5] =	ssyncadd.s32 $0xFFFFC000  }
0x48: {  	[tilespmem:s10], [sflag:$0x1] =	stream.indirect.gather [hbm4b:s1+s9], $0x80, s22, s9, $0xb8;
	[tilespmem:$0x4480] =	vst v63  }
0x49: {  	_ =	swait.ge [sflag:s11], $0x4000  }
0x4a: {  	[sflag:s11] =	ssyncset.done $0x0  }
0x4b: {  	s23 =	sadd.s32 s29, s23;
	[sflag:s11] =	ssyncadd.s32 $0xFFFFC000  }
0x4c: {  	[hbm4b:s23+s4] =	stream.linear.scatter [tilespmem:s10], [sflag:$0x2], $0x4000, $0x38;
	[tilespmem:$0x4480] =	vst v63  }
0x4d: {  	_ =	swait.ge [sflag:s5], $0x4000  }
0x4e: {  	[sflag:s5] =	ssyncset.done $0x0  }
0x4f: {  	[sflag:s5] =	ssyncadd.s32 $0xFFFFC000  }
0x50: {  	[tilespmem:s14], [sflag:$0x1] =	stream.indirect.gather [hbm4b:s2+s9], $0x1, s20, s9, $0xb8;
	[tilespmem:$0x4480] =	vst v63  }
0x51: {  	_ =	swait.ge [sflag:s11], $0x80  }
0x52: {  	s24 =	sshrl.u32 s24, $0x3;
	[sflag:s11] =	ssyncset.done $0x0  }
0x53: {  	s24 =	sadd.s32 s31, s24;
	[sflag:s11] =	ssyncadd.s32 $0xFFFFFF80  }
0x54: {  	[hbm4b:s24+s4] =	stream.linear.scatter [tilespmem:s14], [sflag:$0x2], $0x80, $0x38;
	[tilespmem:$0x4480] =	vst v63  }
0x55: {  	_ =	swait.ge [sflag:s5], $0x80  }
0x56: {  	[sflag:s5] =	ssyncset.done $0x0  }
0x57: {  	s25 =	simm.s32 $0x180;
	[sflag:s5] =	ssyncadd.s32 $0xFFFFFF80  }
0x58: {  	[tilespmem:s10], [sflag:$0x1] =	stream.indirect.gather [hbm4b:s1+s9], $0x80, s25, s9, $0xb8;
	[tilespmem:$0x4480] =	vst v63  }
0x59: {  	s3 =	sor.u32 $0x180, s26;
	_ =	swait.ge [sflag:s11], $0x4000  }
0x5a: {  	s0 =	sshll.u32 s3, $0x4;
	[sflag:s11] =	ssyncset.done $0x0  }
0x5b: {  	s26 =	sadd.s32 s28, s0;
	[sflag:s11] =	ssyncadd.s32 $0xFFFFC000  }
0x5c: {  	[hbm4b:s26+s4] =	stream.linear.scatter [tilespmem:s10], [sflag:$0x2], $0x4000, $0x38;
	[tilespmem:$0x4480] =	vst v63  }
0x5d: {  	_ =	swait.ge [sflag:s5], $0x4000  }
0x5e: {  	[sflag:s5] =	ssyncset.done $0x0  }
0x5f: {  	s28 =	simm.s32 $0x380;
	[sflag:s5] =	ssyncadd.s32 $0xFFFFC000  }
0x60: {  	[tilespmem:s10], [sflag:$0x1] =	stream.indirect.gather [hbm4b:s1+s9], $0x80, s28, s9, $0xb8;
	[tilespmem:$0x4480] =	vst v63  }
0x61: {  	_ =	swait.ge [sflag:s11], $0x4000  }
0x62: {  	[sflag:s11] =	ssyncset.done $0x0  }
0x63: {  	s29 =	sadd.s32 s29, s0;
	s0 =	ssub.s32 $0x2, s30;
	[sflag:s11] =	ssyncadd.s32 $0xFFFFC000  }
0x64: {  	[hbm4b:s29+s4] =	stream.linear.scatter [tilespmem:s10], [sflag:$0x2], $0x4000, $0x38;
	[tilespmem:$0x4480] =	vst v63  }
0x65: {  	s30 =	sshrl.u32 s0, $0x1;
	_ =	swait.ge [sflag:s5], $0x4000  }
0x66: {  	s0 =	ssub.s32 s0, s30;
	[sflag:s5] =	ssyncset.done $0x0  }
0x67: {  	s0 =	smax.u32 s0, $0x1;
	[sflag:s5] =	ssyncadd.s32 $0xFFFFC000  }
0x68: {  	[tilespmem:s14], [sflag:$0x1] =	stream.indirect.gather [hbm4b:s2+s9], $0x1, s25, s9, $0xb8;
	[tilespmem:$0x4480] =	vst v63  }
0x69: {  	p0 =	sne.s32 s0, $0x1;
	_ =	swait.ge [sflag:s11], $0x80  }
.Ltmp0:
0x6a: {  	s3 =	sshrl.u32 s3, $0x3;
	[sflag:s11] =	ssyncset.done $0x0;
	(pc) =	sbr.rel @!p0 .LBB2_2-.Ltmp0, $4  }
0x6b: {  	s30 =	sadd.s32 s31, s3;
	[sflag:s11] =	ssyncadd.s32 $0xFFFFFF80  }
0x6c: {  	[hbm4b:s30+s4] =	stream.linear.scatter [tilespmem:s14], [sflag:$0x2], $0x80, $0x38;
	[tilespmem:$0x4480] =	vst v63  }
0x6d: {  	_ =	swait.ge [sflag:s5], $0x80  }
0x6e: {  	s31 =	sadd.s32 $0xFFFFFFFF, s0;
	[sflag:s5] =	ssyncset.done $0x0  }
.LBB2_1:
0x6f: {  	p0 =	sne.s32 s31, $0x1;
	s31 =	sadd.s32 $0xFFFFFFFF, s31;
	[sflag:s5] =	ssyncadd.s32 $0xFFFFFF80  }
0x70: {  	[tilespmem:s4], [sflag:$0x2] =	stream.linear.gather [hbm4b:s6+s4], $0x200, $0x38;
	[tilespmem:$0x4480] =	vst v63  }
0x71: {  	_ =	swait.ge [sflag:s5], $0x200  }
0x72: {  	[sflag:s5] =	ssyncset.done $0x0  }
0x73: {  	[sflag:s5] =	ssyncadd.s32 $0xFFFFFE00  }
0x74: {  	[tilespmem:s8], [sflag:$0x2] =	stream.linear.gather [hbm4b:s7+s4], $0x200, $0x38;
	[tilespmem:$0x4480] =	vst v63  }
0x75: {  	_ =	swait.ge [sflag:s5], $0x200  }
0x76: {  	[sflag:s5] =	ssyncset.done $0x0  }
0x77: {  	[sflag:s5] =	ssyncadd.s32 $0xFFFFFE00  }
0x78: {  	[tilespmem:s10], [sflag:$0x1] =	stream.indirect.gather [hbm4b:s1+s9], $0x80, s4, s9, $0xb8;
	[tilespmem:$0x4480] =	vst v63  }
0x79: {  	_ =	swait.ge [sflag:s11], $0x4000  }
0x7a: {  	[sflag:s11] =	ssyncset.done $0x0  }
0x7b: {  	[sflag:s11] =	ssyncadd.s32 $0xFFFFC000  }
0x7c: {  	[hbm4b:s12+s4] =	stream.linear.scatter [tilespmem:s10], [sflag:$0x2], $0x4000, $0x38;
	[tilespmem:$0x4480] =	vst v63  }
0x7d: {  	_ =	swait.ge [sflag:s5], $0x4000  }
0x7e: {  	[sflag:s5] =	ssyncset.done $0x0  }
0x7f: {  	[sflag:s5] =	ssyncadd.s32 $0xFFFFC000  }
0x80: {  	[tilespmem:s10], [sflag:$0x1] =	stream.indirect.gather [hbm4b:s1+s9], $0x80, s8, s9, $0xb8;
	[tilespmem:$0x4480] =	vst v63  }
0x81: {  	_ =	swait.ge [sflag:s11], $0x4000  }
0x82: {  	[sflag:s11] =	ssyncset.done $0x0  }
0x83: {  	[sflag:s11] =	ssyncadd.s32 $0xFFFFC000  }
0x84: {  	[hbm4b:s13+s4] =	stream.linear.scatter [tilespmem:s10], [sflag:$0x2], $0x4000, $0x38;
	[tilespmem:$0x4480] =	vst v63  }
0x85: {  	_ =	swait.ge [sflag:s5], $0x4000  }
0x86: {  	[sflag:s5] =	ssyncset.done $0x0  }
0x87: {  	[sflag:s5] =	ssyncadd.s32 $0xFFFFC000  }
0x88: {  	[tilespmem:s14], [sflag:$0x1] =	stream.indirect.gather [hbm4b:s2+s9], $0x1, s4, s9, $0xb8;
	[tilespmem:$0x4480] =	vst v63  }
0x89: {  	_ =	swait.ge [sflag:s11], $0x80  }
0x8a: {  	[sflag:s11] =	ssyncset.done $0x0  }
0x8b: {  	[sflag:s11] =	ssyncadd.s32 $0xFFFFFF80  }
0x8c: {  	[hbm4b:s15+s4] =	stream.linear.scatter [tilespmem:s14], [sflag:$0x2], $0x80, $0x38;
	[tilespmem:$0x4480] =	vst v63  }
0x8d: {  	_ =	swait.ge [sflag:s5], $0x80  }
0x8e: {  	[sflag:s5] =	ssyncset.done $0x0  }
0x8f: {  	[sflag:s5] =	ssyncadd.s32 $0xFFFFFF80  }
0x90: {  	[tilespmem:s10], [sflag:$0x1] =	stream.indirect.gather [hbm4b:s1+s9], $0x80, s9, s9, $0xb8;
	[tilespmem:$0x4480] =	vst v63  }
0x91: {  	_ =	swait.ge [sflag:s11], $0x4000  }
0x92: {  	[sflag:s11] =	ssyncset.done $0x0  }
0x93: {  	[sflag:s11] =	ssyncadd.s32 $0xFFFFC000  }
0x94: {  	[hbm4b:s16+s4] =	stream.linear.scatter [tilespmem:s10], [sflag:$0x2], $0x4000, $0x38;
	[tilespmem:$0x4480] =	vst v63  }
0x95: {  	_ =	swait.ge [sflag:s5], $0x4000  }
0x96: {  	[sflag:s5] =	ssyncset.done $0x0  }
0x97: {  	[sflag:s5] =	ssyncadd.s32 $0xFFFFC000  }
0x98: {  	[tilespmem:s10], [sflag:$0x1] =	stream.indirect.gather [hbm4b:s1+s9], $0x80, s17, s9, $0xb8;
	[tilespmem:$0x4480] =	vst v63  }
0x99: {  	_ =	swait.ge [sflag:s11], $0x4000  }
0x9a: {  	[sflag:s11] =	ssyncset.done $0x0  }
0x9b: {  	[sflag:s11] =	ssyncadd.s32 $0xFFFFC000  }
0x9c: {  	[hbm4b:s18+s4] =	stream.linear.scatter [tilespmem:s10], [sflag:$0x2], $0x4000, $0x38;
	[tilespmem:$0x4480] =	vst v63  }
0x9d: {  	_ =	swait.ge [sflag:s5], $0x4000  }
0x9e: {  	[sflag:s5] =	ssyncset.done $0x0  }
0x9f: {  	[sflag:s5] =	ssyncadd.s32 $0xFFFFC000  }
0xa0: {  	[tilespmem:s14], [sflag:$0x1] =	stream.indirect.gather [hbm4b:s2+s9], $0x1, s9, s9, $0xb8;
	[tilespmem:$0x4480] =	vst v63  }
0xa1: {  	_ =	swait.ge [sflag:s11], $0x80  }
0xa2: {  	[sflag:s11] =	ssyncset.done $0x0  }
0xa3: {  	[sflag:s11] =	ssyncadd.s32 $0xFFFFFF80  }
0xa4: {  	[hbm4b:s19+s4] =	stream.linear.scatter [tilespmem:s14], [sflag:$0x2], $0x80, $0x38;
	[tilespmem:$0x4480] =	vst v63  }
0xa5: {  	_ =	swait.ge [sflag:s5], $0x80  }
0xa6: {  	[sflag:s5] =	ssyncset.done $0x0  }
0xa7: {  	[sflag:s5] =	ssyncadd.s32 $0xFFFFFF80  }
0xa8: {  	[tilespmem:s10], [sflag:$0x1] =	stream.indirect.gather [hbm4b:s1+s9], $0x80, s20, s9, $0xb8;
	[tilespmem:$0x4480] =	vst v63  }
0xa9: {  	_ =	swait.ge [sflag:s11], $0x4000  }
0xaa: {  	[sflag:s11] =	ssyncset.done $0x0  }
0xab: {  	[sflag:s11] =	ssyncadd.s32 $0xFFFFC000  }
0xac: {  	[hbm4b:s21+s4] =	stream.linear.scatter [tilespmem:s10], [sflag:$0x2], $0x4000, $0x38;
	[tilespmem:$0x4480] =	vst v63  }
0xad: {  	_ =	swait.ge [sflag:s5], $0x4000  }
0xae: {  	[sflag:s5] =	ssyncset.done $0x0  }
0xaf: {  	[sflag:s5] =	ssyncadd.s32 $0xFFFFC000  }
0xb0: {  	[tilespmem:s10], [sflag:$0x1] =	stream.indirect.gather [hbm4b:s1+s9], $0x80, s22, s9, $0xb8;
	[tilespmem:$0x4480] =	vst v63  }
0xb1: {  	_ =	swait.ge [sflag:s11], $0x4000  }
0xb2: {  	[sflag:s11] =	ssyncset.done $0x0  }
0xb3: {  	[sflag:s11] =	ssyncadd.s32 $0xFFFFC000  }
0xb4: {  	[hbm4b:s23+s4] =	stream.linear.scatter [tilespmem:s10], [sflag:$0x2], $0x4000, $0x38;
	[tilespmem:$0x4480] =	vst v63  }
0xb5: {  	_ =	swait.ge [sflag:s5], $0x4000  }
0xb6: {  	[sflag:s5] =	ssyncset.done $0x0  }
0xb7: {  	[sflag:s5] =	ssyncadd.s32 $0xFFFFC000  }
0xb8: {  	[tilespmem:s14], [sflag:$0x1] =	stream.indirect.gather [hbm4b:s2+s9], $0x1, s20, s9, $0xb8;
	[tilespmem:$0x4480] =	vst v63  }
0xb9: {  	_ =	swait.ge [sflag:s11], $0x80  }
0xba: {  	[sflag:s11] =	ssyncset.done $0x0  }
0xbb: {  	[sflag:s11] =	ssyncadd.s32 $0xFFFFFF80  }
0xbc: {  	[hbm4b:s24+s4] =	stream.linear.scatter [tilespmem:s14], [sflag:$0x2], $0x80, $0x38;
	[tilespmem:$0x4480] =	vst v63  }
0xbd: {  	_ =	swait.ge [sflag:s5], $0x80  }
0xbe: {  	[sflag:s5] =	ssyncset.done $0x0  }
0xbf: {  	[sflag:s5] =	ssyncadd.s32 $0xFFFFFF80  }
0xc0: {  	[tilespmem:s10], [sflag:$0x1] =	stream.indirect.gather [hbm4b:s1+s9], $0x80, s25, s9, $0xb8;
	[tilespmem:$0x4480] =	vst v63  }
0xc1: {  	_ =	swait.ge [sflag:s11], $0x4000  }
0xc2: {  	[sflag:s11] =	ssyncset.done $0x0  }
0xc3: {  	[sflag:s11] =	ssyncadd.s32 $0xFFFFC000  }
0xc4: {  	[hbm4b:s26+s4] =	stream.linear.scatter [tilespmem:s10], [sflag:$0x2], $0x4000, $0x38;
	[tilespmem:$0x4480] =	vst v63  }
0xc5: {  	_ =	swait.ge [sflag:s5], $0x4000  }
0xc6: {  	[sflag:s5] =	ssyncset.done $0x0  }
0xc7: {  	[sflag:s5] =	ssyncadd.s32 $0xFFFFC000  }
0xc8: {  	[tilespmem:s10], [sflag:$0x1] =	stream.indirect.gather [hbm4b:s1+s9], $0x80, s28, s9, $0xb8;
	[tilespmem:$0x4480] =	vst v63  }
0xc9: {  	_ =	swait.ge [sflag:s11], $0x4000  }
0xca: {  	[sflag:s11] =	ssyncset.done $0x0  }
0xcb: {  	[sflag:s11] =	ssyncadd.s32 $0xFFFFC000  }
0xcc: {  	[hbm4b:s29+s4] =	stream.linear.scatter [tilespmem:s10], [sflag:$0x2], $0x4000, $0x38;
	[tilespmem:$0x4480] =	vst v63  }
0xcd: {  	_ =	swait.ge [sflag:s5], $0x4000  }
0xce: {  	[sflag:s5] =	ssyncset.done $0x0  }
0xcf: {  	[sflag:s5] =	ssyncadd.s32 $0xFFFFC000  }
0xd0: {  	[tilespmem:s14], [sflag:$0x1] =	stream.indirect.gather [hbm4b:s2+s9], $0x1, s25, s9, $0xb8;
	[tilespmem:$0x4480] =	vst v63  }
0xd1: {  	_ =	swait.ge [sflag:s11], $0x80  }
.Ltmp1:
0xd2: {  	[sflag:s11] =	ssyncset.done $0x0;
	(pc) =	sbr.rel @p0 .LBB2_1-.Ltmp1, $4  }
0xd3: {  	[sflag:s11] =	ssyncadd.s32 $0xFFFFFF80  }
0xd4: {  	[hbm4b:s30+s4] =	stream.linear.scatter [tilespmem:s14], [sflag:$0x2], $0x80, $0x38;
	[tilespmem:$0x4480] =	vst v63  }
0xd5: {  	_ =	swait.ge [sflag:s5], $0x80  }
0xd6: {  	[sflag:s5] =	ssyncset.done $0x0  }
.LBB2_2:
0xd7: {  	[sflag:s5] =	ssyncadd.s32 $0xFFFFFF80  }
0xd8: {  	_ =	sfence.sel $0x180000  }
0xd9: {  	[bflag:$0x0] =	sbarrier.arrive $0xFFFF  }
0xda: {  	_ =	strace $0x90000047  }
0xdb: {  	s0 =	stileid.u32;
	[bflag:$0x2] =	sbarrier.arrive $0xFFFF  }
0xdc: {  	p0 =	sne.s32 s0, $0x0;
	s0 =	rddreg [dreg:$0x5]  }
0xdd: {  	s0 =	sadd.s32 @!p0 $0x100000, s0  }
0xde: {  	[sflag:s0] =	ssyncadd.tile.s32 @!p0 $0x1;
	_ =	shalt  }
.Lfunc_end2:
_tile_overlayer_lowered:
.L_overlay_start_2:
0xdf: {  	(tag) =	ssettag $0x2  }
0xe0: {  	s0 =	rddreg [dreg:$0x0];
	s2 =	stileid.u32  }
0xe1: {  	s1 =	rddreg [dreg:$0x1];
	p0 =	sne.s32 s2, $0x0  }
0xe2: {  	s3 =	rddreg [dreg:$0x2];
	[bflag:$0x3] =	sbarrier.arrive $0xFFFF;
	s2 =	simm.s32 @!p0 $0x1C02  }
0xe3: {  	[timem:s3], [sflag:s2] =	dma.local @!p0 [hbm:s0], s1  }
0xe4: {  	s0 =	simm.s32 @!p0 $0x2  }
0xe5: {  	_ =	swait.ge @!p0 [sflag:s0], s1  }
0xe6: {  	s1 =	ssub.s32 @!p0 $0x0, s1;
	[sflag:s0] =	ssyncset.done @!p0 $0x0  }
0xe7: {  	[sflag:s0] =	ssyncadd.s32 @!p0 s1  }
0xe8: {  	[bflag:$0x3] =	sbarrier.arrive $0xFFFF  }
0xe9: {  	_ =	shalt  }

// kernel: kernel.8.cloned.1.call-start
scs
__scs_entry_jumppad:
0x0: {  	(pc) =	sbr.rel $0x88, $3  }
0x1: {  	(tag) =	ssettag $0x0;
	lr =	simm.s32 $0x1  }
0x2: {  	[smem:$0x3F95] =	sst lr;
	_ =	strace $0xD0000000  }
0x3: {  	_ = 	snop  }
0x4: {  	_ = 	snop  }
0x5: {  	_ = 	snop  }
0x6: {  	_ = 	snop  }
0x7: {  	_ = 	snop  }
__scs_overlays_trampoline_lowered:
0x8: {  	[smem:$0x3FA4] =	sst s0  }
0x9: {  	[smem:$0x3FA5] =	sst s1  }
0xa: {  	[smem:$0x3FA6] =	sst s2  }
0xb: {  	[smem:$0x3FA7] =	sst s3  }
0xc: {  	[smem:$0x3FA8] =	sst s4  }
0xd: {  	[smem:$0x3FA9] =	sst s5  }
0xe: {  	[smem:$0x3FAA] =	sst s6  }
0xf: {  	[smem:$0x3FAB] =	sst s7  }
0x10: {  	[smem:$0x3FAC] =	sst s8  }
0x11: {  	[smem:$0x3FAD] =	sst s9;
	s0 =	simm.s32 @!p0 $0x0  }
0x12: {  	s1 =	sld [smem:$0x3F93];
	s0 =	simm.s32 @p0 $0x1  }
0x13: {  	[smem:$0x3FAE] =	sst s0;
	s0 =	simm.s32 @!p1 $0x0  }
0x14: {  	s2 =	sld [smem:$0x3F92];
	s0 =	simm.s32 @p1 $0x1  }
0x15: {  	[smem:$0x3FAF] =	sst s0;
	s0 =	simm.s32 @!p2 $0x0  }
0x16: {  	s3 =	sld [smem:$0x3FDB];
	s0 =	simm.s32 @p2 $0x1  }
0x17: {  	s4 =	simm.s32 $0x1BF5;
	[smem:$0x3FB1] =	sst s0  }
0x18: {  	s0 =	sld [smem:$0x3F94];
	_ =	swait.ge [sflag:s4], $0x0  }
0x19: {  	s7 =	sld [smem:$0x3F95]  }
0x1a: {  	s8 =	sadd.s32 $0xFFFFE003, lr  }
0x1b: {  	s9 =	sadd.s32 $0xFFFFFEF7, lr;
	s5 =	simm.s32 $0xFFFFFFFF;
	p2 =	slt.u32 s8, $0xFFFFF086  }
0x1c: {  	p1 =	slt.u32 s9, $0xF7A;
	s5 =	simm.s32 @!p2 $0x0  }
0x1d: {  	s5 =	simm.s32 @p1 $0x1;
	p0 =	seq.s32 s7, s2  }
0x1e: {  	s7 =	smul.u32 @!p0 $0xF7A, s2;
	p2 =	seq.s32 @!p0 s5, $0x0  }
0x1f: {  	s9 =	smul.u32 $0xF7A, s1;
	s8 =	simm.s32 @!p0 $0x1BF5;
	p2 =	por !p2, p0  }
0x20: {  	[sflag:s8] =	ssyncset.s32 @!p0 $0xFFFFF086;
	s6 =	sadd.s32 @!p0 s3, s7;
	s7 =	simm.s32 @!p0 $0x108  }
0x21: {  	s3 =	sadd.s32 s3, s9;
	s6 =	sadd.s32 @!p0 $0x88, s6;
	s7 =	simm.s32 @p2 $0x1082  }
0x22: {  	[simem:s7], [sflag:s8] =	dma.local @!p0 [hbm:s6], $0xF7A  }
0x23: {  	s9 =	sor.u32 $0xD0000000, s2;
	s6 =	simm.s32 $0x108;
	_ =	swait.ge @!p0 [sflag:s8], $0x0  }
0x24: {  	s3 =	sadd.s32 $0x88, s3;
	s6 =	simm.s32 @!p1 $0x1082;
	[sflag:s4] =	ssyncset.s32 $0xFFFFF086  }
0x25: {  	[simem:s6], [sflag:s4] =	dma.local [hbm:s3], $0xF7A  }
0x26: {  	[smem:$0x3F95] =	sst s1;
	(tag) =	ssettag s2;
	_ =	strace s9  }
0x27: {  	s1 =	sld [smem:$0x3FA5]  }
0x28: {  	s2 =	sld [smem:$0x3FA6]  }
0x29: {  	s4 =	sld [smem:$0x3FA8]  }
0x2a: {  	p0 =	seq.s32 s5, $0x0;
	s5 =	sld [smem:$0x3FA9]  }
0x2b: {  	s6 =	sld [smem:$0x3FAA]  }
0x2c: {  	s7 =	sld [smem:$0x3FAB]  }
0x2d: {  	s3 =	simm.s32 $0x108;
	s8 =	sld [smem:$0x3FAC]  }
0x2e: {  	s3 =	simm.s32 @!p0 $0x1082;
	s9 =	sld [smem:$0x3FAD]  }
0x2f: {  	lr =	sadd.s32 s0, s3;
	s0 =	sld [smem:$0x3FA4]  }
0x30: {  	s3 =	sld [smem:$0x3FA7]  }
0x31: {  	[smem:$0x3FB0] =	sst s10  }
0x32: {  	s10 =	sld [smem:$0x3FAE];
	_ =	sdelay $0x3  }
0x33: {  	p0 =	seq.s32 s10, $0x1;
	s10 =	sld [smem:$0x3FB0];
	_ =	sdelay $0x3  }
0x34: {  	[smem:$0x3FB0] =	sst s10  }
0x35: {  	s10 =	sld [smem:$0x3FAF];
	_ =	sdelay $0x3  }
0x36: {  	p1 =	seq.s32 s10, $0x1;
	s10 =	sld [smem:$0x3FB0];
	_ =	sdelay $0x3  }
0x37: {  	[smem:$0x3FB0] =	sst s10  }
0x38: {  	s10 =	sld [smem:$0x3FB1]  }
0x39: {  	_ = 	snop;
	(pc) =	sbr.ind lr, $3  }
0x3a: {  	_ = 	snop  }
0x3b: {  	_ = 	snop  }
0x3c: {  	p2 =	seq.s32 s10, $0x1;
	s10 =	sld [smem:$0x3FB0]  }
0x3d: {  	_ =	shalt  }
0x3e: {  	_ =	shalt  }
0x3f: {  	_ =	shalt  }
0x40: {  	_ =	shalt  }
0x41: {  	_ =	shalt  }
0x42: {  	_ =	shalt  }
0x43: {  	_ =	shalt  }
0x44: {  	_ =	shalt  }
0x45: {  	_ =	shalt  }
0x46: {  	_ =	shalt  }
0x47: {  	_ =	shalt  }
0x48: {  	_ =	shalt  }
0x49: {  	_ =	shalt  }
0x4a: {  	_ =	shalt  }
0x4b: {  	_ =	shalt  }
0x4c: {  	_ =	shalt  }
0x4d: {  	_ =	shalt  }
0x4e: {  	_ =	shalt  }
0x4f: {  	_ =	shalt  }
0x50: {  	_ =	shalt  }
0x51: {  	_ =	shalt  }
0x52: {  	_ =	shalt  }
0x53: {  	_ =	shalt  }
0x54: {  	_ =	shalt  }
0x55: {  	_ =	shalt  }
0x56: {  	_ =	shalt  }
0x57: {  	_ =	shalt  }
0x58: {  	_ =	shalt  }
0x59: {  	_ =	shalt  }
0x5a: {  	_ =	shalt  }
0x5b: {  	_ =	shalt  }
0x5c: {  	_ =	shalt  }
0x5d: {  	_ =	shalt  }
0x5e: {  	_ =	shalt  }
0x5f: {  	_ =	shalt  }
0x60: {  	_ =	shalt  }
0x61: {  	_ =	shalt  }
0x62: {  	_ =	shalt  }
0x63: {  	_ =	shalt  }
0x64: {  	_ =	shalt  }
0x65: {  	_ =	shalt  }
0x66: {  	_ =	shalt  }
0x67: {  	_ =	shalt  }
0x68: {  	_ =	shalt  }
0x69: {  	_ =	shalt  }
0x6a: {  	_ =	shalt  }
0x6b: {  	_ =	shalt  }
0x6c: {  	_ =	shalt  }
0x6d: {  	_ =	shalt  }
0x6e: {  	_ =	shalt  }
0x6f: {  	_ =	shalt  }
0x70: {  	_ =	shalt  }
0x71: {  	_ =	shalt  }
0x72: {  	_ =	shalt  }
0x73: {  	_ =	shalt  }
0x74: {  	_ =	shalt  }
0x75: {  	_ =	shalt  }
0x76: {  	_ =	shalt  }
0x77: {  	_ =	shalt  }
0x78: {  	_ =	shalt  }
0x79: {  	_ =	shalt  }
0x7a: {  	_ =	shalt  }
0x7b: {  	_ =	shalt  }
0x7c: {  	_ =	shalt  }
0x7d: {  	_ =	shalt  }
0x7e: {  	_ =	shalt  }
0x7f: {  	_ =	shalt  }
0x80: {  	_ =	shalt  }
0x81: {  	_ =	shalt  }
0x82: {  	_ =	shalt  }
0x83: {  	_ =	shalt  }
0x84: {  	_ =	shalt  }
0x85: {  	_ =	shalt  }
0x86: {  	_ =	shalt  }
0x87: {  	_ =	shalt  }
.Lfunc_end0:
.L_simem_size_0:
called_computation.3_lowered:
.L_overlay_start_0:
0x88: {  	s2 =	sld [smem:$0x3FD9]  }
0x89: {  	s3 =	sld [smem:$0x3FFE];
	_ =	sdelay $0x1  }
0x8a: {  	s1 =	srdreg.scid  }
0x8b: {  	s0 =	sand.u32 $0x1, s1  }
0x8c: {  	s14 =	sshll.u32 s0, $0xA;
	s2 =	sadd.s32 s3, s2  }
0x8d: {  	s2 =	sadd.s32 s2, s14  }
0x8e: {  	[smem:$0x3FBC] =	sst s2  }
0x8f: {  	_ = 	snop  }
0x90: {  	s2 =	sld [smem:$0x3FD0];
	_ =	sdelay $0x1  }
0x91: {  	s15 =	sld [smem:$0x3FC7]  }
0x92: {  	s5 =	simm.s32 $0xA;
	s6 =	simm.s32 $0x10;
	s4 =	sld [smem:$0x3FC4]  }
0x93: {  	[smem:s6], [sflag:s5] =	dma.local [hbm:s2], $0x1  }
0x94: {  	_ =	swait.eq [sflag:s5], $0x1  }
0x95: {  	[sflag:s5] =	ssyncset.done $0x0  }
0x96: {  	s16 =	sld [smem:$0x10];
	[sflag:s5] =	ssyncadd.s32 $0xFFFFFFFF  }
0x97: {  	s17 =	sld [smem:$0x11];
	(tm) =	ssettm $0x1  }
0x98: {  	s18 =	sld [smem:$0x3FFB];
	_ =	sdelay $0x3  }
0x99: {  	_ =	strace s18  }
0x9a: {  	s6 =	sld [smem:$0x3FFC];
	_ =	sdelay $0x3  }
0x9b: {  	_ =	strace s6  }
0x9c: {  	s6 =	sld [smem:$0x3FFD];
	_ =	sdelay $0x3  }
0x9d: {  	_ =	strace s6  }
0x9e: {  	_ =	strace $0x8FFFFFFF  }
0x9f: {  	s19 =	sld [smem:$0x3FDB];
	_ =	sdelay $0x1  }
0xa0: {  	s7 =	simm.s32 $_scs_section_size  }
0xa1: {  	s8 =	simm.s32 $_size__tile_overlayer_lowered;
	s9 =	simm.s32 $_tile_overlayer_lowered  }
0xa2: {  	s22 =	simm.s32 $0x1BFF;
	s21 =	sshll.u32 s9, $0x1;
	s6 =	sadd.s32 s7, s19  }
0xa3: {  	s10 =	simm.s32 $0x0;
	s20 =	sshll.u32 s8, $0x1;
	s8 =	sadd.s32 s21, s6  }
0xa4: {  	[timem:s10], [sflag:s22] =	dma.local [hbm:s8], s20  }
0xa5: {  	_ =	swait.ge [sflag:s22], s20  }
0xa6: {  	s7 =	ssub.s32 $0x0, s20;
	[sflag:s22] =	ssyncset.done $0x0  }
0xa7: {  	[sflag:s22] =	ssyncadd.s32 s7;
	_ =	sdelay $0x1  }
0xa8: {  	s23 =	simm.s32 $0x1B8B  }
0xa9: {  	_ =	swait.ge [sflag:s23], $0x1  }
0xaa: {  	[sflag:s23] =	ssyncset.done $0x0  }
0xab: {  	s25 =	simm.s32 $0x1B8E;
	s24 =	sld [smem:$0x3FFE];
	[sflag:s23] =	ssyncadd.s32 $0xFFFFFFFF  }
0xac: {  	s26 =	simm.s32 $execute0_lowered;
	[smem:$0x3FD2] =	sst s25  }
0xad: {  	s8 =	sshll.u32 s26, $0x1;
	_ =	strace $0x8000004F;
	[dreg:$0x1] =	wrdreg $0xFFFFFFFF  }
0xae: {  	s28 =	simm.s32 $_size_execute0_lowered;
	s6 =	sadd.s32 s6, s8;
	[dreg:$0x0] =	wrdreg $0x0  }
0xaf: {  	s8 =	sshll.u32 s28, $0x1;
	[dreg:$0x2] =	wrdreg s6  }
0xb0: {  	[dreg:$0x3] =	wrdreg s8  }
0xb1: {  	[dreg:$0x4] =	wrdreg $0xC0  }
0xb2: {  	_ =	task [dreg:s10], $0x5FFFF  }
0xb3: {  	[dreg:$0x1] =	wrdreg $0xFFFFFFFF  }
0xb4: {  	[dreg:$0x0] =	wrdreg $0x60  }
0xb5: {  	[dreg:$0x2] =	wrdreg s24  }
0xb6: {  	[dreg:$0x3] =	wrdreg s4  }
0xb7: {  	[dreg:$0x4] =	wrdreg s15  }
0xb8: {  	[dreg:$0x5] =	wrdreg s16  }
0xb9: {  	[dreg:$0x6] =	wrdreg s17  }
0xba: {  	[dreg:$0x7] =	wrdreg $0x9  }
0xbb: {  	_ =	task.clear_ibuf [dreg:s10], $0x8FFFF;
	_ =	strace $0x9000004F  }
0xbc: {  	s29 =	simm.s32 $0x9;
	_ =	strace $0x80000051  }
0xbd: {  	_ =	swait.ge [sflag:s29], $0x1  }
0xbe: {  	[sflag:s29] =	ssyncadd.s32 $0xFFFFFFFF  }
0xbf: {  	_ =	strace $0x90000051  }
0xc0: {  	_ =	sfence  }
0xc1: {  	s30 =	sld [smem:$0x0];
	_ =	sdelay $0x2  }
0xc2: {  	s31 =	sshll.u32 s1, $0xD;
	s1 =	sshrl.u32 s1, $0x2  }
0xc3: {  	s3 =	sand.u32 $0x4000, s31;
	s1 =	sadd.s32 s1, s30  }
0xc4: {  	s0 =	sor.u32 s3, s0;
	s1 =	sshll.u32 s1, $0x11  }
0xc5: {  	s0 =	sor.u32 s1, s0  }
0xc6: {  	s0 =	sadd.s32 $0x8F2B, s0  }
0xc7: {  	[sflag:s0] =	ssyncadd.remote.s32 $0x1  }
0xc8: {  	_ =	sfence.sel $0xFFFF  }
0xc9: {  	[dreg:$0x0] =	wrdreg $0xFFFFFFFF;
	(pc) =	sbr.abs _section_cstart, $3  }
0xca: {  	[dreg:$0x1] =	wrdreg $0xFFFFFFFF  }
0xcb: {  	_ =	task.clear_ibuf [dreg:s10], $0x2FFFF;
	_ =	strace $0x9FFFFFFF  }
0xcc: {  	(tm) =	ssettm $0x7FFFFFFF  }
0xcd: {  	_ =	shalt  }
tec
execute0_lowered:
.L_overlay_start_1:
0x0: {  	(tag) =	ssettag $0x1  }
0x1: {  	s10 =	rddreg [dreg:$0x0]  }
0x2: {  	s1 =	rddreg [dreg:$0x1]  }
0x3: {  	s6 =	rddreg [dreg:$0x2]  }
0x4: {  	s3 =	rddreg [dreg:$0x3]  }
0x5: {  	s4 =	rddreg [dreg:$0x4];
	s5 =	srdreg.scid  }
0x6: {  	s0 =	rddreg [dreg:$0x5];
	s2 =	stileid.u32;
	s20 =	sand.u32 $0x1, s5  }
0x7: {  	s5 =	simm.s32 $0x0;
	s7 =	sshll.u32 s2, $0x7;
	s8 =	sshll.u32 s20, $0x6  }
0x8: {  	[smem:$0x7FF] =	sst s5;
	s8 =	sor.u32 s8, s7  }
0x9: {  	_ =	strace $0x80000050;
	s7 =	simm.s32 $0x2;
	s6 =	sadd.s32 s6, s8  }
0xa: {  	[tilespmem:s5], [sflag:$0x2] =	stream.linear.gather [hbm4b:s6+s5], $0x200, $0x38;
	[tilespmem:$0x4480] =	vst v63  }
0xb: {  	_ =	swait.ge [sflag:s7], $0x200  }
0xc: {  	s8 =	sadd.s32 s8, s10;
	[sflag:s7] =	ssyncset.done $0x0  }
0xd: {  	s9 =	simm.s32 $0x200;
	s8 =	sadd.s32 $0x2600, s8;
	[sflag:s7] =	ssyncadd.s32 $0xFFFFFE00  }
0xe: {  	[tilespmem:s9], [sflag:$0x2] =	stream.linear.gather [hbm4b:s8+s5], $0x200, $0x38;
	[tilespmem:$0x4480] =	vst v63  }
0xf: {  	_ =	swait.ge [sflag:s7], $0x200  }
0x10: {  	s11 =	simm.s32 $0x80;
	s13 =	simm.s32 $0x400;
	[sflag:s7] =	ssyncset.done $0x0  }
0x11: {  	s12 =	simm.s32 $0x1;
	s10 =	sadd.s32 $0x2E00, s10;
	[sflag:s7] =	ssyncadd.s32 $0xFFFFFE00  }
0x12: {  	[tilespmem:s13], [sflag:$0x1] =	stream.indirect.gather [hbm4b:s10+s11], $0x80, s9, s11, $0xb8;
	[tilespmem:$0x4480] =	vst v63  }
0x13: {  	_ =	swait.ge [sflag:s12], $0x4000  }
0x14: {  	[sflag:s12] =	ssyncset.done $0x0  }
0x15: {  	[sflag:s12] =	ssyncadd.s32 $0xFFFFC000  }
0x16: {  	[hbm4b:s3+s11] =	stream.indirect.scatter [tilespmem:s13], [sflag:$0x1], $0x80, s5, s11, $0xb8;
	[tilespmem:$0x4480] =	vst v63  }
0x17: {  	_ =	swait.ge [sflag:s12], $0x4000  }
0x18: {  	[sflag:s12] =	ssyncset.done $0x0  }
0x19: {  	s14 =	simm.s32 $0x4400;
	[sflag:s12] =	ssyncadd.s32 $0xFFFFC000  }
0x1a: {  	[tilespmem:s14], [sflag:$0x1] =	stream.indirect.gather [hbm4b:s1+s11], $0x1, s9, s11, $0xb8;
	[tilespmem:$0x4480] =	vst v63  }
0x1b: {  	_ =	swait.ge [sflag:s12], $0x80  }
0x1c: {  	[sflag:s12] =	ssyncset.done $0x0  }
0x1d: {  	[sflag:s12] =	ssyncadd.s32 $0xFFFFFF80  }
0x1e: {  	[hbm4b:s4+s11] =	stream.indirect.scatter [tilespmem:s14], [sflag:$0x1], $0x1, s5, s11, $0xb8;
	[tilespmem:$0x4480] =	vst v63  }
0x1f: {  	_ =	swait.ge [sflag:s12], $0x80  }
0x20: {  	[sflag:s12] =	ssyncset.done $0x0  }
0x21: {  	s15 =	simm.s32 $0x280;
	[sflag:s12] =	ssyncadd.s32 $0xFFFFFF80  }
0x22: {  	[tilespmem:s13], [sflag:$0x1] =	stream.indirect.gather [hbm4b:s10+s11], $0x80, s15, s11, $0xb8;
	[tilespmem:$0x4480] =	vst v63  }
0x23: {  	_ =	swait.ge [sflag:s12], $0x4000  }
0x24: {  	[sflag:s12] =	ssyncset.done $0x0  }
0x25: {  	[sflag:s12] =	ssyncadd.s32 $0xFFFFC000  }
0x26: {  	[hbm4b:s3+s11] =	stream.indirect.scatter [tilespmem:s13], [sflag:$0x1], $0x80, s11, s11, $0xb8;
	[tilespmem:$0x4480] =	vst v63  }
0x27: {  	_ =	swait.ge [sflag:s12], $0x4000  }
0x28: {  	[sflag:s12] =	ssyncset.done $0x0  }
0x29: {  	[sflag:s12] =	ssyncadd.s32 $0xFFFFC000  }
0x2a: {  	[tilespmem:s14], [sflag:$0x1] =	stream.indirect.gather [hbm4b:s1+s11], $0x1, s15, s11, $0xb8;
	[tilespmem:$0x4480] =	vst v63  }
0x2b: {  	_ =	swait.ge [sflag:s12], $0x80  }
0x2c: {  	[sflag:s12] =	ssyncset.done $0x0  }
0x2d: {  	[sflag:s12] =	ssyncadd.s32 $0xFFFFFF80  }
0x2e: {  	[hbm4b:s4+s11] =	stream.indirect.scatter [tilespmem:s14], [sflag:$0x1], $0x1, s11, s11, $0xb8;
	[tilespmem:$0x4480] =	vst v63  }
0x2f: {  	_ =	swait.ge [sflag:s12], $0x80  }
0x30: {  	[sflag:s12] =	ssyncset.done $0x0  }
0x31: {  	s16 =	simm.s32 $0x300;
	[sflag:s12] =	ssyncadd.s32 $0xFFFFFF80  }
0x32: {  	[tilespmem:s13], [sflag:$0x1] =	stream.indirect.gather [hbm4b:s10+s11], $0x80, s16, s11, $0xb8;
	[tilespmem:$0x4480] =	vst v63  }
0x33: {  	_ =	swait.ge [sflag:s12], $0x4000  }
0x34: {  	[sflag:s12] =	ssyncset.done $0x0  }
0x35: {  	s17 =	simm.s32 $0x100;
	[sflag:s12] =	ssyncadd.s32 $0xFFFFC000  }
0x36: {  	[hbm4b:s3+s11] =	stream.indirect.scatter [tilespmem:s13], [sflag:$0x1], $0x80, s17, s11, $0xb8;
	[tilespmem:$0x4480] =	vst v63  }
0x37: {  	_ =	swait.ge [sflag:s12], $0x4000  }
0x38: {  	[sflag:s12] =	ssyncset.done $0x0  }
0x39: {  	[sflag:s12] =	ssyncadd.s32 $0xFFFFC000  }
0x3a: {  	[tilespmem:s14], [sflag:$0x1] =	stream.indirect.gather [hbm4b:s1+s11], $0x1, s16, s11, $0xb8;
	[tilespmem:$0x4480] =	vst v63  }
0x3b: {  	_ =	swait.ge [sflag:s12], $0x80  }
0x3c: {  	[sflag:s12] =	ssyncset.done $0x0  }
0x3d: {  	[sflag:s12] =	ssyncadd.s32 $0xFFFFFF80  }
0x3e: {  	[hbm4b:s4+s11] =	stream.indirect.scatter [tilespmem:s14], [sflag:$0x1], $0x1, s17, s11, $0xb8;
	[tilespmem:$0x4480] =	vst v63  }
0x3f: {  	_ =	swait.ge [sflag:s12], $0x80  }
0x40: {  	[sflag:s12] =	ssyncset.done $0x0  }
0x41: {  	s18 =	simm.s32 $0x380;
	[sflag:s12] =	ssyncadd.s32 $0xFFFFFF80  }
0x42: {  	[tilespmem:s13], [sflag:$0x1] =	stream.indirect.gather [hbm4b:s10+s11], $0x80, s18, s11, $0xb8;
	[tilespmem:$0x4480] =	vst v63  }
0x43: {  	_ =	swait.ge [sflag:s12], $0x4000  }
0x44: {  	[sflag:s12] =	ssyncset.done $0x0  }
0x45: {  	s19 =	simm.s32 $0x180;
	s20 =	ssub.s32 $0x2, s20;
	[sflag:s12] =	ssyncadd.s32 $0xFFFFC000  }
0x46: {  	[hbm4b:s3+s11] =	stream.indirect.scatter [tilespmem:s13], [sflag:$0x1], $0x80, s19, s11, $0xb8;
	[tilespmem:$0x4480] =	vst v63  }
0x47: {  	s21 =	sshrl.u32 s20, $0x1;
	_ =	swait.ge [sflag:s12], $0x4000  }
0x48: {  	s20 =	ssub.s32 s20, s21;
	[sflag:s12] =	ssyncset.done $0x0  }
0x49: {  	s20 =	smax.u32 s20, $0x1;
	[sflag:s12] =	ssyncadd.s32 $0xFFFFC000  }
0x4a: {  	[tilespmem:s14], [sflag:$0x1] =	stream.indirect.gather [hbm4b:s1+s11], $0x1, s18, s11, $0xb8;
	[tilespmem:$0x4480] =	vst v63  }
0x4b: {  	p0 =	sne.s32 s20, $0x1;
	_ =	swait.ge [sflag:s12], $0x80  }
.Ltmp0:
0x4c: {  	[sflag:s12] =	ssyncset.done $0x0;
	(pc) =	sbr.rel @!p0 .LBB2_2-.Ltmp0, $4  }
0x4d: {  	[sflag:s12] =	ssyncadd.s32 $0xFFFFFF80  }
0x4e: {  	[hbm4b:s4+s11] =	stream.indirect.scatter [tilespmem:s14], [sflag:$0x1], $0x1, s19, s11, $0xb8;
	[tilespmem:$0x4480] =	vst v63  }
0x4f: {  	_ =	swait.ge [sflag:s12], $0x80  }
0x50: {  	s20 =	sadd.s32 $0xFFFFFFFF, s20;
	[sflag:s12] =	ssyncset.done $0x0  }
.LBB2_1:
0x51: {  	p0 =	sne.s32 s20, $0x1;
	s20 =	sadd.s32 $0xFFFFFFFF, s20;
	[sflag:s12] =	ssyncadd.s32 $0xFFFFFF80  }
0x52: {  	[tilespmem:s5], [sflag:$0x2] =	stream.linear.gather [hbm4b:s6+s5], $0x200, $0x38;
	[tilespmem:$0x4480] =	vst v63  }
0x53: {  	_ =	swait.ge [sflag:s7], $0x200  }
0x54: {  	[sflag:s7] =	ssyncset.done $0x0  }
0x55: {  	[sflag:s7] =	ssyncadd.s32 $0xFFFFFE00  }
0x56: {  	[tilespmem:s9], [sflag:$0x2] =	stream.linear.gather [hbm4b:s8+s5], $0x200, $0x38;
	[tilespmem:$0x4480] =	vst v63  }
0x57: {  	_ =	swait.ge [sflag:s7], $0x200  }
0x58: {  	[sflag:s7] =	ssyncset.done $0x0  }
0x59: {  	[sflag:s7] =	ssyncadd.s32 $0xFFFFFE00  }
0x5a: {  	[tilespmem:s13], [sflag:$0x1] =	stream.indirect.gather [hbm4b:s10+s11], $0x80, s9, s11, $0xb8;
	[tilespmem:$0x4480] =	vst v63  }
0x5b: {  	_ =	swait.ge [sflag:s12], $0x4000  }
0x5c: {  	[sflag:s12] =	ssyncset.done $0x0  }
0x5d: {  	[sflag:s12] =	ssyncadd.s32 $0xFFFFC000  }
0x5e: {  	[hbm4b:s3+s11] =	stream.indirect.scatter [tilespmem:s13], [sflag:$0x1], $0x80, s5, s11, $0xb8;
	[tilespmem:$0x4480] =	vst v63  }
0x5f: {  	_ =	swait.ge [sflag:s12], $0x4000  }
0x60: {  	[sflag:s12] =	ssyncset.done $0x0  }
0x61: {  	[sflag:s12] =	ssyncadd.s32 $0xFFFFC000  }
0x62: {  	[tilespmem:s14], [sflag:$0x1] =	stream.indirect.gather [hbm4b:s1+s11], $0x1, s9, s11, $0xb8;
	[tilespmem:$0x4480] =	vst v63  }
0x63: {  	_ =	swait.ge [sflag:s12], $0x80  }
0x64: {  	[sflag:s12] =	ssyncset.done $0x0  }
0x65: {  	[sflag:s12] =	ssyncadd.s32 $0xFFFFFF80  }
0x66: {  	[hbm4b:s4+s11] =	stream.indirect.scatter [tilespmem:s14], [sflag:$0x1], $0x1, s5, s11, $0xb8;
	[tilespmem:$0x4480] =	vst v63  }
0x67: {  	_ =	swait.ge [sflag:s12], $0x80  }
0x68: {  	[sflag:s12] =	ssyncset.done $0x0  }
0x69: {  	[sflag:s12] =	ssyncadd.s32 $0xFFFFFF80  }
0x6a: {  	[tilespmem:s13], [sflag:$0x1] =	stream.indirect.gather [hbm4b:s10+s11], $0x80, s15, s11, $0xb8;
	[tilespmem:$0x4480] =	vst v63  }
0x6b: {  	_ =	swait.ge [sflag:s12], $0x4000  }
0x6c: {  	[sflag:s12] =	ssyncset.done $0x0  }
0x6d: {  	[sflag:s12] =	ssyncadd.s32 $0xFFFFC000  }
0x6e: {  	[hbm4b:s3+s11] =	stream.indirect.scatter [tilespmem:s13], [sflag:$0x1], $0x80, s11, s11, $0xb8;
	[tilespmem:$0x4480] =	vst v63  }
0x6f: {  	_ =	swait.ge [sflag:s12], $0x4000  }
0x70: {  	[sflag:s12] =	ssyncset.done $0x0  }
0x71: {  	[sflag:s12] =	ssyncadd.s32 $0xFFFFC000  }
0x72: {  	[tilespmem:s14], [sflag:$0x1] =	stream.indirect.gather [hbm4b:s1+s11], $0x1, s15, s11, $0xb8;
	[tilespmem:$0x4480] =	vst v63  }
0x73: {  	_ =	swait.ge [sflag:s12], $0x80  }
0x74: {  	[sflag:s12] =	ssyncset.done $0x0  }
0x75: {  	[sflag:s12] =	ssyncadd.s32 $0xFFFFFF80  }
0x76: {  	[hbm4b:s4+s11] =	stream.indirect.scatter [tilespmem:s14], [sflag:$0x1], $0x1, s11, s11, $0xb8;
	[tilespmem:$0x4480] =	vst v63  }
0x77: {  	_ =	swait.ge [sflag:s12], $0x80  }
0x78: {  	[sflag:s12] =	ssyncset.done $0x0  }
0x79: {  	[sflag:s12] =	ssyncadd.s32 $0xFFFFFF80  }
0x7a: {  	[tilespmem:s13], [sflag:$0x1] =	stream.indirect.gather [hbm4b:s10+s11], $0x80, s16, s11, $0xb8;
	[tilespmem:$0x4480] =	vst v63  }
0x7b: {  	_ =	swait.ge [sflag:s12], $0x4000  }
0x7c: {  	[sflag:s12] =	ssyncset.done $0x0  }
0x7d: {  	[sflag:s12] =	ssyncadd.s32 $0xFFFFC000  }
0x7e: {  	[hbm4b:s3+s11] =	stream.indirect.scatter [tilespmem:s13], [sflag:$0x1], $0x80, s17, s11, $0xb8;
	[tilespmem:$0x4480] =	vst v63  }
0x7f: {  	_ =	swait.ge [sflag:s12], $0x4000  }
0x80: {  	[sflag:s12] =	ssyncset.done $0x0  }
0x81: {  	[sflag:s12] =	ssyncadd.s32 $0xFFFFC000  }
0x82: {  	[tilespmem:s14], [sflag:$0x1] =	stream.indirect.gather [hbm4b:s1+s11], $0x1, s16, s11, $0xb8;
	[tilespmem:$0x4480] =	vst v63  }
0x83: {  	_ =	swait.ge [sflag:s12], $0x80  }
0x84: {  	[sflag:s12] =	ssyncset.done $0x0  }
0x85: {  	[sflag:s12] =	ssyncadd.s32 $0xFFFFFF80  }
0x86: {  	[hbm4b:s4+s11] =	stream.indirect.scatter [tilespmem:s14], [sflag:$0x1], $0x1, s17, s11, $0xb8;
	[tilespmem:$0x4480] =	vst v63  }
0x87: {  	_ =	swait.ge [sflag:s12], $0x80  }
0x88: {  	[sflag:s12] =	ssyncset.done $0x0  }
0x89: {  	[sflag:s12] =	ssyncadd.s32 $0xFFFFFF80  }
0x8a: {  	[tilespmem:s13], [sflag:$0x1] =	stream.indirect.gather [hbm4b:s10+s11], $0x80, s18, s11, $0xb8;
	[tilespmem:$0x4480] =	vst v63  }
0x8b: {  	_ =	swait.ge [sflag:s12], $0x4000  }
0x8c: {  	[sflag:s12] =	ssyncset.done $0x0  }
0x8d: {  	[sflag:s12] =	ssyncadd.s32 $0xFFFFC000  }
0x8e: {  	[hbm4b:s3+s11] =	stream.indirect.scatter [tilespmem:s13], [sflag:$0x1], $0x80, s19, s11, $0xb8;
	[tilespmem:$0x4480] =	vst v63  }
0x8f: {  	_ =	swait.ge [sflag:s12], $0x4000  }
0x90: {  	[sflag:s12] =	ssyncset.done $0x0  }
0x91: {  	[sflag:s12] =	ssyncadd.s32 $0xFFFFC000  }
0x92: {  	[tilespmem:s14], [sflag:$0x1] =	stream.indirect.gather [hbm4b:s1+s11], $0x1, s18, s11, $0xb8;
	[tilespmem:$0x4480] =	vst v63  }
0x93: {  	_ =	swait.ge [sflag:s12], $0x80  }
.Ltmp1:
0x94: {  	[sflag:s12] =	ssyncset.done $0x0;
	(pc) =	sbr.rel @p0 .LBB2_1-.Ltmp1, $4  }
0x95: {  	[sflag:s12] =	ssyncadd.s32 $0xFFFFFF80  }
0x96: {  	[hbm4b:s4+s11] =	stream.indirect.scatter [tilespmem:s14], [sflag:$0x1], $0x1, s19, s11, $0xb8;
	[tilespmem:$0x4480] =	vst v63  }
0x97: {  	_ =	swait.ge [sflag:s12], $0x80  }
0x98: {  	[sflag:s12] =	ssyncset.done $0x0  }
.LBB2_2:
0x99: {  	[sflag:s12] =	ssyncadd.s32 $0xFFFFFF80  }
0x9a: {  	_ =	sfence.sel $0x180000  }
0x9b: {  	[bflag:$0x0] =	sbarrier.arrive $0xFFFF  }
0x9c: {  	p0 =	sne.s32 s2, $0x0;
	_ =	strace $0x90000050  }
0x9d: {  	s0 =	sadd.s32 @!p0 $0x100000, s0;
	[bflag:$0x2] =	sbarrier.arrive $0xFFFF  }
0x9e: {  	[sflag:s0] =	ssyncadd.tile.s32 @!p0 $0x1;
	_ =	shalt  }
.Lfunc_end2:
_tile_overlayer_lowered:
.L_overlay_start_2:
0x9f: {  	(tag) =	ssettag $0x2  }
0xa0: {  	s0 =	rddreg [dreg:$0x0];
	s2 =	stileid.u32  }
0xa1: {  	s1 =	rddreg [dreg:$0x1];
	p0 =	sne.s32 s2, $0x0  }
0xa2: {  	s3 =	rddreg [dreg:$0x2];
	[bflag:$0x3] =	sbarrier.arrive $0xFFFF;
	s2 =	simm.s32 @!p0 $0x1C02  }
0xa3: {  	[timem:s3], [sflag:s2] =	dma.local @!p0 [hbm:s0], s1  }
0xa4: {  	s0 =	simm.s32 @!p0 $0x2  }
0xa5: {  	_ =	swait.ge @!p0 [sflag:s0], s1  }
0xa6: {  	s1 =	ssub.s32 @!p0 $0x0, s1;
	[sflag:s0] =	ssyncset.done @!p0 $0x0  }
0xa7: {  	[sflag:s0] =	ssyncadd.s32 @!p0 s1  }
0xa8: {  	[bflag:$0x3] =	sbarrier.arrive $0xFFFF  }
0xa9: {  	_ =	shalt  }

// kernel: scatter_offload_async_start
scs
__scs_entry_jumppad:
0x0: {  	(pc) =	sbr.rel $0x88, $3  }
0x1: {  	(tag) =	ssettag $0x0;
	lr =	simm.s32 $0x1  }
0x2: {  	[smem:$0x3F95] =	sst lr;
	_ =	strace $0xD0000000  }
0x3: {  	_ = 	snop  }
0x4: {  	_ = 	snop  }
0x5: {  	_ = 	snop  }
0x6: {  	_ = 	snop  }
0x7: {  	_ = 	snop  }
__scs_overlays_trampoline_lowered:
0x8: {  	[smem:$0x3FA4] =	sst s0  }
0x9: {  	[smem:$0x3FA5] =	sst s1  }
0xa: {  	[smem:$0x3FA6] =	sst s2  }
0xb: {  	[smem:$0x3FA7] =	sst s3  }
0xc: {  	[smem:$0x3FA8] =	sst s4  }
0xd: {  	[smem:$0x3FA9] =	sst s5  }
0xe: {  	[smem:$0x3FAA] =	sst s6  }
0xf: {  	[smem:$0x3FAB] =	sst s7  }
0x10: {  	[smem:$0x3FAC] =	sst s8  }
0x11: {  	[smem:$0x3FAD] =	sst s9;
	s0 =	simm.s32 @!p0 $0x0  }
0x12: {  	s1 =	sld [smem:$0x3F93];
	s0 =	simm.s32 @p0 $0x1  }
0x13: {  	[smem:$0x3FAE] =	sst s0;
	s0 =	simm.s32 @!p1 $0x0  }
0x14: {  	s2 =	sld [smem:$0x3F92];
	s0 =	simm.s32 @p1 $0x1  }
0x15: {  	[smem:$0x3FAF] =	sst s0;
	s0 =	simm.s32 @!p2 $0x0  }
0x16: {  	s3 =	sld [smem:$0x3FDB];
	s0 =	simm.s32 @p2 $0x1  }
0x17: {  	s4 =	simm.s32 $0x1BF5;
	[smem:$0x3FB1] =	sst s0  }
0x18: {  	s0 =	sld [smem:$0x3F94];
	_ =	swait.ge [sflag:s4], $0x0  }
0x19: {  	s7 =	sld [smem:$0x3F95]  }
0x1a: {  	s8 =	sadd.s32 $0xFFFFE003, lr  }
0x1b: {  	s9 =	sadd.s32 $0xFFFFFEF7, lr;
	s5 =	simm.s32 $0xFFFFFFFF;
	p2 =	slt.u32 s8, $0xFFFFF086  }
0x1c: {  	p1 =	slt.u32 s9, $0xF7A;
	s5 =	simm.s32 @!p2 $0x0  }
0x1d: {  	s5 =	simm.s32 @p1 $0x1;
	p0 =	seq.s32 s7, s2  }
0x1e: {  	s7 =	smul.u32 @!p0 $0xF7A, s2;
	p2 =	seq.s32 @!p0 s5, $0x0  }
0x1f: {  	s9 =	smul.u32 $0xF7A, s1;
	s8 =	simm.s32 @!p0 $0x1BF5;
	p2 =	por !p2, p0  }
0x20: {  	[sflag:s8] =	ssyncset.s32 @!p0 $0xFFFFF086;
	s6 =	sadd.s32 @!p0 s3, s7;
	s7 =	simm.s32 @!p0 $0x108  }
0x21: {  	s3 =	sadd.s32 s3, s9;
	s6 =	sadd.s32 @!p0 $0x88, s6;
	s7 =	simm.s32 @p2 $0x1082  }
0x22: {  	[simem:s7], [sflag:s8] =	dma.local @!p0 [hbm:s6], $0xF7A  }
0x23: {  	s9 =	sor.u32 $0xD0000000, s2;
	s6 =	simm.s32 $0x108;
	_ =	swait.ge @!p0 [sflag:s8], $0x0  }
0x24: {  	s3 =	sadd.s32 $0x88, s3;
	s6 =	simm.s32 @!p1 $0x1082;
	[sflag:s4] =	ssyncset.s32 $0xFFFFF086  }
0x25: {  	[simem:s6], [sflag:s4] =	dma.local [hbm:s3], $0xF7A  }
0x26: {  	[smem:$0x3F95] =	sst s1;
	(tag) =	ssettag s2;
	_ =	strace s9  }
0x27: {  	s1 =	sld [smem:$0x3FA5]  }
0x28: {  	s2 =	sld [smem:$0x3FA6]  }
0x29: {  	s4 =	sld [smem:$0x3FA8]  }
0x2a: {  	p0 =	seq.s32 s5, $0x0;
	s5 =	sld [smem:$0x3FA9]  }
0x2b: {  	s6 =	sld [smem:$0x3FAA]  }
0x2c: {  	s7 =	sld [smem:$0x3FAB]  }
0x2d: {  	s3 =	simm.s32 $0x108;
	s8 =	sld [smem:$0x3FAC]  }
0x2e: {  	s3 =	simm.s32 @!p0 $0x1082;
	s9 =	sld [smem:$0x3FAD]  }
0x2f: {  	lr =	sadd.s32 s0, s3;
	s0 =	sld [smem:$0x3FA4]  }
0x30: {  	s3 =	sld [smem:$0x3FA7]  }
0x31: {  	[smem:$0x3FB0] =	sst s10  }
0x32: {  	s10 =	sld [smem:$0x3FAE];
	_ =	sdelay $0x3  }
0x33: {  	p0 =	seq.s32 s10, $0x1;
	s10 =	sld [smem:$0x3FB0];
	_ =	sdelay $0x3  }
0x34: {  	[smem:$0x3FB0] =	sst s10  }
0x35: {  	s10 =	sld [smem:$0x3FAF];
	_ =	sdelay $0x3  }
0x36: {  	p1 =	seq.s32 s10, $0x1;
	s10 =	sld [smem:$0x3FB0];
	_ =	sdelay $0x3  }
0x37: {  	[smem:$0x3FB0] =	sst s10  }
0x38: {  	s10 =	sld [smem:$0x3FB1]  }
0x39: {  	_ = 	snop;
	(pc) =	sbr.ind lr, $3  }
0x3a: {  	_ = 	snop  }
0x3b: {  	_ = 	snop  }
0x3c: {  	p2 =	seq.s32 s10, $0x1;
	s10 =	sld [smem:$0x3FB0]  }
0x3d: {  	_ =	shalt  }
0x3e: {  	_ =	shalt  }
0x3f: {  	_ =	shalt  }
0x40: {  	_ =	shalt  }
0x41: {  	_ =	shalt  }
0x42: {  	_ =	shalt  }
0x43: {  	_ =	shalt  }
0x44: {  	_ =	shalt  }
0x45: {  	_ =	shalt  }
0x46: {  	_ =	shalt  }
0x47: {  	_ =	shalt  }
0x48: {  	_ =	shalt  }
0x49: {  	_ =	shalt  }
0x4a: {  	_ =	shalt  }
0x4b: {  	_ =	shalt  }
0x4c: {  	_ =	shalt  }
0x4d: {  	_ =	shalt  }
0x4e: {  	_ =	shalt  }
0x4f: {  	_ =	shalt  }
0x50: {  	_ =	shalt  }
0x51: {  	_ =	shalt  }
0x52: {  	_ =	shalt  }
0x53: {  	_ =	shalt  }
0x54: {  	_ =	shalt  }
0x55: {  	_ =	shalt  }
0x56: {  	_ =	shalt  }
0x57: {  	_ =	shalt  }
0x58: {  	_ =	shalt  }
0x59: {  	_ =	shalt  }
0x5a: {  	_ =	shalt  }
0x5b: {  	_ =	shalt  }
0x5c: {  	_ =	shalt  }
0x5d: {  	_ =	shalt  }
0x5e: {  	_ =	shalt  }
0x5f: {  	_ =	shalt  }
0x60: {  	_ =	shalt  }
0x61: {  	_ =	shalt  }
0x62: {  	_ =	shalt  }
0x63: {  	_ =	shalt  }
0x64: {  	_ =	shalt  }
0x65: {  	_ =	shalt  }
0x66: {  	_ =	shalt  }
0x67: {  	_ =	shalt  }
0x68: {  	_ =	shalt  }
0x69: {  	_ =	shalt  }
0x6a: {  	_ =	shalt  }
0x6b: {  	_ =	shalt  }
0x6c: {  	_ =	shalt  }
0x6d: {  	_ =	shalt  }
0x6e: {  	_ =	shalt  }
0x6f: {  	_ =	shalt  }
0x70: {  	_ =	shalt  }
0x71: {  	_ =	shalt  }
0x72: {  	_ =	shalt  }
0x73: {  	_ =	shalt  }
0x74: {  	_ =	shalt  }
0x75: {  	_ =	shalt  }
0x76: {  	_ =	shalt  }
0x77: {  	_ =	shalt  }
0x78: {  	_ =	shalt  }
0x79: {  	_ =	shalt  }
0x7a: {  	_ =	shalt  }
0x7b: {  	_ =	shalt  }
0x7c: {  	_ =	shalt  }
0x7d: {  	_ =	shalt  }
0x7e: {  	_ =	shalt  }
0x7f: {  	_ =	shalt  }
0x80: {  	_ =	shalt  }
0x81: {  	_ =	shalt  }
0x82: {  	_ =	shalt  }
0x83: {  	_ =	shalt  }
0x84: {  	_ =	shalt  }
0x85: {  	_ =	shalt  }
0x86: {  	_ =	shalt  }
0x87: {  	_ =	shalt  }
.Lfunc_end0:
.L_simem_size_0:
called_computation_lowered:
.L_overlay_start_0:
0x88: {  	s0 =	sld [smem:$0x3FD9]  }
0x89: {  	s1 =	sld [smem:$0x3FFE];
	_ =	sdelay $0x3  }
0x8a: {  	s0 =	sadd.s32 s1, s0  }
0x8b: {  	[smem:$0x3FBC] =	sst s0  }
0x8c: {  	_ = 	snop  }
0x8d: {  	(tm) =	ssettm $0x1  }
0x8e: {  	s15 =	sld [smem:$0x3FFB];
	_ =	sdelay $0x3  }
0x8f: {  	_ =	strace s15  }
0x90: {  	s0 =	sld [smem:$0x3FFC];
	_ =	sdelay $0x3  }
0x91: {  	_ =	strace s0  }
0x92: {  	s0 =	sld [smem:$0x3FFD];
	_ =	sdelay $0x3  }
0x93: {  	_ =	strace s0  }
0x94: {  	_ =	strace $0x8FFFFFFF  }
0x95: {  	s16 =	sld [smem:$0x3FDB];
	_ =	sdelay $0x1  }
0x96: {  	s17 =	simm.s32 $_scs_section_size  }
0x97: {  	s2 =	simm.s32 $_size__tile_overlayer_lowered;
	s3 =	simm.s32 $_tile_overlayer_lowered  }
0x98: {  	s20 =	simm.s32 $0x1BFF;
	s19 =	sshll.u32 s3, $0x1;
	s0 =	sadd.s32 s17, s16  }
0x99: {  	s4 =	simm.s32 $0x0;
	s18 =	sshll.u32 s2, $0x1;
	s2 =	sadd.s32 s19, s0  }
0x9a: {  	[timem:s4], [sflag:s20] =	dma.local [hbm:s2], s18  }
0x9b: {  	_ =	swait.ge [sflag:s20], s18  }
0x9c: {  	s1 =	ssub.s32 $0x0, s18;
	[sflag:s20] =	ssyncset.done $0x0  }
0x9d: {  	[sflag:s20] =	ssyncadd.s32 s1;
	_ =	sdelay $0x1  }
0x9e: {  	s21 =	simm.s32 $0x1B8B  }
0x9f: {  	_ =	swait.ge [sflag:s21], $0x1  }
0xa0: {  	[sflag:s21] =	ssyncset.done $0x0  }
0xa1: {  	s23 =	simm.s32 $0x1B8E;
	s22 =	sld [smem:$0x3FFE];
	[sflag:s21] =	ssyncadd.s32 $0xFFFFFFFF  }
0xa2: {  	s24 =	simm.s32 $execute0_lowered;
	[smem:$0x3FD2] =	sst s23  }
0xa3: {  	s2 =	sshll.u32 s24, $0x1;
	_ =	strace $0x80000049;
	[dreg:$0x1] =	wrdreg $0xFFFFFFFF  }
0xa4: {  	s25 =	simm.s32 $_size_execute0_lowered;
	s0 =	sadd.s32 s0, s2;
	[dreg:$0x0] =	wrdreg $0x0  }
0xa5: {  	s2 =	sshll.u32 s25, $0x1;
	[dreg:$0x2] =	wrdreg s0  }
0xa6: {  	[dreg:$0x3] =	wrdreg s2  }
0xa7: {  	[dreg:$0x4] =	wrdreg $0xC0  }
0xa8: {  	_ =	task [dreg:s4], $0x5FFFF  }
0xa9: {  	[dreg:$0x1] =	wrdreg $0xFFFFFFFF  }
0xaa: {  	[dreg:$0x0] =	wrdreg $0x60  }
0xab: {  	[dreg:$0x2] =	wrdreg s22  }
0xac: {  	[dreg:$0x3] =	wrdreg $0x9  }
0xad: {  	_ =	task.clear_ibuf [dreg:s4], $0x4FFFF;
	_ =	strace $0x90000049  }
0xae: {  	s26 =	simm.s32 $0x9;
	_ =	strace $0x8000004B  }
0xaf: {  	_ =	swait.ge [sflag:s26], $0x1  }
0xb0: {  	[sflag:s26] =	ssyncadd.s32 $0xFFFFFFFF  }
0xb1: {  	_ =	strace $0x9000004B  }
0xb2: {  	_ =	sfence  }
0xb3: {  	s28 =	sld [smem:$0x0];
	_ =	sdelay $0x1  }
0xb4: {  	s29 =	srdreg.scid  }
0xb5: {  	s30 =	sshll.u32 s29, $0xD;
	s31 =	sshrl.u32 s29, $0x2  }
0xb6: {  	s1 =	sand.u32 $0x1, s29;
	s2 =	sand.u32 $0x4000, s30;
	s0 =	sadd.s32 s31, s28  }
0xb7: {  	s1 =	sor.u32 s2, s1;
	s0 =	sshll.u32 s0, $0x11  }
0xb8: {  	s0 =	sor.u32 s0, s1  }
0xb9: {  	s0 =	sadd.s32 $0x8F2B, s0  }
0xba: {  	[sflag:s0] =	ssyncadd.remote.s32 $0x1  }
0xbb: {  	_ =	sfence.sel $0xFFFF  }
0xbc: {  	[dreg:$0x0] =	wrdreg $0xFFFFFFFF;
	(pc) =	sbr.abs _section_cstart, $3  }
0xbd: {  	[dreg:$0x1] =	wrdreg $0xFFFFFFFF  }
0xbe: {  	_ =	task.clear_ibuf [dreg:s4], $0x2FFFF;
	_ =	strace $0x9FFFFFFF  }
0xbf: {  	(tm) =	ssettm $0x7FFFFFFF  }
tec
execute0_lowered:
.L_overlay_start_1:
0x0: {  	(tag) =	ssettag $0x1  }
0x1: {  	s0 =	rddreg [dreg:$0x0];
	_ =	strace $0x8000004A;
	s3 =	simm.s32 $0x1  }
0x2: {  	v1 =	vimm.s32 $0xFFFFFFFF;
	[sflag:s3] =	ssyncpa.u1 $0x0  }
0x3: {  	[tilespmem:$0x10] =	vst v1  }
0x4: {  	v0 =	vimm.s32 $0x80000000;
	[tilespmem:$0x20] =	vst v1  }
0x5: {  	[tilespmem:$0x30] =	vst v0  }
0x6: {  	s2 =	simm.s32 $0x2;
	s6 =	simm.s32 $0x7;
	[tilespmem:$0x40] =	vst v0  }
0x7: {  	s26 =	stileid.u32;
	s7 =	simm.s32 $0x8;
	s31 =	simm.s32 $0x9;
	[tilespmem:$0x50] =	vst v0  }
0x8: {  	s14 =	simm.s32 $0x0;
	s15 =	simm.s32 $0x100;
	s19 =	simm.s32 $0x2500;
	[tilespmem:$0x60] =	vst v1  }
0x9: {  	s20 =	simm.s32 $0xF;
	s21 =	simm.s32 $0x50;
	s22 =	simm.s32 $0x10FF;
	[tilespmem:$0x70] =	vst v1  }
0xa: {  	s23 =	simm.s32 $0x20;
	s24 =	simm.s32 $0x30;
	s25 =	simm.s32 $0x20FF;
	[tilespmem:$0x80] =	vst v1  }
0xb: {  	s30 =	simm.s32 $0x0;
	s29 =	simm.s32 $0x0;
	s1 =	sadd.s32 $0xC6200, s0;
	v1 =	vimm.s32 $0x0;
	[tilespmem:$0xB0] =	vst v0  }
.Ltmp0:
0xc: {  	s4 =	sadd.s32 $0xC5200, s0;
	s5 =	sadd.s32 $0xC5A00, s0;
	[tilespmem:$0x90] =	vst v1;
	(pc) =	sbr.rel .LBB2_1-.Ltmp0, $4  }
0xd: {  	s8 =	sshll.u32 s26, $0xA;
	s10 =	sshll.u32 s26, $0x1;
	[tilespmem:$0xA0] =	vst v1;
	[sflag:s2] =	ssyncpa.u1 $0x0  }
0xe: {  	s12 =	sshllo.u32 s26, $0x1;
	s26 =	simm.s32 $0x80;
	[sflag:s6] =	ssyncpa.u1 $0x0  }
0xf: {  	vm0 =	vmmov $0xffff;
	v2 =	vlaneseq.u32;
	s9 =	sadd.s32 $0x400, s8;
	s11 =	sor.u32 $0x81, s10;
	[sflag:s7] =	ssyncpa.u1 $0x0  }
0x10: {  	vm1 =	vmxor vm1, vm1;
	vm2 =	vmmov $0x1;
	vm3 =	vcmask $0x3F3C;
	s13 =	sor.u32 $0x80, s10;
	s28 =	smov.u32 s8;
	[sflag:s31] =	ssyncpa.u1 $0x0  }
.LBB2_3:
0x11: {  	s0 =	sshrl.u32 s28, $0x3  }
0x12: {  	s2 =	sand.u32 $0x7, s28;
	s0 =	sadd.s32 s4, s0  }
0x13: {  	[tilespmem:s15], [sflag:$0x7] =	stream.linear.gather [hbm4b:s0+s2], $0x400, $0x38;
	[tilespmem:$0x2520] =	vst v63  }
.LBB2_4:
0x14: {  	s0 =	sadd.s32 $0x400, s28  }
0x15: {  	s2 =	smov.u32 s8;
	s29 =	sadd.s32 $0x1, s29;
	p0 =	slt.s32 s0, s9  }
0x16: {  	s2 =	smov.u32 @p0 s0;
	p0 =	sne.s32 s29, $0x4  }
.Ltmp1:
0x17: {  	_ = 	snop;
	(pc) =	sbr.rel @!p0 .LBB2_13-.Ltmp1, $2  }
0x18: {  	_ =	sdelay $0x2  }
0x19: {  	s30 =	smov.u32 s28;
	s28 =	smov.u32 s2  }
.LBB2_1:
0x1a: {  	p0 =	sgt.s32 s29, $0x1  }
.Ltmp2:
0x1b: {  	_ = 	snop;
	(pc) =	sbr.rel @p0 .LBB2_11-.Ltmp2, $1  }
0x1c: {  	_ =	sdelay $0x3  }
0x1d: {  	p0 =	seq.s32 s29, $0x0  }
.Ltmp3:
0x1e: {  	_ = 	snop;
	(pc) =	sbr.rel @p0 .LBB2_3-.Ltmp3, $1  }
0x1f: {  	_ =	sdelay $0x3  }
0x20: {  	_ =	swait.ge [sflag:s6], $0x400  }
0x21: {  	[sflag:s6] =	ssyncset.done $0x0  }
0x22: {  	[sflag:s6] =	ssyncadd.s32 $0xFFFFFC00;
	(ifvalue) =	ssetifvalue $0xFFFFFFFF;
	v3 =	vld.msk [tilespmem:s15+$0x0 ss:$0x1], $0xffff;
	_ =	sdelay $0x4  }
0x23: {  	v4 =	vperm.xlane v3, v1  }
0x24: {  	vm4 =	vlt.u32 v3, $0x18800  }
0x25: {  	v3 =	vnsel vm4, $0xFFFFFFFE, v3;
	vm4 =	vlt.u32 v4, $0x18800  }
0x26: {  	[tilespmem:$0x70] =	vst v3;
	v3 =	vnsel vm4, $0xFFFFFFFE, v4  }
0x27: {  	s17 =	simm.s32 $0x4F0;
	[tilespmem:$0x80] =	vst v3  }
0x28: {  	v3 =	vld.msk [tilespmem:s17+$0x0 ss:$0x1], $0xffff;
	_ =	sdelay $0x4  }
0x29: {  	(xrf1) =	vunique.msk.u32 $0xffff, v3;
	_ =	sdelay $0xd  }
0x2a: {  	v4 =	vimm.s32 $0xFFFFFFFF;
	v5, _, _ =	vpop (xrf1)  }
0x2b: {  	vm5 =	vne.s32 v3, v4;
	vm4 =	veq.s32 v5, v2  }
0x2c: {  	vm6 =	vlt.u32 v3, $0x18800;
	vm4 =	vmand vm5, vm4  }
0x2d: {  	vm4 =	vmand vm6, vm4  }
0x2e: {  	v4 =	vnsel vm4, $0xFFFFFFFF, v3;
	_ =	sdelay $0x3  }
0x2f: {  	s0 =	simm.s32 $0x10F0;
	(ifvalue) =	ssetifvalue $0xFFFFFFFF  }
0x30: {  	v3 =	vperm.xlane v3, v1;
	[tilespmem:s0], [sflag:$0x8] =	stream.indirect_vreg.gather [hbm4b:s1+s14], $0x1, v4, vm0, $0x4038;
	v4 =	vnsel vm6, $0xFFFFFFFE, v4;
	[tilespmem:$0x2520] =	vst v63  }
0x31: {  	s2 =	simm.s32 $0x0;
	s16 =	simm.s32 $0x4E0;
	[tilespmem:s17+$0x0] =	vst v4  }
.LBB2_6:
0x32: {  	v4 =	vld.msk [tilespmem:s16+$0x0 ss:$0x1], $0xffff;
	s2 =	sadd.s32 $0x10, s2;
	v5 =	vmov v3;
	s17 =	smov.u32 s16  }
0x33: {  	p0 =	slt.u32 s2, $0x3F0;
	_ =	sdelay $0x4  }
0x34: {  	v3 =	vperm.xlane v4, v1;
	(xrf1) =	vunique.msk.u32 $0xffff, v4;
	_ =	sdelay $0xd  }
0x35: {  	v6, _, _ =	vpop (xrf1)  }
0x36: {  	vm5 =	vne.s32 v4, v5;
	vm4 =	veq.s32 v6, v2  }
0x37: {  	vm6 =	vlt.u32 v4, $0x18800;
	vm4 =	vmand vm5, vm4  }
0x38: {  	vm4 =	vmand vm6, vm4  }
0x39: {  	v4 =	vnsel vm4, $0xFFFFFFFF, v4  }
.Ltmp4:
0x3a: {  	v5 =	vnsel vm6, $0xFFFFFFFE, v4;
	(pc) =	sbr.rel @p0 .LBB2_6-.Ltmp4, $3  }
0x3b: {  	_ =	sdelay $0x1  }
0x3c: {  	s16 =	sadd.s32 $0xFFFFFFF0, s16;
	s0 =	sadd.s32 $0xFFFFFFF0, s0;
	(ifvalue) =	ssetifvalue $0xFFFFFFFF  }
0x3d: {  	[tilespmem:s0], [sflag:$0x8] =	stream.indirect_vreg.gather [hbm4b:s1+s14], $0x1, v4, vm0, $0x4038;
	[tilespmem:s17+$0x0] =	vst v5  }
.Ltmp5:
0x3e: {  	(pc) =	sbr.rel .LBB2_4-.Ltmp5, $4  }
0x3f: {  	_ = 	snop  }
0x40: {  	s0 =	sshrl.u32 s30, $0x3  }
0x41: {  	s2 =	simm.s32 $0x1500;
	s0 =	sadd.s32 s5, s0  }
0x42: {  	[tilespmem:s2], [sflag:$0x8] =	stream.linear.gather [hbm:s0], $0x400, $0x38;
	[tilespmem:$0x2520] =	vst v63  }
.LBB2_11:
0x43: {  	p0 =	seq.s32 s29, $0x2  }
.Ltmp6:
0x44: {  	_ = 	snop;
	(pc) =	sbr.rel @!p0 .LBB2_12-.Ltmp6, $1  }
0x45: {  	_ =	sdelay $0x3  }
0x46: {  	_ =	swait.ge [sflag:s7], $0x800  }
0x47: {  	[sflag:s7] =	ssyncset.done $0x0  }
0x48: {  	s0 =	simm.s32 $0x4FF;
	[sflag:s7] =	ssyncadd.s32 $0xFFFFF800  }
0x49: {  	[spmem:s11] =	stream.linear.scatter [tilespmem:s0], [sflag:$0x1], $0x1, $0x38;
	[tilespmem:$0x2520] =	vst v63  }
0x4a: {  	_ =	swait.ge [sflag:s3], $0x1  }
0x4b: {  	[sflag:s3] =	ssyncset.done $0x0  }
0x4c: {  	[sflag:s3] =	ssyncadd.s32 $0xFFFFFFFF  }
0x4d: {  	v4 =	vld [tilespmem:$0x10]  }
0x4e: {  	v5 =	vld [tilespmem:$0x70]  }
0x4f: {  	v3 =	vld [tilespmem:$0x80];
	_ =	sdelay $0x2  }
0x50: {  	(v2sf) =	vpush v4, $0x0  }
0x51: {  	(v2sf) =	vpush v5, $0x0  }
0x52: {  	(v2sf) =	vpush v3, $0x0;
	_ =	sdelay $0xc  }
0x53: {  	s18 =	spop (v2sf)  }
0x54: {  	s2 =	spop (v2sf)  }
0x55: {  	s30 =	spop (v2sf)  }
0x56: {  	p0 =	seq.s32 s18, s2;
	p1 =	seq.s32 s30, s18  }
0x57: {  	p1 =	por p0, p1  }
0x58: {  	s2 =	simm.s32 $0x10;
	v4 =	vpsel p1, $0xFFFFFFFF, v4  }
0x59: {  	[tilespmem:s2+$0x0] =	vst.msk $0x1, v4  }
0x5a: {  	v4 =	vld [tilespmem:$0x30]  }
0x5b: {  	v5 =	vld [tilespmem:$0x1500]  }
0x5c: {  	v6 =	vld [tilespmem:$0x40];
	_ =	sdelay $0x3  }
0x5d: {  	vm4 =	vmmov vm1;
	vm6 =	vmmov vm2;
	vm5 =	vgt.s32 v4, v5  }
0x5e: {  	s16 =	simm.s32 $0x1500;
	vm4 =	vmmov @p0 vm2;
	v5 =	vsel vm5, v4, v5;
	vm5 =	vgt.s32 v4, v6  }
0x5f: {  	vm6 =	vmmov @p1 vm1;
	v4 =	vsel vm5, v4, v6;
	[tilespmem:s16+$0x0] =	vst.msk vm4, v5  }
0x60: {  	[tilespmem:s19+$0x0] =	vst.msk vm6, v4  }
0x61: {  	v4 =	vld [tilespmem:$0x10F0];
	_ =	sdelay $0x4  }
0x62: {  	v4 =	vshift.insert v4, v1, s20;
	_ =	sdelay $0x1  }
0x63: {  	v5 =	vimm.s32 $0x80000000;
	[tilespmem:s21+$0x0] =	vst.msk $0x1, v4  }
0x64: {  	[tilespmem:s22+$0x0] =	vst.msk $0x1, v5  }
0x65: {  	v4 =	vld [tilespmem:$0x4F0];
	_ =	sdelay $0x4  }
0x66: {  	v4 =	vshift.insert v4, v1, s20;
	_ =	sdelay $0x1  }
0x67: {  	[tilespmem:s23+$0x0] =	vst.msk $0x1, v4  }
0x68: {  	v6 =	vld [tilespmem:s16+$0x0]  }
0x69: {  	s17 =	simm.s32 $0x100  }
0x6a: {  	v7 =	vld [tilespmem:s17+$0x0];
	_ =	sdelay $0x2  }
0x6b: {  	vm4 =	vgt.s32 v6, v5  }
0x6c: {  	v5 =	vsel vm4, v6, v5  }
0x6d: {  	vm4 =	vne.s32 v7, $0xFFFFFFFF;
	v5 =	vxor.u32 $0x80000000, v5  }
0x6e: {  	(xrf0) =	vmax.seg.scan.u32 vm4, v5  }
0x6f: {  	s18 =	simm.s32 $0xD00  }
0x70: {  	v8 =	vld [tilespmem:s18+$0x0]  }
0x71: {  	v6 =	vld [tilespmem:$0xA0];
	_ =	sdelay $0x2  }
0x72: {  	v5 =	vperm.xlane v4, v1;
	v9, _, _ =	vpop (xrf0)  }
0x73: {  	vm6 =	veq.s32 v7, v3;
	v9 =	vxor.u32 $0x80000000, v9  }
0x74: {  	vm8 =	veq.s32 v7, v5;
	vm5 =	veq.s32 v6, $0x1;
	vm7 =	vgt.s32 v9, v8  }
0x75: {  	vm8 =	vmor vm8, vm6;
	v6 =	vsel vm7, v9, v8;
	vm7 =	vgt.u32 v7, $0xFFFFFFFD  }
0x76: {  	v10 =	vld [tilespmem:$0x90];
	vm9 =	vmand vm4, vm3;
	vm4 =	vmor vm5, vm6;
	vm5 =	vmor vm8, vm7  }
0x77: {  	v8 =	vsel vm5, $0xFFFFFFFF, v7;
	_ =	sdelay $0x1  }
0x78: {  	s31 =	simm.s32 $0x1D00  }
0x79: {  	s0 =	simm.s32 $0x0;
	s2 =	simm.s32 $0x1510;
	s16 =	simm.s32 $0x110;
	v11 =	vsel vm9, $0x80000000, v9;
	v6 =	vsel vm6, v9, v6  }
0x7a: {  	s17 =	simm.s32 $0x1D10;
	s18 =	simm.s32 $0xD10;
	[tilespmem:s31+$0x0] =	vst v6;
	v6 =	vsel vm6, v9, v10;
	v7 =	vshift.insert v11, v0, s20;
	(ifvalue) =	ssetifvalue $0xFFFFFFFF  }
.LBB2_9:
0x7b: {  	[hbm4b:s1+s14] =	stream.indirect_vreg.scatter [tilespmem:s31], [sflag:$0x2], $0x1, v8, vm0, $0x4038;
	[tilespmem:$0x2520] =	vst v63  }
0x7c: {  	s0 =	sadd.s32 $0x10, s0;
	s31 =	smov.u32 s17;
	v8 =	vld [tilespmem:s2+$0x0]  }
0x7d: {  	p0 =	slt.u32 s0, $0x3F0  }
0x7e: {  	v9 =	vld [tilespmem:s16+$0x0];
	_ =	sdelay $0x2  }
0x7f: {  	vm5 =	vgt.s32 v8, v7  }
0x80: {  	v7 =	vsel vm5, v8, v7  }
0x81: {  	vm5 =	vne.s32 v9, $0xFFFFFFFF;
	v7 =	vxor.u32 $0x80000000, v7  }
0x82: {  	(xrf0) =	vmax.seg.scan.u32 vm5, v7;
	_ =	sdelay $0x2  }
0x83: {  	v7 =	vld [tilespmem:s18+$0x0];
	_ =	sdelay $0x1  }
0x84: {  	vm6 =	veq.s32 v9, v3;
	vm7 =	veq.s32 v9, v5  }
0x85: {  	vm8 =	vgt.u32 v9, $0xFFFFFFFD;
	vm4 =	vmor vm4, vm6;
	vm7 =	vmor vm7, vm6;
	v8, _, _ =	vpop (xrf0)  }
0x86: {  	vm5 =	vmand vm5, vm3;
	vm7 =	vmor vm7, vm8;
	v10 =	vxor.u32 $0x80000000, v8  }
.Ltmp7:
0x87: {  	v8 =	vsel vm7, $0xFFFFFFFF, v9;
	vm7 =	vgt.s32 v10, v7;
	v9 =	vsel vm5, $0x80000000, v10;
	(pc) =	sbr.rel @p0 .LBB2_9-.Ltmp7, $4  }
0x88: {  	v6 =	vsel vm6, v10, v6;
	v11 =	vsel vm7, v10, v7;
	v7 =	vshift.insert v9, v0, s20  }
0x89: {  	v9 =	vsel vm6, v10, v11  }
0x8a: {  	s2 =	sadd.s32 $0x10, s2;
	s16 =	sadd.s32 $0x10, s16;
	[tilespmem:s17+$0x0] =	vst v9  }
0x8b: {  	s18 =	sadd.s32 $0x10, s18;
	s17 =	sadd.s32 $0x10, s17;
	(ifvalue) =	ssetifvalue $0xFFFFFFFF  }
0x8c: {  	_ =	sdelay $0x3  }
0x8d: {  	[hbm4b:s1+s14] =	stream.indirect_vreg.scatter [tilespmem:s31], [sflag:$0x2], $0x1, v8, vm0, $0x4038;
	[tilespmem:$0x2520] =	vst v63  }
0x8e: {  	v3 =	vld [tilespmem:$0x20F0];
	_ =	sdelay $0x4  }
0x8f: {  	v3 =	vshift.insert v3, v1, s20;
	_ =	sdelay $0x1  }
0x90: {  	[tilespmem:s24+$0x0] =	vst.msk $0x1, v3  }
0x91: {  	v3 =	vsel vm4, $0x1, v1;
	[tilespmem:$0x90] =	vst v6  }
0x92: {  	[tilespmem:$0xA0] =	vst v3  }
0x93: {  	[spmem:s12] =	stream.linear.scatter [tilespmem:s25], [sflag:$0x1], $0x1, $0x38;
	[tilespmem:$0x2520] =	vst v63  }
0x94: {  	v3 =	vmctz.xlane vm4;
	_ =	swait.ge [sflag:s3], $0x1  }
0x95: {  	(v2sf) =	vpush v4, $0x0  }
0x96: {  	(v2sf) =	vpush v3, $0x0;
	_ =	sdelay $0xd  }
0x97: {  	s0 =	spop (v2sf)  }
0x98: {  	s2 =	spop (v2sf)  }
0x99: {  	[sflag:s3] =	ssyncset.done $0x0;
	p0 =	sne.s32 s30, s0;
	p1 =	slt.s32 s2, $0xF  }
0x9a: {  	[sflag:s3] =	ssyncadd.s32 $0xFFFFFFFF;
	v3 =	vimm.s32 @!p0 $0xFFFFFFFF;
	s2 =	simm.s32 @!p1 $0xF  }
0x9b: {  	[tilespmem:$0x80] =	vst @!p0 v3;
	s31 =	sadd.s32 $0x90, s2  }
0x9c: {  	[spmem:s10] =	stream.linear.scatter [tilespmem:s31], [sflag:$0x1], $0x1, $0x38;
	[tilespmem:$0x2520] =	vst v63  }
0x9d: {  	_ =	swait.ge [sflag:s3], $0x1  }
0x9e: {  	[sflag:s3] =	ssyncset.done $0x0  }
0x9f: {  	[sflag:s3] =	ssyncadd.s32 $0xFFFFFFFF  }
0xa0: {  	[spmem:s13] =	stream.linear.scatter [tilespmem:s26], [sflag:$0x1], $0x1, $0x38;
	[tilespmem:$0x2520] =	vst v63  }
0xa1: {  	_ =	swait.ge [sflag:s3], $0x1  }
0xa2: {  	[sflag:s3] =	ssyncset.done $0x0  }
0xa3: {  	[sflag:s3] =	ssyncadd.s32 $0xFFFFFFFF;
	(ifvalue) =	ssetifvalue $0xFFFFFFFF;
	v3 =	vld [tilespmem:$0x10];
	_ =	sdelay $0x3  }
.Ltmp8:
0xa4: {  	_ = 	snop;
	(pc) =	sbr.rel .LBB2_4-.Ltmp8, $3  }
0xa5: {  	_ =	sdelay $0x1  }
0xa6: {  	(ifvalue) =	ssetifvalue $0xFFFFFFFF  }
0xa7: {  	[hbm4b:s1+s14] =	stream.indirect_vreg.scatter [tilespmem:s19], [sflag:$0x9], $0x1, v3, vm0, $0x4038;
	[tilespmem:$0x2520] =	vst v63  }
.LBB2_12:
0xa8: {  	s0 =	simm.s32 $0x2  }
0xa9: {  	_ =	swait.ge [sflag:s0], $0x400  }
0xaa: {  	[sflag:s0] =	ssyncset.done $0x0  }
0xab: {  	s31 =	simm.s32 $0x9;
	[sflag:s0] =	ssyncadd.s32 $0xFFFFFC00  }
0xac: {  	_ =	swait.ge [sflag:s31], $0x10  }
0xad: {  	[sflag:s31] =	ssyncset.done $0x0  }
0xae: {  	[sflag:s31] =	ssyncadd.s32 $0xFFFFFFF0  }
.LBB2_13:
0xaf: {  	_ =	sfence.sel $0x180000  }
0xb0: {  	s0 =	simm.s32 $0x7;
	[bflag:$0x0] =	sbarrier.arrive $0xFFFF  }
0xb1: {  	s26 =	simm.s32 $0x8;
	[sflag:s0] =	ssyncpa.u1 $0x1  }
0xb2: {  	s28 =	simm.s32 $0x9;
	[sflag:s26] =	ssyncpa.u1 $0x1  }
0xb3: {  	[sflag:s28] =	ssyncpa.u1 $0x1  }
0xb4: {  	_ =	sfence.stream.spmem  }
0xb5: {  	s29 =	simm.s32 $0x3;
	[bflag:$0x0] =	sbarrier.arrive $0xFFFF  }
0xb6: {  	s30 =	simm.s32 $0x4;
	[sflag:s29] =	ssyncpa.u1 $0x1  }
0xb7: {  	s31 =	simm.s32 $0x3C;
	s2 =	stileid.u32;
	[sflag:s30] =	ssyncpa.u1 $0x1  }
0xb8: {  	p0 =	sne.s32 s2, $0x0;
	[sflag:s31] =	ssyncpa.u1 $0x1  }
0xb9: {  	s0 =	simm.s32 @p0 $0x1;
	_ =	sfence @p0  }
0xba: {  	[sflag:s0] =	ssyncpa.u1 @p0 $0x1;
	s0 =	simm.s32 @p0 $0x2  }
0xbb: {  	[sflag:s0] =	ssyncpa.u1 @p0 $0x1  }
0xbc: {  	_ =	strace @p0 $0x9000004A  }
0xbd: {  	[bflag:$0x2] =	sbarrier.arrive @p0 $0xFFFF  }
0xbe: {  	_ =	shalt @p0  }
.LBB2_14:
0xbf: {  	_ =	sfence.stream.spmem;
	s0 =	simm.s32 $0x5  }
0xc0: {  	s2 =	simm.s32 $0x80;
	s3 =	simm.s32 $0xC0;
	[sflag:s0] =	ssyncpa.u1 $0x0  }
0xc1: {  	[tilespmem:s3], [sflag:$0x5] =	stream.linear.gather [spmem:s2], $0x20, $0x38;
	[tilespmem:$0x2520] =	vst v63  }
0xc2: {  	s30 =	simm.s32 $0xE0;
	s2 =	simm.s32 $0x0  }
0xc3: {  	[tilespmem:s30], [sflag:$0x5] =	stream.linear.gather [spmem:s2], $0x20, $0x38;
	[tilespmem:$0x2520] =	vst v63  }
.Ltmp9:
0xc4: {  	_ = 	snop;
	(pc) =	sbr.rel .LBB2_15-.Ltmp9, $4  }
0xc5: {  	_ =	swait.ge [sflag:s0], $0x40  }
0xc6: {  	[sflag:s0] =	ssyncset.done $0x0  }
0xc7: {  	s31 =	simm.s32 $0x6;
	[sflag:s0] =	ssyncadd.s32 $0xFFFFFFC0  }
0xc8: {  	s3 =	simm.s32 $0x0;
	[sflag:s31] =	ssyncpa.u1 $0x0  }
.LBB2_20:
0xc9: {  	p0 =	sgt.u32 s4, $0x187FF  }
0xca: {  	s0 =	sshrl.u32 @!p0 s4, $0x3  }
0xcb: {  	s4 =	sand.u32 @!p0 $0x7, s4;
	s5 =	simm.s32 @!p0 $0xB0;
	s0 =	sadd.s32 @!p0 s1, s0  }
0xcc: {  	[tilespmem:s5], [sflag:$0x6] =	stream.linear.gather @!p0 [hbm4b:s0+s4], $0x1, $0x38;
	[tilespmem:$0x2520] =	vst v63  }
0xcd: {  	s0 =	simm.s32 @!p0 $0x6  }
0xce: {  	_ =	swait.ge @!p0 [sflag:s0], $0x1  }
0xcf: {  	[sflag:s0] =	ssyncset.done @!p0 $0x0  }
0xd0: {  	[sflag:s0] =	ssyncadd.s32 @!p0 $0xFFFFFFFF  }
0xd1: {  	v1 =	vld.msk @!p0 [tilespmem:$0xB0], $0x1  }
0xd2: {  	v2 =	vld.msk @!p0 [tilespmem:s3+$0xE0], $0x1;
	_ =	sdelay $0x4  }
0xd3: {  	vm0 =	vgt.s32 @!p0 v2, v1  }
0xd4: {  	v1 =	vsel @!p0 vm0, v2, v1  }
0xd5: {  	[tilespmem:s3+$0xE0] =	vst.msk @!p0 $0x1, v1  }
0xd6: {  	[tilespmem:s2+$0xC0] =	vst.msk $0x1, v0  }
0xd7: {  	v0 =	vld.msk [tilespmem:s3+$0xE0], $0x1;
	_ =	sdelay $0x4  }
0xd8: {  	[tilespmem:s2+$0xE0] =	vst.msk $0x1, v0;
	s2 =	sadd.s32 $0x1, s2  }
.LBB2_22:
0xd9: {  	s3 =	sadd.s32 $0x1, s3  }
0xda: {  	p0 =	sne.s32 s3, $0x20  }
.Ltmp10:
0xdb: {  	_ = 	snop;
	(pc) =	sbr.rel @!p0 .LBB2_23-.Ltmp10, $1  }
0xdc: {  	_ =	sdelay $0x3  }
.LBB2_15:
0xdd: {  	v0 =	vld.msk [tilespmem:s3+$0xC0], $0x1;
	_ =	sdelay $0x4  }
0xde: {  	(v2sf) =	vpush v0, $0x0;
	_ =	sdelay $0xe  }
0xdf: {  	s4 =	spop (v2sf)  }
0xe0: {  	p0 =	seq.s32 s4, $0xFFFFFFFF  }
.Ltmp11:
0xe1: {  	_ = 	snop;
	(pc) =	sbr.rel @p0 .LBB2_22-.Ltmp11, $1  }
0xe2: {  	_ =	sdelay $0x3  }
0xe3: {  	p0 =	slt.s32 s2, $0x1  }
.Ltmp12:
0xe4: {  	_ = 	snop;
	(pc) =	sbr.rel @p0 .LBB2_20-.Ltmp12, $1  }
0xe5: {  	_ =	sdelay $0x3  }
0xe6: {  	s0 =	simm.s32 $0xC0;
	p0 =	por $0x0, $0x0  }
0xe7: {  	v1 =	vld.msk @!p0 [tilespmem:s0+$0x0], $0x1;
	_ =	sdelay $0x4  }
0xe8: {  	(v2sf) =	vpush @!p0 v1, $0x0;
	_ =	sdelay $0xd  }
0xe9: {  	p2 =	sne.s32 s2, $0x1  }
.Ltmp13:
0xea: {  	s5 =	spop @!p0 (v2sf);
	(pc) =	sbr.rel @!p2 .LBB2_19-.Ltmp13, $4  }
0xeb: {  	p1 =	seq.s32 @!p0 s4, s5  }
0xec: {  	s5 =	simm.s32 $0x0;
	p1 =	por !p1, p0  }
0xed: {  	s7 =	simm.s32 $0xFFFFFFFF;
	s5 =	simm.s32 @p1 $0xFFFFFFFF  }
0xee: {  	s6 =	simm.s32 $0x1;
	s5 =	smov.u32 @p0 s7  }
.LBB2_18:
0xef: {  	s7 =	smov.u32 s5;
	p0 =	sne.s32 s5, $0xFFFFFFFF  }
0xf0: {  	s0 =	sadd.s32 $0x1, s0;
	s5 =	smov.u32 s6;
	s6 =	sadd.s32 $0x1, s6  }
0xf1: {  	p1 =	sne.s32 s2, s6;
	v1 =	vld.msk @!p0 [tilespmem:s0+$0x0], $0x1;
	_ =	sdelay $0x4  }
0xf2: {  	(v2sf) =	vpush @!p0 v1, $0x0;
	_ =	sdelay $0xe  }
.Ltmp14:
0xf3: {  	s8 =	spop @!p0 (v2sf);
	(pc) =	sbr.rel @p1 .LBB2_18-.Ltmp14, $4  }
0xf4: {  	p2 =	seq.s32 @!p0 s4, s8  }
0xf5: {  	p2 =	por !p2, p0  }
0xf6: {  	s5 =	simm.s32 @p2 $0xFFFFFFFF  }
0xf7: {  	s5 =	smov.u32 @p0 s7  }
.LBB2_19:
0xf8: {  	p0 =	sne.s32 s5, $0xFFFFFFFF  }
.Ltmp15:
0xf9: {  	_ = 	snop;
	(pc) =	sbr.rel @!p0 .LBB2_20-.Ltmp15, $1  }
0xfa: {  	_ =	sdelay $0x3  }
0xfb: {  	v0 =	vld.msk [tilespmem:s3+$0xE0], $0x1  }
0xfc: {  	v1 =	vld.msk [tilespmem:s5+$0xE0], $0x1;
	_ =	sdelay $0x2  }
.Ltmp16:
0xfd: {  	_ = 	snop;
	(pc) =	sbr.rel .LBB2_22-.Ltmp16, $4  }
0xfe: {  	_ = 	snop  }
0xff: {  	vm0 =	vgt.s32 v1, v0  }
0x100: {  	v0 =	vsel vm0, v1, v0  }
0x101: {  	[tilespmem:s5+$0xE0] =	vst.msk $0x1, v0  }
.LBB2_23:
0x102: {  	p0 =	slt.s32 s2, $0x1  }
.Ltmp17:
0x103: {  	_ = 	snop;
	(pc) =	sbr.rel @p0 .LBB2_27-.Ltmp17, $3  }
0x104: {  	_ =	sdelay $0x1  }
0x105: {  	s0 =	simm.s32 $0x6  }
0x106: {  	[sflag:s0] =	ssyncpa.u1 $0x1;
	s0 =	simm.s32 $0x0  }
0x107: {  	s3 =	simm.s32 $0xC0  }
0x108: {  	v0 =	vld.msk [tilespmem:s3+$0x0], $0x1;
	_ =	sdelay $0x4  }
0x109: {  	(v2sf) =	vpush v0, $0x0;
	_ =	sdelay $0xe  }
0x10a: {  	s2 =	sadd.s32 $0xFFFFFFFF, s2;
	s4 =	spop (v2sf)  }
0x10b: {  	p1 =	sne.s32 s2, $0x0;
	p0 =	sgt.u32 s4, $0x187FF  }
.Ltmp18:
0x10c: {  	s5 =	sshrl.u32 @!p0 s4, $0x3;
	(pc) =	sbr.rel @!p1 .LBB2_26-.Ltmp18, $4  }
0x10d: {  	s3 =	simm.s32 $0xE0;
	s4 =	sand.u32 @!p0 $0x7, s4;
	s5 =	sadd.s32 @!p0 s1, s5  }
0x10e: {  	[hbm4b:s5+s4] =	stream.linear.scatter @!p0 [tilespmem:s3], [sflag:$0x5], $0x1, $0x38;
	[tilespmem:$0x2520] =	vst v63  }
0x10f: {  	s5 =	simm.s32 $0x0  }
0x110: {  	s4 =	simm.s32 $0xC1;
	s5 =	simm.s32 @!p0 $0x4  }
.LBB2_25:
0x111: {  	v0 =	vld.msk [tilespmem:s4+$0x0], $0x1;
	s2 =	sadd.s32 $0xFFFFFFFF, s2;
	s0 =	sadd.s32 s0, s5  }
0x112: {  	p0 =	sne.s32 s2, $0x0;
	_ =	sdelay $0x3  }
0x113: {  	(v2sf) =	vpush v0, $0x0;
	_ =	sdelay $0xe  }
.Ltmp19:
0x114: {  	s6 =	spop (v2sf);
	(pc) =	sbr.rel @p0 .LBB2_25-.Ltmp19, $4  }
0x115: {  	s5 =	simm.s32 $0x0;
	p1 =	sgt.u32 s6, $0x187FF  }
0x116: {  	s3 =	sadd.s32 $0x1, s3;
	s5 =	simm.s32 @!p1 $0x4;
	s7 =	sshrl.u32 @!p1 s6, $0x3  }
0x117: {  	s4 =	sadd.s32 $0x1, s4;
	s6 =	sand.u32 @!p1 $0x7, s6;
	s7 =	sadd.s32 @!p1 s1, s7  }
0x118: {  	[hbm4b:s7+s6] =	stream.linear.scatter @!p1 [tilespmem:s3], [sflag:$0x5], $0x1, $0x38;
	[tilespmem:$0x2520] =	vst v63  }
.LBB2_26:
0x119: {  	s0 =	sadd.s32 s0, s5  }
0x11a: {  	s0 =	sshrl.u32 s0, $0x2  }
.LBB2_27:
0x11b: {  	s1 =	simm.s32 $0x5  }
0x11c: {  	_ =	swait.ge [sflag:s1], s0  }
0x11d: {  	s28 =	ssub.s32 $0x0, s0;
	[sflag:s1] =	ssyncset.done $0x0  }
0x11e: {  	[sflag:s1] =	ssyncadd.s32 s28  }
0x11f: {  	[sflag:s1] =	ssyncpa.u1 $0x1  }
0x120: {  	s29 =	simm.s32 $0x1;
	_ =	sfence  }
0x121: {  	s30 =	simm.s32 $0x2;
	[sflag:s29] =	ssyncpa.u1 $0x1  }
0x122: {  	[sflag:s30] =	ssyncpa.u1 $0x1  }
0x123: {  	_ =	strace $0x9000004A  }
0x124: {  	[bflag:$0x2] =	sbarrier.arrive $0xFFFF  }
0x125: {  	s31 =	rddreg [dreg:$0x1]  }
0x126: {  	s0 =	sadd.s32 $0x100000, s31  }
0x127: {  	[sflag:s0] =	ssyncadd.tile.s32 $0x1;
	_ =	shalt  }
.Lfunc_end2:
_tile_overlayer_lowered:
.L_overlay_start_2:
0x128: {  	(tag) =	ssettag $0x2  }
0x129: {  	s0 =	rddreg [dreg:$0x0];
	s2 =	stileid.u32  }
0x12a: {  	s1 =	rddreg [dreg:$0x1];
	p0 =	sne.s32 s2, $0x0  }
0x12b: {  	s3 =	rddreg [dreg:$0x2];
	[bflag:$0x3] =	sbarrier.arrive $0xFFFF;
	s2 =	simm.s32 @!p0 $0x1C01  }
0x12c: {  	[timem:s3], [sflag:s2] =	dma.local @!p0 [hbm:s0], s1  }
0x12d: {  	s0 =	simm.s32 @!p0 $0x1  }
0x12e: {  	_ =	swait.ge @!p0 [sflag:s0], s1  }
0x12f: {  	s1 =	ssub.s32 @!p0 $0x0, s1;
	[sflag:s0] =	ssyncset.done @!p0 $0x0  }
0x130: {  	[sflag:s0] =	ssyncadd.s32 @!p0 s1  }
0x131: {  	[bflag:$0x3] =	sbarrier.arrive $0xFFFF  }
0x132: {  	_ =	shalt  }

</sc_bundles>
